<compile_context>
chip_gen: v7x
topology: tpu7x:2x2x1
jax: 0.10.2.dev20260603
libtpu: 0.0.44.dev20260713+nightly
codegen_flags: <defaults>
</compile_context>

<pallas_src>
import jax
import jax.numpy as jnp
from jax import lax
from jax.experimental import pallas as pl
from jax.experimental.pallas import tpu as pltpu
from jax.experimental.pallas import tpu_sc as plsc

_NC = 2
_NS = 16
_CH = 128
_EPS = 1e-5


def _round_up(x, m):
    return (x + m - 1) // m * m



_DW = 128


def _sc_degree(dst2d, nacc, interpret=False):
    rows_total = dst2d.shape[0]
    rpt = rows_total // (_NC * _NS)
    spt = nacc // _NS
    mesh = plsc.VectorSubcoreMesh(core_axis_name="c", subcore_axis_name="s")

    def body(dst_hbm, ones_hbm, z_hbm, out_hbm, dst_s, ones_v, acc):
        cid = lax.axis_index("c")
        sid = lax.axis_index("s")
        base = (cid * _NS + sid) * rpt
        pltpu.sync_copy(dst_hbm.at[pl.ds(base, rpt)], dst_s)
        pltpu.sync_copy(ones_hbm, ones_v)
        pltpu.sync_copy(z_hbm, acc.at[pl.ds(sid * spt, spt)])
        plsc.subcore_barrier()

        def chunk(j, carry):
            pltpu.sync_copy(ones_v, acc.at[dst_s.at[j]], add=True)
            return carry

        lax.fori_loop(0, rpt, chunk, 0)
        plsc.subcore_barrier()
        pltpu.sync_copy(acc.at[pl.ds(sid * spt, spt)],
                        out_hbm.at[cid, pl.ds(sid * spt, spt)])

    ones = jnp.ones((_CH, _DW), jnp.float32)
    zrows = jnp.zeros((spt, _DW), jnp.float32)
    fn = pl.kernel(
        body,
        out_type=jax.ShapeDtypeStruct((_NC, nacc, _DW), jnp.float32),
        mesh=mesh,
        scratch_types=[
            pltpu.VMEM((rpt, _CH), jnp.int32),
            pltpu.VMEM((_CH, _DW), jnp.float32),
            pltpu.VMEM_SHARED((nacc, _DW), jnp.float32),
        ],
        interpret=interpret,
    )
    return fn(dst2d, ones, zrows)


def _sc_aggregate(src2d, dst2d, y0, y1, nacc, interpret=False):
    rows_total = src2d.shape[0]
    rpt = rows_total // _NS
    spt = nacc // _NS
    h2 = y0.shape[1]
    mesh = plsc.VectorSubcoreMesh(core_axis_name="c", subcore_axis_name="s")

    def body(src_hbm, dst_hbm, y0_hbm, y1_hbm, z_hbm, out_hbm,
             src_r, dst_r, rows_v, acc, isem, dsem, sem, ssem):
        cid = lax.axis_index("c")
        sid = lax.axis_index("s")
        base = sid * rpt
        pltpu.sync_copy(z_hbm, acc.at[pl.ds(sid * spt, spt)])
        plsc.subcore_barrier()

        def run(tbl):
            for k in range(2):
                pltpu.async_copy(src_hbm.at[base + k], src_r.at[k], isem)
                pltpu.async_copy(dst_hbm.at[base + k], dst_r.at[k], dsem)
            pltpu.make_async_copy(src_hbm.at[base], src_r.at[0], isem).wait()
            pltpu.async_copy(tbl.at[src_r.at[0]], rows_v.at[0], sem)

            def chunk(j, carry):
                r = lax.rem(j, 3)

                @pl.when(j >= 2)
                def _():
                    pltpu.make_async_copy(rows_v.at[0],
                                          acc.at[dst_r.at[0]], ssem).wait()

                @pl.when(j + 2 < rpt)
                def _():
                    pltpu.async_copy(src_hbm.at[base + j + 2],
                                     src_r.at[lax.rem(j + 2, 3)], isem)
                    pltpu.async_copy(dst_hbm.at[base + j + 2],
                                     dst_r.at[lax.rem(j + 2, 4)], dsem)

                @pl.when(j + 1 < rpt)
                def _():
                    pltpu.make_async_copy(src_hbm.at[base + j + 1],
                                          src_r.at[0], isem).wait()
                    nr = lax.rem(j + 1, 3)
                    pltpu.async_copy(tbl.at[src_r.at[nr]],
                                     rows_v.at[nr], sem)

                pltpu.make_async_copy(tbl.at[src_r.at[0]],
                                      rows_v.at[r], sem).wait()
                pltpu.make_async_copy(dst_hbm.at[base + j],
                                      dst_r.at[0], dsem).wait()
                pltpu.async_copy(rows_v.at[r], acc.at[dst_r.at[lax.rem(j, 4)]],
                                 ssem, add=True)
                return carry

            lax.fori_loop(0, rpt, chunk, 0)
            for _ in range(2):
                pltpu.make_async_copy(rows_v.at[0], acc.at[dst_r.at[0]],
                                      ssem).wait()

        @pl.when(cid == 0)
        def _():
            run(y0_hbm)

        @pl.when(cid == 1)
        def _():
            run(y1_hbm)

        plsc.subcore_barrier()
        pltpu.sync_copy(acc.at[pl.ds(sid * spt, spt)],
                        out_hbm.at[cid, pl.ds(sid * spt, spt)])

    zrows = jnp.zeros((spt, h2), jnp.float32)
    fn = pl.kernel(
        body,
        out_type=jax.ShapeDtypeStruct((_NC, nacc, h2), jnp.float32),
        mesh=mesh,
        scratch_types=[
            pltpu.VMEM((3, _CH), jnp.int32),
            pltpu.VMEM((4, _CH), jnp.int32),
            pltpu.VMEM((3, _CH, h2), jnp.float32),
            pltpu.VMEM_SHARED((nacc, h2), jnp.float32),
            pltpu.SemaphoreType.DMA,
            pltpu.SemaphoreType.DMA,
            pltpu.SemaphoreType.DMA,
            pltpu.SemaphoreType.DMA,
        ],
        interpret=interpret,
    )
    return fn(src2d, dst2d, y0, y1, zrows)



def _dinv_from(deg_ref, blk):
    deg = deg_ref[0][:, 0] + deg_ref[1][:, 0] + 1.0
    return lax.rsqrt(deg)


def _tc_matmul_plain(x, w, nblk, blk, interpret=False):
    n, d = x.shape
    h = w.shape[1]

    def body(x_ref, w_ref, y_ref):
        y_ref[...] = jnp.dot(x_ref[...], w_ref[...],
                             preferred_element_type=jnp.float32)

    return pl.pallas_call(
        body,
        grid=(nblk,),
        in_specs=[
            pl.BlockSpec((blk, d), lambda i: (i, 0)),
            pl.BlockSpec((d, h), lambda i: (0, 0)),
        ],
        out_specs=pl.BlockSpec((blk, h), lambda i: (i, 0)),
        out_shape=jax.ShapeDtypeStruct((n, h), jnp.float32),
        interpret=interpret,
    )(x, w)


def _tc_scale_split(xw, degp, nblk, blk, interpret=False):
    n, h = xw.shape
    h2 = h // 2

    def body(x_ref, deg_ref, y_ref):
        dinv = _dinv_from(deg_ref, blk)
        y = x_ref[...] * dinv[:, None]
        y_ref[0] = y[:, :h2]
        y_ref[1] = y[:, h2:]

    return pl.pallas_call(
        body,
        grid=(nblk,),
        in_specs=[
            pl.BlockSpec((blk, h), lambda i: (i, 0)),
            pl.BlockSpec((2, blk, _DW), lambda i: (0, i, 0)),
        ],
        out_specs=pl.BlockSpec((2, blk, h2), lambda i: (0, i, 0)),
        out_shape=jax.ShapeDtypeStruct((2, n, h2), jnp.float32),
        interpret=interpret,
    )(xw, degp)


def _tc_conv_stats(S, y, degp, bias2, nblk, blk, interpret=False):
    n = y.shape[1]
    h2 = y.shape[2]

    def body(s_ref, y_ref, deg_ref, b_ref, conv_ref, st_ref):
        i = pl.program_id(0)
        dinv = _dinv_from(deg_ref, blk)

        @pl.when(i == 0)
        def _():
            st_ref[...] = jnp.zeros_like(st_ref)

        for c in range(2):
            conv = (s_ref[c] + y_ref[c]) * dinv[:, None] + b_ref[c]
            conv_ref[c] = conv
            upd = jnp.concatenate(
                [jnp.sum(conv, axis=0)[None, :],
                 jnp.sum(conv * conv, axis=0)[None, :],
                 jnp.zeros((6, h2), jnp.float32)], axis=0)
            st_ref[c] = st_ref[c] + upd

    return pl.pallas_call(
        body,
        grid=(nblk,),
        in_specs=[
            pl.BlockSpec((2, blk, h2), lambda i: (0, i, 0)),
            pl.BlockSpec((2, blk, h2), lambda i: (0, i, 0)),
            pl.BlockSpec((2, blk, _DW), lambda i: (0, i, 0)),
            pl.BlockSpec((2, 1, h2), lambda i: (0, 0, 0)),
        ],
        out_specs=[
            pl.BlockSpec((2, blk, h2), lambda i: (0, i, 0)),
            pl.BlockSpec((2, 8, h2), lambda i: (0, 0, 0)),
        ],
        out_shape=[
            jax.ShapeDtypeStruct((2, n, h2), jnp.float32),
            jax.ShapeDtypeStruct((2, 8, h2), jnp.float32),
        ],
        interpret=interpret,
    )(S, y, degp, bias2)


def _bn_relu_halves(conv_ref, st_ref, g_ref, be_ref, n_nodes, h2):
    hs = []
    for c in range(2):
        mean = st_ref[c, 0:1, :] / n_nodes
        var = st_ref[c, 1:2, :] / n_nodes - mean * mean
        rstd = lax.rsqrt(var + _EPS)
        xn = (conv_ref[c] - mean) * rstd
        hs.append(jnp.maximum(xn * g_ref[c] + be_ref[c], 0.0))
    return jnp.concatenate(hs, axis=1)


def _tc_bn_matmul_scaled(conv, st, gam, bet, w, degp, n_nodes, nblk, blk,
                         interpret=False):
    n = conv.shape[1]
    h2 = conv.shape[2]

    def body(conv_ref, st_ref, g_ref, be_ref, w_ref, deg_ref, y_ref):
        dinv = _dinv_from(deg_ref, blk)
        hcat = _bn_relu_halves(conv_ref, st_ref, g_ref, be_ref, n_nodes, h2)
        y = jnp.dot(hcat, w_ref[...],
                    preferred_element_type=jnp.float32) * dinv[:, None]
        y_ref[0] = y[:, :h2]
        y_ref[1] = y[:, h2:]

    return pl.pallas_call(
        body,
        grid=(nblk,),
        in_specs=[
            pl.BlockSpec((2, blk, h2), lambda i: (0, i, 0)),
            pl.BlockSpec((2, 8, h2), lambda i: (0, 0, 0)),
            pl.BlockSpec((2, 1, h2), lambda i: (0, 0, 0)),
            pl.BlockSpec((2, 1, h2), lambda i: (0, 0, 0)),
            pl.BlockSpec((2 * h2, 2 * h2), lambda i: (0, 0)),
            pl.BlockSpec((2, blk, _DW), lambda i: (0, i, 0)),
        ],
        out_specs=pl.BlockSpec((2, blk, h2), lambda i: (0, i, 0)),
        out_shape=jax.ShapeDtypeStruct((2, n, h2), jnp.float32),
        interpret=interpret,
    )(conv, st, gam, bet, w, degp)


def _tc_bn_pool_head(conv, st, gam, bet, batch3, whp, bhp, n_nodes, n_graphs,
                     nblk, blk, interpret=False):
    h2 = conv.shape[2]
    hp = whp.shape[1]

    def body(conv_ref, st_ref, g_ref, be_ref, b3_ref, wh_ref, bh_ref,
             out_ref, psum, cnt):
        i = pl.program_id(0)
        hcat = _bn_relu_halves(conv_ref, st_ref, g_ref, be_ref, n_nodes, h2)
        bb = b3_ref[0, 0, :]
        oh = (bb[:, None] == lax.broadcasted_iota(
            jnp.int32, (blk, n_graphs), 1)).astype(jnp.float32)

        @pl.when(i == 0)
        def _():
            psum[...] = jnp.zeros_like(psum)
            cnt[...] = jnp.zeros_like(cnt)

        dn = (((0,), (0,)), ((), ()))
        psum[...] += lax.dot_general(oh, hcat, dn,
                                     preferred_element_type=jnp.float32)
        cnt[...] += lax.dot_general(oh, jnp.ones((blk, hp), jnp.float32), dn,
                                    preferred_element_type=jnp.float32)

        @pl.when(i == nblk - 1)
        def _():
            pooled = psum[...] / jnp.maximum(cnt[...][:, 0:1], 1.0)
            out_ref[...] = jnp.dot(pooled, wh_ref[...],
                                   preferred_element_type=jnp.float32) + bh_ref[...]

    return pl.pallas_call(
        body,
        grid=(nblk,),
        in_specs=[
            pl.BlockSpec((2, blk, h2), lambda i: (0, i, 0)),
            pl.BlockSpec((2, 8, h2), lambda i: (0, 0, 0)),
            pl.BlockSpec((2, 1, h2), lambda i: (0, 0, 0)),
            pl.BlockSpec((2, 1, h2), lambda i: (0, 0, 0)),
            pl.BlockSpec((1, 1, blk), lambda i: (i, 0, 0)),
            pl.BlockSpec((2 * h2, hp), lambda i: (0, 0)),
            pl.BlockSpec((1, hp), lambda i: (0, 0)),
        ],
        out_specs=pl.BlockSpec((n_graphs, hp), lambda i: (0, 0)),
        out_shape=jax.ShapeDtypeStruct((n_graphs, hp), jnp.float32),
        scratch_shapes=[
            pltpu.VMEM((n_graphs, 2 * h2), jnp.float32),
            pltpu.VMEM((n_graphs, hp), jnp.float32),
        ],
        interpret=interpret,
    )(conv, st, gam, bet, batch3, whp, bhp)



def kernel(graph_x, edge_index, batch, W1, b1, gamma1, beta1,
           W2, b2, gamma2, beta2, Wh, bh):
    n, d = graph_x.shape
    e = edge_index.shape[1]
    h = W1.shape[1]
    h2 = h // 2
    o = Wh.shape[1]
    n_graphs = 64
    blk = 400
    nblk = n // blk

    rows = _round_up(e, _CH * _NC * _NS) // _CH
    pad = rows * _CH - e
    nacc = _round_up(n + 1, 128)

    src = edge_index[0]
    dst = edge_index[1]
    src2d = jnp.concatenate(
        [src, jnp.zeros((pad,), src.dtype)]).reshape(rows, _CH)
    dst2d = jnp.concatenate(
        [dst, jnp.full((pad,), n, dst.dtype)]).reshape(rows, _CH)

    b1h = b1.reshape(2, 1, h2)
    g1h = gamma1.reshape(2, 1, h2)
    be1h = beta1.reshape(2, 1, h2)
    b2h = b2.reshape(2, 1, h2)
    g2h = gamma2.reshape(2, 1, h2)
    be2h = beta2.reshape(2, 1, h2)

    degp = _sc_degree(dst2d, nacc)

    xw1 = _tc_matmul_plain(graph_x.astype(jnp.float32), W1, nblk, blk)
    y1 = _tc_scale_split(xw1, degp, nblk, blk)
    S1 = _sc_aggregate(src2d, dst2d, y1[0], y1[1], nacc)
    c1, st1 = _tc_conv_stats(S1, y1, degp, b1h, nblk, blk)

    y2 = _tc_bn_matmul_scaled(c1, st1, g1h, be1h, W2, degp, float(n),
                              nblk, blk)
    S2 = _sc_aggregate(src2d, dst2d, y2[0], y2[1], nacc)
    c2, st2 = _tc_conv_stats(S2, y2, degp, b2h, nblk, blk)

    batch3 = batch.reshape(nblk, 1, blk)
    hp = 128
    whp = jnp.zeros((h, hp), jnp.float32).at[:, :o].set(Wh)
    bhp = jnp.zeros((1, hp), jnp.float32).at[0, :o].set(bh)
    outp = _tc_bn_pool_head(c2, st2, g2h, be2h, batch3, whp, bhp,
                            float(n), n_graphs, nblk, blk)
    return outp[:, :o]

# --- scband reference (transcript-rebuilt; emitter-appended) ---
"""Pipeline reference for scband-gnngraph-class-5368709120800 (READ-ONLY COPY).

The authoritative reference and input builder live on the scoring server;
editing this copy changes nothing except your own understanding.
"""

import jax, jax.numpy as jnp
import numpy as np

N = 10000
E = 160000
D = 256
H = 256
O = 10
G = 64


def setup_inputs(seed: int = 0) -> dict:
    key = jax.random.key(seed)
    ks = jax.random.split(key, 14)
    graph_x = jax.random.normal(ks[0], (N, D), dtype=jnp.float32)
    edge_index = jax.random.randint(ks[1], (2, E), 0, N, dtype=jnp.int32)
    batch = jnp.sort(jax.random.randint(ks[2], (N,), 0, G, dtype=jnp.int32))
    s = 1.0 / np.sqrt(D)
    W1 = jax.random.normal(ks[3], (D, H), dtype=jnp.float32) * s
    b1 = jnp.zeros((H,), dtype=jnp.float32)
    gamma1 = jnp.ones((H,), dtype=jnp.float32)
    beta1 = jnp.zeros((H,), dtype=jnp.float32)
    W2 = jax.random.normal(ks[4], (H, H), dtype=jnp.float32) * (1.0 / np.sqrt(H))
    b2 = jnp.zeros((H,), dtype=jnp.float32)
    gamma2 = jnp.ones((H,), dtype=jnp.float32)
    beta2 = jnp.zeros((H,), dtype=jnp.float32)
    Wh = jax.random.normal(ks[5], (H, O), dtype=jnp.float32) * (1.0 / np.sqrt(H))
    bh = jnp.zeros((O,), dtype=jnp.float32)
    return {"graph_x": graph_x, "edge_index": edge_index, "batch": batch,
            "W1": W1, "b1": b1, "gamma1": gamma1, "beta1": beta1,
            "W2": W2, "b2": b2, "gamma2": gamma2, "beta2": beta2,
            "Wh": Wh, "bh": bh}


def _gcn_conv(x, src, dst, norm, W, b):
    # GCNConv: x' = D^-1/2 (A+I) D^-1/2 (X W) + b
    xw = x @ W
    msg = xw[src] * norm[:, None]
    agg = jax.ops.segment_sum(msg, dst, num_segments=N)
    return agg + b


def _batchnorm_relu(x, gamma, beta, eps=1e-5):
    mu = jnp.mean(x, axis=0, keepdims=True)
    var = jnp.var(x, axis=0, keepdims=True)
    xn = (x - mu) / jnp.sqrt(var + eps)
    return jax.nn.relu(xn * gamma + beta)


def reference(graph_x, edge_index, batch, W1, b1, gamma1, beta1, W2, b2, gamma2, beta2, Wh, bh):
    x = graph_x.astype(jnp.float32)
    loop = jnp.arange(N, dtype=edge_index.dtype)
    src = jnp.concatenate([edge_index[0], loop])
    dst = jnp.concatenate([edge_index[1], loop])
    deg = jax.ops.segment_sum(jnp.ones_like(src, dtype=jnp.float32), dst, num_segments=N)
    dinv = jnp.where(deg > 0, 1.0 / jnp.sqrt(deg), 0.0)
    norm = dinv[src] * dinv[dst]
    h = _gcn_conv(x, src, dst, norm, W1, b1)
    h = _batchnorm_relu(h, gamma1, beta1)
    h = _gcn_conv(h, src, dst, norm, W2, b2)
    h = _batchnorm_relu(h, gamma2, beta2)
    # global_mean_pool over batch ids
    sums = jax.ops.segment_sum(h, batch, num_segments=G)
    counts = jax.ops.segment_sum(jnp.ones((N,), dtype=jnp.float32), batch, num_segments=G)
    pooled = sums / jnp.maximum(counts, 1.0)[:, None]
    # dropout treated as identity (eval/deterministic reference)
    out = pooled @ Wh + bh
    return out

if __name__ == "__main__":
    import jax
    _d = setup_inputs()
    print(jax.jit(kernel)(*tuple(_d.values())))

</pallas_src>

<mosaic_0001>
#map = affine_map<(d0, d1) -> (0, 0)>
#map1 = affine_map<(d0, d1) -> (0, 0, 0)>
module attributes {stable_mosaic.version = 14 : i64} {
  func.func @body(%arg0: i32, %arg1: i32, %arg2: memref<1280x128xi32, #tpu.memory_space<hbm>>, %arg3: memref<128x128xf32, #tpu.memory_space<hbm>>, %arg4: memref<632x128xf32, #tpu.memory_space<hbm>>, %arg5: memref<2x10112x128xf32, #tpu.memory_space<hbm>>, %arg6: memref<40x128xi32, #tpu.memory_space<vmem>>, %arg7: memref<128x128xf32, #tpu.memory_space<vmem>>, %arg8: memref<10112x128xf32, #tpu.memory_space<vmem_shared>>) attributes {dimension_semantics = [#tpu.dimension_semantics<core_parallel>, #tpu.dimension_semantics<subcore_parallel>], iteration_bounds = array<i64: 2, 16>, scalar_prefetch = 0 : i64, scratch_operands = 3 : i64, tpu.core_type = #tpu.core_type<sc_vector_subcore>, window_params = [{transform_indices = #map}, {transform_indices = #map}, {transform_indices = #map}, {transform_indices = #map1}]} {
    %mul3A = arith.constant 16 : i32
    %mul3A_0 = arith.muli %arg0, %mul3A : i32
    %add3A = arith.addi %mul3A_0, %arg1 : i32
    %mul3A_1 = arith.constant 40 : i32
    %mul3A_2 = arith.muli %add3A, %mul3A_1 : i32
    "tpu.region"() ({
      %run_scoped3A = tpu.sem_alloc : memref<!tpu.dma_semaphore, #tpu.memory_space<semaphore_mem>>
      %dma_start3A = arith.constant 0 : i32
      %dma_start3A_15 = tpu.memref_slice %arg2[%mul3A_2, %dma_start3A] : memref<1280x128xi32, #tpu.memory_space<hbm>> -> memref<40x128xi32, #tpu.memory_space<hbm>>
      %dma_start3A_16 = arith.constant 0 : i32
      %dma_start3A_17 = tpu.memref_slice %arg2[%mul3A_2, %dma_start3A_16] : memref<1280x128xi32, #tpu.memory_space<hbm>> -> memref<40x128xi32, #tpu.memory_space<hbm>>
      tpu.enqueue_dma source(%dma_start3A_17 : memref<40x128xi32, #tpu.memory_space<hbm>>) target(%arg6 : memref<40x128xi32, #tpu.memory_space<vmem>>) target_semaphore(%run_scoped3A : memref<!tpu.dma_semaphore, #tpu.memory_space<semaphore_mem>>)
      %dma_wait3A = arith.constant 0 : i32
      %dma_wait3A_18 = tpu.memref_slice %arg2[%mul3A_2, %dma_wait3A] : memref<1280x128xi32, #tpu.memory_space<hbm>> -> memref<40x128xi32, #tpu.memory_space<hbm>>
      %dma_wait3A_19 = arith.constant 0 : i32
      %dma_wait3A_20 = tpu.memref_slice %arg2[%mul3A_2, %dma_wait3A_19] : memref<1280x128xi32, #tpu.memory_space<hbm>> -> memref<40x128xi32, #tpu.memory_space<hbm>>
      tpu.wait_dma2 semaphore(%run_scoped3A : memref<!tpu.dma_semaphore, #tpu.memory_space<semaphore_mem>>) src(%dma_wait3A_20 : memref<40x128xi32, #tpu.memory_space<hbm>>) dst(%arg6 : memref<40x128xi32, #tpu.memory_space<vmem>>)
      tpu.yield
    }) : () -> ()
    "tpu.region"() ({
      %run_scoped3A = tpu.sem_alloc : memref<!tpu.dma_semaphore, #tpu.memory_space<semaphore_mem>>
      tpu.enqueue_dma source(%arg3 : memref<128x128xf32, #tpu.memory_space<hbm>>) target(%arg7 : memref<128x128xf32, #tpu.memory_space<vmem>>) target_semaphore(%run_scoped3A : memref<!tpu.dma_semaphore, #tpu.memory_space<semaphore_mem>>)
      tpu.wait_dma2 semaphore(%run_scoped3A : memref<!tpu.dma_semaphore, #tpu.memory_space<semaphore_mem>>) src(%arg3 : memref<128x128xf32, #tpu.memory_space<hbm>>) dst(%arg7 : memref<128x128xf32, #tpu.memory_space<vmem>>)
      tpu.yield
    }) : () -> ()
    %mul3A_3 = arith.constant 632 : i32
    %mul3A_4 = arith.muli %arg1, %mul3A_3 : i32
    "tpu.region"() ({
      %run_scoped3A = tpu.sem_alloc : memref<!tpu.dma_semaphore, #tpu.memory_space<semaphore_mem>>
      %dma_start3A = arith.constant 0 : i32
      %dma_start3A_15 = tpu.memref_slice %arg8[%mul3A_4, %dma_start3A] : memref<10112x128xf32, #tpu.memory_space<vmem_shared>> -> memref<632x128xf32, #tpu.memory_space<vmem_shared>>
      tpu.enqueue_dma source(%arg4 : memref<632x128xf32, #tpu.memory_space<hbm>>) target(%dma_start3A_15 : memref<632x128xf32, #tpu.memory_space<vmem_shared>>) target_semaphore(%run_scoped3A : memref<!tpu.dma_semaphore, #tpu.memory_space<semaphore_mem>>)
      %dma_wait3A = arith.constant 0 : i32
      %dma_wait3A_16 = tpu.memref_slice %arg8[%mul3A_4, %dma_wait3A] : memref<10112x128xf32, #tpu.memory_space<vmem_shared>> -> memref<632x128xf32, #tpu.memory_space<vmem_shared>>
      tpu.wait_dma2 semaphore(%run_scoped3A : memref<!tpu.dma_semaphore, #tpu.memory_space<semaphore_mem>>) src(%arg4 : memref<632x128xf32, #tpu.memory_space<hbm>>) dst(%dma_wait3A_16 : memref<632x128xf32, #tpu.memory_space<vmem_shared>>)
      tpu.yield
    }) : () -> ()
    %barrier3A = arith.constant 0 : index
    tpu.barrier barrier_id(%barrier3A)
    %scan3A = arith.constant 0 : i32
    %scan3A_5 = arith.constant 0 : i32
    %scan3A_6 = arith.constant 40 : i32
    %scan3A_7 = arith.addi %scan3A_5, %scan3A_6 : i32
    %scan3A_8 = arith.constant 1 : i32
    scf.for %scan3A_15 = %scan3A_5 to %scan3A_7 step %scan3A_8  : i32 {
      "tpu.region"() ({
        %run_scoped3A = tpu.sem_alloc : memref<!tpu.dma_semaphore, #tpu.memory_space<semaphore_mem>>
        %dma_start3A = arith.constant 0 : i32
        %dma_start3A_16 = tpu.memref_slice %arg6[%scan3A_15, %dma_start3A] : memref<40x128xi32, #tpu.memory_space<vmem>> -> memref<1x128xi32, #tpu.memory_space<vmem>>
        %dma_start3A_17 = tpu.memref_squeeze %dma_start3A_16 : memref<1x128xi32, #tpu.memory_space<vmem>> -> memref<128xi32, #tpu.memory_space<vmem>>
        %dma_start3A_18 = arith.constant 0 : i32
        %dma_start3A_19 = arith.constant 0 : i32
        %dma_start3A_20 = tpu.memref_slice %arg8[%dma_start3A_18, %dma_start3A_19] : memref<10112x128xf32, #tpu.memory_space<vmem_shared>> -> memref<10112x128xf32, #tpu.memory_space<vmem_shared>>
        tpu.enqueue_indirect_dma source(%arg7 : memref<128x128xf32, #tpu.memory_space<vmem>>) target(%dma_start3A_20 : memref<10112x128xf32, #tpu.memory_space<vmem_shared>>) offsets(%dma_start3A_17 : memref<128xi32, #tpu.memory_space<vmem>>) semaphore(%run_scoped3A : memref<!tpu.dma_semaphore, #tpu.memory_space<semaphore_mem>>) {add = true}
        %dma_wait3A = arith.constant 0 : i32
        %dma_wait3A_21 = tpu.memref_slice %arg6[%scan3A_15, %dma_wait3A] : memref<40x128xi32, #tpu.memory_space<vmem>> -> memref<1x128xi32, #tpu.memory_space<vmem>>
        %dma_wait3A_22 = tpu.memref_squeeze %dma_wait3A_21 : memref<1x128xi32, #tpu.memory_space<vmem>> -> memref<128xi32, #tpu.memory_space<vmem>>
        %dma_wait3A_23 = arith.constant 0 : i32
        %dma_wait3A_24 = arith.constant 0 : i32
        %dma_wait3A_25 = tpu.memref_slice %arg8[%dma_wait3A_23, %dma_wait3A_24] : memref<10112x128xf32, #tpu.memory_space<vmem_shared>> -> memref<10112x128xf32, #tpu.memory_space<vmem_shared>>
        tpu.wait_indirect_dma semaphore(%run_scoped3A : memref<!tpu.dma_semaphore, #tpu.memory_space<semaphore_mem>>) src(%arg7 : memref<128x128xf32, #tpu.memory_space<vmem>>) dst(%dma_wait3A_25 : memref<10112x128xf32, #tpu.memory_space<vmem_shared>>)
        tpu.yield
      }) : () -> ()
    }
    %scan3A_9 = arith.constant 40 : i32
    %barrier3A_10 = arith.constant 0 : index
    tpu.barrier barrier_id(%barrier3A_10)
    %mul3A_11 = arith.constant 632 : i32
    %mul3A_12 = arith.muli %arg1, %mul3A_11 : i32
    %mul3A_13 = arith.constant 632 : i32
    %mul3A_14 = arith.muli %arg1, %mul3A_13 : i32
    "tpu.region"() ({
      %run_scoped3A = tpu.sem_alloc : memref<!tpu.dma_semaphore, #tpu.memory_space<semaphore_mem>>
      %dma_start3A = arith.constant 0 : i32
      %dma_start3A_15 = tpu.memref_slice %arg5[%arg0, %mul3A_14, %dma_start3A] : memref<2x10112x128xf32, #tpu.memory_space<hbm>> -> memref<1x632x128xf32, #tpu.memory_space<hbm>>
      %dma_start3A_16 = tpu.memref_squeeze %dma_start3A_15 : memref<1x632x128xf32, #tpu.memory_space<hbm>> -> memref<632x128xf32, #tpu.memory_space<hbm>>
      %dma_start3A_17 = arith.constant 0 : i32
      %dma_start3A_18 = tpu.memref_slice %arg8[%mul3A_12, %dma_start3A_17] : memref<10112x128xf32, #tpu.memory_space<vmem_shared>> -> memref<632x128xf32, #tpu.memory_space<vmem_shared>>
      tpu.enqueue_dma source(%dma_start3A_18 : memref<632x128xf32, #tpu.memory_space<vmem_shared>>) target(%dma_start3A_16 : memref<632x128xf32, #tpu.memory_space<hbm>>) target_semaphore(%run_scoped3A : memref<!tpu.dma_semaphore, #tpu.memory_space<semaphore_mem>>)
      %dma_wait3A = arith.constant 0 : i32
      %dma_wait3A_19 = tpu.memref_slice %arg5[%arg0, %mul3A_14, %dma_wait3A] : memref<2x10112x128xf32, #tpu.memory_space<hbm>> -> memref<1x632x128xf32, #tpu.memory_space<hbm>>
      %dma_wait3A_20 = tpu.memref_squeeze %dma_wait3A_19 : memref<1x632x128xf32, #tpu.memory_space<hbm>> -> memref<632x128xf32, #tpu.memory_space<hbm>>
      %dma_wait3A_21 = arith.constant 0 : i32
      %dma_wait3A_22 = tpu.memref_slice %arg8[%mul3A_12, %dma_wait3A_21] : memref<10112x128xf32, #tpu.memory_space<vmem_shared>> -> memref<632x128xf32, #tpu.memory_space<vmem_shared>>
      tpu.wait_dma2 semaphore(%run_scoped3A : memref<!tpu.dma_semaphore, #tpu.memory_space<semaphore_mem>>) src(%dma_wait3A_22 : memref<632x128xf32, #tpu.memory_space<vmem_shared>>) dst(%dma_wait3A_20 : memref<632x128xf32, #tpu.memory_space<hbm>>)
      tpu.yield
    }) : () -> ()
    return
  }
}

#map = affine_map<(d0, d1) -> (0, 0)>
#map1 = affine_map<(d0, d1) -> (0, 0, 0)>
module attributes {stable_mosaic.version = 14 : i64} {
  func.func @body(%arg0: i32, %arg1: i32, %arg2: memref<1280x128xi32, #tpu.memory_space<hbm>>, %arg3: memref<1280x128xi32, #tpu.memory_space<hbm>>, %arg4: memref<10000x128xf32, #tpu.memory_space<hbm>>, %arg5: memref<10000x128xf32, #tpu.memory_space<hbm>>, %arg6: memref<632x128xf32, #tpu.memory_space<hbm>>, %arg7: memref<2x10112x128xf32, #tpu.memory_space<hbm>>, %arg8: memref<3x128xi32, #tpu.memory_space<vmem>>, %arg9: memref<4x128xi32, #tpu.memory_space<vmem>>, %arg10: memref<3x128x128xf32, #tpu.memory_space<vmem>>, %arg11: memref<10112x128xf32, #tpu.memory_space<vmem_shared>>, %arg12: memref<!tpu.dma_semaphore, #tpu.memory_space<semaphore_mem>>, %arg13: memref<!tpu.dma_semaphore, #tpu.memory_space<semaphore_mem>>, %arg14: memref<!tpu.dma_semaphore, #tpu.memory_space<semaphore_mem>>, %arg15: memref<!tpu.dma_semaphore, #tpu.memory_space<semaphore_mem>>) attributes {dimension_semantics = [#tpu.dimension_semantics<core_parallel>, #tpu.dimension_semantics<subcore_parallel>], iteration_bounds = array<i64: 2, 16>, scalar_prefetch = 0 : i64, scratch_operands = 8 : i64, tpu.core_type = #tpu.core_type<sc_vector_subcore>, window_params = [{transform_indices = #map}, {transform_indices = #map}, {transform_indices = #map}, {transform_indices = #map}, {transform_indices = #map}, {transform_indices = #map1}]} {
    %mul3A = arith.constant 80 : i32
    %mul3A_0 = arith.muli %arg1, %mul3A : i32
    %mul3A_1 = arith.constant 632 : i32
    %mul3A_2 = arith.muli %arg1, %mul3A_1 : i32
    "tpu.region"() ({
      %run_scoped3A = tpu.sem_alloc : memref<!tpu.dma_semaphore, #tpu.memory_space<semaphore_mem>>
      %dma_start3A = arith.constant 0 : i32
      %dma_start3A_15 = tpu.memref_slice %arg11[%mul3A_2, %dma_start3A] : memref<10112x128xf32, #tpu.memory_space<vmem_shared>> -> memref<632x128xf32, #tpu.memory_space<vmem_shared>>
      tpu.enqueue_dma source(%arg6 : memref<632x128xf32, #tpu.memory_space<hbm>>) target(%dma_start3A_15 : memref<632x128xf32, #tpu.memory_space<vmem_shared>>) target_semaphore(%run_scoped3A : memref<!tpu.dma_semaphore, #tpu.memory_space<semaphore_mem>>)
      %dma_wait3A = arith.constant 0 : i32
      %dma_wait3A_16 = tpu.memref_slice %arg11[%mul3A_2, %dma_wait3A] : memref<10112x128xf32, #tpu.memory_space<vmem_shared>> -> memref<632x128xf32, #tpu.memory_space<vmem_shared>>
      tpu.wait_dma2 semaphore(%run_scoped3A : memref<!tpu.dma_semaphore, #tpu.memory_space<semaphore_mem>>) src(%arg6 : memref<632x128xf32, #tpu.memory_space<hbm>>) dst(%dma_wait3A_16 : memref<632x128xf32, #tpu.memory_space<vmem_shared>>)
      tpu.yield
    }) : () -> ()
    %barrier3A = arith.constant 0 : index
    tpu.barrier barrier_id(%barrier3A)
    %eq3A = arith.constant 0 : i32
    %eq3A_3 = arith.cmpi eq, %arg0, %eq3A : i32
    %convert_element_type3A = arith.extui %eq3A_3 : i1 to i32
    %cond3A = arith.constant 0 : i32
    %cond3A_4 = arith.cmpi ne, %convert_element_type3A, %cond3A : i32
    scf.if %cond3A_4 {
      %add3A = arith.constant 0 : i32
      %add3A_15 = arith.addi %mul3A_0, %add3A : i32
      %dma_start3A = arith.constant 0 : i32
      %dma_start3A_16 = arith.constant 0 : i32
      %dma_start3A_17 = tpu.memref_slice %arg8[%dma_start3A, %dma_start3A_16] : memref<3x128xi32, #tpu.memory_space<vmem>> -> memref<1x128xi32, #tpu.memory_space<vmem>>
      %dma_start3A_18 = tpu.memref_squeeze %dma_start3A_17 : memref<1x128xi32, #tpu.memory_space<vmem>> -> memref<128xi32, #tpu.memory_space<vmem>>
      %dma_start3A_19 = arith.constant 0 : i32
      %dma_start3A_20 = tpu.memref_slice %arg2[%add3A_15, %dma_start3A_19] : memref<1280x128xi32, #tpu.memory_space<hbm>> -> memref<1x128xi32, #tpu.memory_space<hbm>>
      %dma_start3A_21 = tpu.memref_squeeze %dma_start3A_20 : memref<1x128xi32, #tpu.memory_space<hbm>> -> memref<128xi32, #tpu.memory_space<hbm>>
      %dma_start3A_22 = arith.constant 0 : i32
      %dma_start3A_23 = tpu.memref_slice %arg8[%dma_start3A, %dma_start3A_22] : memref<3x128xi32, #tpu.memory_space<vmem>> -> memref<1x128xi32, #tpu.memory_space<vmem>>
      %dma_start3A_24 = tpu.memref_squeeze %dma_start3A_23 : memref<1x128xi32, #tpu.memory_space<vmem>> -> memref<128xi32, #tpu.memory_space<vmem>>
      %dma_start3A_25 = arith.constant 0 : i32
      %dma_start3A_26 = tpu.memref_slice %arg2[%add3A_15, %dma_start3A_25] : memref<1280x128xi32, #tpu.memory_space<hbm>> -> memref<1x128xi32, #tpu.memory_space<hbm>>
      %dma_start3A_27 = tpu.memref_squeeze %dma_start3A_26 : memref<1x128xi32, #tpu.memory_space<hbm>> -> memref<128xi32, #tpu.memory_space<hbm>>
      tpu.enqueue_dma source(%dma_start3A_27 : memref<128xi32, #tpu.memory_space<hbm>>) target(%dma_start3A_24 : memref<128xi32, #tpu.memory_space<vmem>>) target_semaphore(%arg12 : memref<!tpu.dma_semaphore, #tpu.memory_space<semaphore_mem>>)
      %add3A_28 = arith.constant 0 : i32
      %add3A_29 = arith.addi %mul3A_0, %add3A_28 : i32
      %dma_start3A_30 = arith.constant 0 : i32
      %dma_start3A_31 = arith.constant 0 : i32
      %dma_start3A_32 = tpu.memref_slice %arg9[%dma_start3A_30, %dma_start3A_31] : memref<4x128xi32, #tpu.memory_space<vmem>> -> memref<1x128xi32, #tpu.memory_space<vmem>>
      %dma_start3A_33 = tpu.memref_squeeze %dma_start3A_32 : memref<1x128xi32, #tpu.memory_space<vmem>> -> memref<128xi32, #tpu.memory_space<vmem>>
      %dma_start3A_34 = arith.constant 0 : i32
      %dma_start3A_35 = tpu.memref_slice %arg3[%add3A_29, %dma_start3A_34] : memref<1280x128xi32, #tpu.memory_space<hbm>> -> memref<1x128xi32, #tpu.memory_space<hbm>>
      %dma_start3A_36 = tpu.memref_squeeze %dma_start3A_35 : memref<1x128xi32, #tpu.memory_space<hbm>> -> memref<128xi32, #tpu.memory_space<hbm>>
      %dma_start3A_37 = arith.constant 0 : i32
      %dma_start3A_38 = tpu.memref_slice %arg9[%dma_start3A_30, %dma_start3A_37] : memref<4x128xi32, #tpu.memory_space<vmem>> -> memref<1x128xi32, #tpu.memory_space<vmem>>
      %dma_start3A_39 = tpu.memref_squeeze %dma_start3A_38 : memref<1x128xi32, #tpu.memory_space<vmem>> -> memref<128xi32, #tpu.memory_space<vmem>>
      %dma_start3A_40 = arith.constant 0 : i32
      %dma_start3A_41 = tpu.memref_slice %arg3[%add3A_29, %dma_start3A_40] : memref<1280x128xi32, #tpu.memory_space<hbm>> -> memref<1x128xi32, #tpu.memory_space<hbm>>
      %dma_start3A_42 = tpu.memref_squeeze %dma_start3A_41 : memref<1x128xi32, #tpu.memory_space<hbm>> -> memref<128xi32, #tpu.memory_space<hbm>>
      tpu.enqueue_dma source(%dma_start3A_42 : memref<128xi32, #tpu.memory_space<hbm>>) target(%dma_start3A_39 : memref<128xi32, #tpu.memory_space<vmem>>) target_semaphore(%arg13 : memref<!tpu.dma_semaphore, #tpu.memory_space<semaphore_mem>>)
      %add3A_43 = arith.constant 1 : i32
      %add3A_44 = arith.addi %mul3A_0, %add3A_43 : i32
      %dma_start3A_45 = arith.constant 1 : i32
      %dma_start3A_46 = arith.constant 0 : i32
      %dma_start3A_47 = tpu.memref_slice %arg8[%dma_start3A_45, %dma_start3A_46] : memref<3x128xi32, #tpu.memory_space<vmem>> -> memref<1x128xi32, #tpu.memory_space<vmem>>
      %dma_start3A_48 = tpu.memref_squeeze %dma_start3A_47 : memref<1x128xi32, #tpu.memory_space<vmem>> -> memref<128xi32, #tpu.memory_space<vmem>>
      %dma_start3A_49 = arith.constant 0 : i32
      %dma_start3A_50 = tpu.memref_slice %arg2[%add3A_44, %dma_start3A_49] : memref<1280x128xi32, #tpu.memory_space<hbm>> -> memref<1x128xi32, #tpu.memory_space<hbm>>
      %dma_start3A_51 = tpu.memref_squeeze %dma_start3A_50 : memref<1x128xi32, #tpu.memory_space<hbm>> -> memref<128xi32, #tpu.memory_space<hbm>>
      %dma_start3A_52 = arith.constant 0 : i32
      %dma_start3A_53 = tpu.memref_slice %arg8[%dma_start3A_45, %dma_start3A_52] : memref<3x128xi32, #tpu.memory_space<vmem>> -> memref<1x128xi32, #tpu.memory_space<vmem>>
      %dma_start3A_54 = tpu.memref_squeeze %dma_start3A_53 : memref<1x128xi32, #tpu.memory_space<vmem>> -> memref<128xi32, #tpu.memory_space<vmem>>
      %dma_start3A_55 = arith.constant 0 : i32
      %dma_start3A_56 = tpu.memref_slice %arg2[%add3A_44, %dma_start3A_55] : memref<1280x128xi32, #tpu.memory_space<hbm>> -> memref<1x128xi32, #tpu.memory_space<hbm>>
      %dma_start3A_57 = tpu.memref_squeeze %dma_start3A_56 : memref<1x128xi32, #tpu.memory_space<hbm>> -> memref<128xi32, #tpu.memory_space<hbm>>
      tpu.enqueue_dma source(%dma_start3A_57 : memref<128xi32, #tpu.memory_space<hbm>>) target(%dma_start3A_54 : memref<128xi32, #tpu.memory_space<vmem>>) target_semaphore(%arg12 : memref<!tpu.dma_semaphore, #tpu.memory_space<semaphore_mem>>)
      %add3A_58 = arith.constant 1 : i32
      %add3A_59 = arith.addi %mul3A_0, %add3A_58 : i32
      %dma_start3A_60 = arith.constant 1 : i32
      %dma_start3A_61 = arith.constant 0 : i32
      %dma_start3A_62 = tpu.memref_slice %arg9[%dma_start3A_60, %dma_start3A_61] : memref<4x128xi32, #tpu.memory_space<vmem>> -> memref<1x128xi32, #tpu.memory_space<vmem>>
      %dma_start3A_63 = tpu.memref_squeeze %dma_start3A_62 : memref<1x128xi32, #tpu.memory_space<vmem>> -> memref<128xi32, #tpu.memory_space<vmem>>
      %dma_start3A_64 = arith.constant 0 : i32
      %dma_start3A_65 = tpu.memref_slice %arg3[%add3A_59, %dma_start3A_64] : memref<1280x128xi32, #tpu.memory_space<hbm>> -> memref<1x128xi32, #tpu.memory_space<hbm>>
      %dma_start3A_66 = tpu.memref_squeeze %dma_start3A_65 : memref<1x128xi32, #tpu.memory_space<hbm>> -> memref<128xi32, #tpu.memory_space<hbm>>
      %dma_start3A_67 = arith.constant 0 : i32
      %dma_start3A_68 = tpu.memref_slice %arg9[%dma_start3A_60, %dma_start3A_67] : memref<4x128xi32, #tpu.memory_space<vmem>> -> memref<1x128xi32, #tpu.memory_space<vmem>>
      %dma_start3A_69 = tpu.memref_squeeze %dma_start3A_68 : memref<1x128xi32, #tpu.memory_space<vmem>> -> memref<128xi32, #tpu.memory_space<vmem>>
      %dma_start3A_70 = arith.constant 0 : i32
      %dma_start3A_71 = tpu.memref_slice %arg3[%add3A_59, %dma_start3A_70] : memref<1280x128xi32, #tpu.memory_space<hbm>> -> memref<1x128xi32, #tpu.memory_space<hbm>>
      %dma_start3A_72 = tpu.memref_squeeze %dma_start3A_71 : memref<1x128xi32, #tpu.memory_space<hbm>> -> memref<128xi32, #tpu.memory_space<hbm>>
      tpu.enqueue_dma source(%dma_start3A_72 : memref<128xi32, #tpu.memory_space<hbm>>) target(%dma_start3A_69 : memref<128xi32, #tpu.memory_space<vmem>>) target_semaphore(%arg13 : memref<!tpu.dma_semaphore, #tpu.memory_space<semaphore_mem>>)
      %dma_wait3A = arith.constant 0 : i32
      %dma_wait3A_73 = arith.constant 0 : i32
      %dma_wait3A_74 = tpu.memref_slice %arg8[%dma_wait3A, %dma_wait3A_73] : memref<3x128xi32, #tpu.memory_space<vmem>> -> memref<1x128xi32, #tpu.memory_space<vmem>>
      %dma_wait3A_75 = tpu.memref_squeeze %dma_wait3A_74 : memref<1x128xi32, #tpu.memory_space<vmem>> -> memref<128xi32, #tpu.memory_space<vmem>>
      %dma_wait3A_76 = arith.constant 0 : i32
      %dma_wait3A_77 = tpu.memref_slice %arg2[%mul3A_0, %dma_wait3A_76] : memref<1280x128xi32, #tpu.memory_space<hbm>> -> memref<1x128xi32, #tpu.memory_space<hbm>>
      %dma_wait3A_78 = tpu.memref_squeeze %dma_wait3A_77 : memref<1x128xi32, #tpu.memory_space<hbm>> -> memref<128xi32, #tpu.memory_space<hbm>>
      %dma_wait3A_79 = arith.constant 0 : i32
      %dma_wait3A_80 = tpu.memref_slice %arg8[%dma_wait3A, %dma_wait3A_79] : memref<3x128xi32, #tpu.memory_space<vmem>> -> memref<1x128xi32, #tpu.memory_space<vmem>>
      %dma_wait3A_81 = tpu.memref_squeeze %dma_wait3A_80 : memref<1x128xi32, #tpu.memory_space<vmem>> -> memref<128xi32, #tpu.memory_space<vmem>>
      %dma_wait3A_82 = arith.constant 0 : i32
      %dma_wait3A_83 = tpu.memref_slice %arg2[%mul3A_0, %dma_wait3A_82] : memref<1280x128xi32, #tpu.memory_space<hbm>> -> memref<1x128xi32, #tpu.memory_space<hbm>>
      %dma_wait3A_84 = tpu.memref_squeeze %dma_wait3A_83 : memref<1x128xi32, #tpu.memory_space<hbm>> -> memref<128xi32, #tpu.memory_space<hbm>>
      tpu.wait_dma2 semaphore(%arg12 : memref<!tpu.dma_semaphore, #tpu.memory_space<semaphore_mem>>) src(%dma_wait3A_84 : memref<128xi32, #tpu.memory_space<hbm>>) dst(%dma_wait3A_81 : memref<128xi32, #tpu.memory_space<vmem>>)
      %dma_start3A_85 = arith.constant 0 : i32
      %dma_start3A_86 = arith.constant 0 : i32
      %dma_start3A_87 = arith.constant 0 : i32
      %dma_start3A_88 = arith.constant 0 : i32
      %dma_start3A_89 = tpu.memref_slice %arg10[%dma_start3A_86, %dma_start3A_87, %dma_start3A_88] : memref<3x128x128xf32, #tpu.memory_space<vmem>> -> memref<1x128x128xf32, #tpu.memory_space<vmem>>
      %dma_start3A_90 = tpu.memref_squeeze %dma_start3A_89 : memref<1x128x128xf32, #tpu.memory_space<vmem>> -> memref<128x128xf32, #tpu.memory_space<vmem>>
      %dma_start3A_91 = arith.constant 0 : i32
      %dma_start3A_92 = tpu.memref_slice %arg8[%dma_start3A_85, %dma_start3A_91] : memref<3x128xi32, #tpu.memory_space<vmem>> -> memref<1x128xi32, #tpu.memory_space<vmem>>
      %dma_start3A_93 = tpu.memref_squeeze %dma_start3A_92 : memref<1x128xi32, #tpu.memory_space<vmem>> -> memref<128xi32, #tpu.memory_space<vmem>>
      %dma_start3A_94 = arith.constant 0 : i32
      %dma_start3A_95 = arith.constant 0 : i32
      %dma_start3A_96 = tpu.memref_slice %arg4[%dma_start3A_94, %dma_start3A_95] : memref<10000x128xf32, #tpu.memory_space<hbm>> -> memref<10000x128xf32, #tpu.memory_space<hbm>>
      tpu.enqueue_indirect_dma source(%dma_start3A_96 : memref<10000x128xf32, #tpu.memory_space<hbm>>) target(%dma_start3A_90 : memref<128x128xf32, #tpu.memory_space<vmem>>) offsets(%dma_start3A_93 : memref<128xi32, #tpu.memory_space<vmem>>) semaphore(%arg14 : memref<!tpu.dma_semaphore, #tpu.memory_space<semaphore_mem>>)
      %scan3A = arith.constant 0 : i32
      %scan3A_97 = arith.constant 0 : i32
      %scan3A_98 = arith.constant 80 : i32
      %scan3A_99 = arith.addi %scan3A_97, %scan3A_98 : i32
      %scan3A_100 = arith.constant 1 : i32
      scf.for %scan3A_126 = %scan3A_97 to %scan3A_99 step %scan3A_100  : i32 {
        %rem3A = arith.constant 3 : i32
        %rem3A_127 = arith.remsi %scan3A_126, %rem3A : i32
        %ge3A = arith.constant 2 : i32
        %ge3A_128 = arith.cmpi sge, %scan3A_126, %ge3A : i32
        %convert_element_type3A_129 = arith.extui %ge3A_128 : i1 to i32
        %cond3A_130 = arith.constant 0 : i32
        %cond3A_131 = arith.cmpi ne, %convert_element_type3A_129, %cond3A_130 : i32
        scf.if %cond3A_131 {
          %dma_wait3A_182 = arith.constant 0 : i32
          %dma_wait3A_183 = arith.constant 0 : i32
          %dma_wait3A_184 = arith.constant 0 : i32
          %dma_wait3A_185 = arith.constant 0 : i32
          %dma_wait3A_186 = tpu.memref_slice %arg10[%dma_wait3A_182, %dma_wait3A_184, %dma_wait3A_185] : memref<3x128x128xf32, #tpu.memory_space<vmem>> -> memref<1x128x128xf32, #tpu.memory_space<vmem>>
          %dma_wait3A_187 = tpu.memref_squeeze %dma_wait3A_186 : memref<1x128x128xf32, #tpu.memory_space<vmem>> -> memref<128x128xf32, #tpu.memory_space<vmem>>
          %dma_wait3A_188 = arith.constant 0 : i32
          %dma_wait3A_189 = tpu.memref_slice %arg9[%dma_wait3A_183, %dma_wait3A_188] : memref<4x128xi32, #tpu.memory_space<vmem>> -> memref<1x128xi32, #tpu.memory_space<vmem>>
          %dma_wait3A_190 = tpu.memref_squeeze %dma_wait3A_189 : memref<1x128xi32, #tpu.memory_space<vmem>> -> memref<128xi32, #tpu.memory_space<vmem>>
          %dma_wait3A_191 = arith.constant 0 : i32
          %dma_wait3A_192 = arith.constant 0 : i32
          %dma_wait3A_193 = tpu.memref_slice %arg11[%dma_wait3A_191, %dma_wait3A_192] : memref<10112x128xf32, #tpu.memory_space<vmem_shared>> -> memref<10112x128xf32, #tpu.memory_space<vmem_shared>>
          tpu.wait_indirect_dma semaphore(%arg15 : memref<!tpu.dma_semaphore, #tpu.memory_space<semaphore_mem>>) src(%dma_wait3A_187 : memref<128x128xf32, #tpu.memory_space<vmem>>) dst(%dma_wait3A_193 : memref<10112x128xf32, #tpu.memory_space<vmem_shared>>)
        } else {
        }
        %add3A_132 = arith.constant 2 : i32
        %add3A_133 = arith.addi %scan3A_126, %add3A_132 : i32
        %lt3A = arith.constant 80 : i32
        %lt3A_134 = arith.cmpi slt, %add3A_133, %lt3A : i32
        %convert_element_type3A_135 = arith.extui %lt3A_134 : i1 to i32
        %cond3A_136 = arith.constant 0 : i32
        %cond3A_137 = arith.cmpi ne, %convert_element_type3A_135, %cond3A_136 : i32
        scf.if %cond3A_137 {
          %add3A_182 = arith.addi %mul3A_0, %scan3A_126 : i32
          %add3A_183 = arith.constant 2 : i32
          %add3A_184 = arith.addi %add3A_182, %add3A_183 : i32
          %add3A_185 = arith.constant 2 : i32
          %add3A_186 = arith.addi %scan3A_126, %add3A_185 : i32
          %rem3A_187 = arith.constant 3 : i32
          %rem3A_188 = arith.remsi %add3A_186, %rem3A_187 : i32
          %dma_start3A_189 = arith.constant 0 : i32
          %dma_start3A_190 = tpu.memref_slice %arg8[%rem3A_188, %dma_start3A_189] : memref<3x128xi32, #tpu.memory_space<vmem>> -> memref<1x128xi32, #tpu.memory_space<vmem>>
          %dma_start3A_191 = tpu.memref_squeeze %dma_start3A_190 : memref<1x128xi32, #tpu.memory_space<vmem>> -> memref<128xi32, #tpu.memory_space<vmem>>
          %dma_start3A_192 = arith.constant 0 : i32
          %dma_start3A_193 = tpu.memref_slice %arg2[%add3A_184, %dma_start3A_192] : memref<1280x128xi32, #tpu.memory_space<hbm>> -> memref<1x128xi32, #tpu.memory_space<hbm>>
          %dma_start3A_194 = tpu.memref_squeeze %dma_start3A_193 : memref<1x128xi32, #tpu.memory_space<hbm>> -> memref<128xi32, #tpu.memory_space<hbm>>
          %dma_start3A_195 = arith.constant 0 : i32
          %dma_start3A_196 = tpu.memref_slice %arg8[%rem3A_188, %dma_start3A_195] : memref<3x128xi32, #tpu.memory_space<vmem>> -> memref<1x128xi32, #tpu.memory_space<vmem>>
          %dma_start3A_197 = tpu.memref_squeeze %dma_start3A_196 : memref<1x128xi32, #tpu.memory_space<vmem>> -> memref<128xi32, #tpu.memory_space<vmem>>
          %dma_start3A_198 = arith.constant 0 : i32
          %dma_start3A_199 = tpu.memref_slice %arg2[%add3A_184, %dma_start3A_198] : memref<1280x128xi32, #tpu.memory_space<hbm>> -> memref<1x128xi32, #tpu.memory_space<hbm>>
          %dma_start3A_200 = tpu.memref_squeeze %dma_start3A_199 : memref<1x128xi32, #tpu.memory_space<hbm>> -> memref<128xi32, #tpu.memory_space<hbm>>
          tpu.enqueue_dma source(%dma_start3A_200 : memref<128xi32, #tpu.memory_space<hbm>>) target(%dma_start3A_197 : memref<128xi32, #tpu.memory_space<vmem>>) target_semaphore(%arg12 : memref<!tpu.dma_semaphore, #tpu.memory_space<semaphore_mem>>)
          %add3A_201 = arith.addi %mul3A_0, %scan3A_126 : i32
          %add3A_202 = arith.constant 2 : i32
          %add3A_203 = arith.addi %add3A_201, %add3A_202 : i32
          %add3A_204 = arith.constant 2 : i32
          %add3A_205 = arith.addi %scan3A_126, %add3A_204 : i32
          %rem3A_206 = arith.constant 4 : i32
          %rem3A_207 = arith.remsi %add3A_205, %rem3A_206 : i32
          %dma_start3A_208 = arith.constant 0 : i32
          %dma_start3A_209 = tpu.memref_slice %arg9[%rem3A_207, %dma_start3A_208] : memref<4x128xi32, #tpu.memory_space<vmem>> -> memref<1x128xi32, #tpu.memory_space<vmem>>
          %dma_start3A_210 = tpu.memref_squeeze %dma_start3A_209 : memref<1x128xi32, #tpu.memory_space<vmem>> -> memref<128xi32, #tpu.memory_space<vmem>>
          %dma_start3A_211 = arith.constant 0 : i32
          %dma_start3A_212 = tpu.memref_slice %arg3[%add3A_203, %dma_start3A_211] : memref<1280x128xi32, #tpu.memory_space<hbm>> -> memref<1x128xi32, #tpu.memory_space<hbm>>
          %dma_start3A_213 = tpu.memref_squeeze %dma_start3A_212 : memref<1x128xi32, #tpu.memory_space<hbm>> -> memref<128xi32, #tpu.memory_space<hbm>>
          %dma_start3A_214 = arith.constant 0 : i32
          %dma_start3A_215 = tpu.memref_slice %arg9[%rem3A_207, %dma_start3A_214] : memref<4x128xi32, #tpu.memory_space<vmem>> -> memref<1x128xi32, #tpu.memory_space<vmem>>
          %dma_start3A_216 = tpu.memref_squeeze %dma_start3A_215 : memref<1x128xi32, #tpu.memory_space<vmem>> -> memref<128xi32, #tpu.memory_space<vmem>>
          %dma_start3A_217 = arith.constant 0 : i32
          %dma_start3A_218 = tpu.memref_slice %arg3[%add3A_203, %dma_start3A_217] : memref<1280x128xi32, #tpu.memory_space<hbm>> -> memref<1x128xi32, #tpu.memory_space<hbm>>
          %dma_start3A_219 = tpu.memref_squeeze %dma_start3A_218 : memref<1x128xi32, #tpu.memory_space<hbm>> -> memref<128xi32, #tpu.memory_space<hbm>>
          tpu.enqueue_dma source(%dma_start3A_219 : memref<128xi32, #tpu.memory_space<hbm>>) target(%dma_start3A_216 : memref<128xi32, #tpu.memory_space<vmem>>) target_semaphore(%arg13 : memref<!tpu.dma_semaphore, #tpu.memory_space<semaphore_mem>>)
        } else {
        }
        %add3A_138 = arith.constant 1 : i32
        %add3A_139 = arith.addi %scan3A_126, %add3A_138 : i32
        %lt3A_140 = arith.constant 80 : i32
        %lt3A_141 = arith.cmpi slt, %add3A_139, %lt3A_140 : i32
        %convert_element_type3A_142 = arith.extui %lt3A_141 : i1 to i32
        %cond3A_143 = arith.constant 0 : i32
        %cond3A_144 = arith.cmpi ne, %convert_element_type3A_142, %cond3A_143 : i32
        scf.if %cond3A_144 {
          %add3A_182 = arith.addi %mul3A_0, %scan3A_126 : i32
          %add3A_183 = arith.constant 1 : i32
          %add3A_184 = arith.addi %add3A_182, %add3A_183 : i32
          %dma_wait3A_185 = arith.constant 0 : i32
          %dma_wait3A_186 = arith.constant 0 : i32
          %dma_wait3A_187 = tpu.memref_slice %arg8[%dma_wait3A_185, %dma_wait3A_186] : memref<3x128xi32, #tpu.memory_space<vmem>> -> memref<1x128xi32, #tpu.memory_space<vmem>>
          %dma_wait3A_188 = tpu.memref_squeeze %dma_wait3A_187 : memref<1x128xi32, #tpu.memory_space<vmem>> -> memref<128xi32, #tpu.memory_space<vmem>>
          %dma_wait3A_189 = arith.constant 0 : i32
          %dma_wait3A_190 = tpu.memref_slice %arg2[%add3A_184, %dma_wait3A_189] : memref<1280x128xi32, #tpu.memory_space<hbm>> -> memref<1x128xi32, #tpu.memory_space<hbm>>
          %dma_wait3A_191 = tpu.memref_squeeze %dma_wait3A_190 : memref<1x128xi32, #tpu.memory_space<hbm>> -> memref<128xi32, #tpu.memory_space<hbm>>
          %dma_wait3A_192 = arith.constant 0 : i32
          %dma_wait3A_193 = tpu.memref_slice %arg8[%dma_wait3A_185, %dma_wait3A_192] : memref<3x128xi32, #tpu.memory_space<vmem>> -> memref<1x128xi32, #tpu.memory_space<vmem>>
          %dma_wait3A_194 = tpu.memref_squeeze %dma_wait3A_193 : memref<1x128xi32, #tpu.memory_space<vmem>> -> memref<128xi32, #tpu.memory_space<vmem>>
          %dma_wait3A_195 = arith.constant 0 : i32
          %dma_wait3A_196 = tpu.memref_slice %arg2[%add3A_184, %dma_wait3A_195] : memref<1280x128xi32, #tpu.memory_space<hbm>> -> memref<1x128xi32, #tpu.memory_space<hbm>>
          %dma_wait3A_197 = tpu.memref_squeeze %dma_wait3A_196 : memref<1x128xi32, #tpu.memory_space<hbm>> -> memref<128xi32, #tpu.memory_space<hbm>>
          tpu.wait_dma2 semaphore(%arg12 : memref<!tpu.dma_semaphore, #tpu.memory_space<semaphore_mem>>) src(%dma_wait3A_197 : memref<128xi32, #tpu.memory_space<hbm>>) dst(%dma_wait3A_194 : memref<128xi32, #tpu.memory_space<vmem>>)
          %add3A_198 = arith.constant 1 : i32
          %add3A_199 = arith.addi %scan3A_126, %add3A_198 : i32
          %rem3A_200 = arith.constant 3 : i32
          %rem3A_201 = arith.remsi %add3A_199, %rem3A_200 : i32
          %dma_start3A_202 = arith.constant 0 : i32
          %dma_start3A_203 = arith.constant 0 : i32
          %dma_start3A_204 = tpu.memref_slice %arg10[%rem3A_201, %dma_start3A_202, %dma_start3A_203] : memref<3x128x128xf32, #tpu.memory_space<vmem>> -> memref<1x128x128xf32, #tpu.memory_space<vmem>>
          %dma_start3A_205 = tpu.memref_squeeze %dma_start3A_204 : memref<1x128x128xf32, #tpu.memory_space<vmem>> -> memref<128x128xf32, #tpu.memory_space<vmem>>
          %dma_start3A_206 = arith.constant 0 : i32
          %dma_start3A_207 = tpu.memref_slice %arg8[%rem3A_201, %dma_start3A_206] : memref<3x128xi32, #tpu.memory_space<vmem>> -> memref<1x128xi32, #tpu.memory_space<vmem>>
          %dma_start3A_208 = tpu.memref_squeeze %dma_start3A_207 : memref<1x128xi32, #tpu.memory_space<vmem>> -> memref<128xi32, #tpu.memory_space<vmem>>
          %dma_start3A_209 = arith.constant 0 : i32
          %dma_start3A_210 = arith.constant 0 : i32
          %dma_start3A_211 = tpu.memref_slice %arg4[%dma_start3A_209, %dma_start3A_210] : memref<10000x128xf32, #tpu.memory_space<hbm>> -> memref<10000x128xf32, #tpu.memory_space<hbm>>
          tpu.enqueue_indirect_dma source(%dma_start3A_211 : memref<10000x128xf32, #tpu.memory_space<hbm>>) target(%dma_start3A_205 : memref<128x128xf32, #tpu.memory_space<vmem>>) offsets(%dma_start3A_208 : memref<128xi32, #tpu.memory_space<vmem>>) semaphore(%arg14 : memref<!tpu.dma_semaphore, #tpu.memory_space<semaphore_mem>>)
        } else {
        }
        %dma_wait3A_145 = arith.constant 0 : i32
        %dma_wait3A_146 = arith.constant 0 : i32
        %dma_wait3A_147 = arith.constant 0 : i32
        %dma_wait3A_148 = tpu.memref_slice %arg10[%rem3A_127, %dma_wait3A_146, %dma_wait3A_147] : memref<3x128x128xf32, #tpu.memory_space<vmem>> -> memref<1x128x128xf32, #tpu.memory_space<vmem>>
        %dma_wait3A_149 = tpu.memref_squeeze %dma_wait3A_148 : memref<1x128x128xf32, #tpu.memory_space<vmem>> -> memref<128x128xf32, #tpu.memory_space<vmem>>
        %dma_wait3A_150 = arith.constant 0 : i32
        %dma_wait3A_151 = tpu.memref_slice %arg8[%dma_wait3A_145, %dma_wait3A_150] : memref<3x128xi32, #tpu.memory_space<vmem>> -> memref<1x128xi32, #tpu.memory_space<vmem>>
        %dma_wait3A_152 = tpu.memref_squeeze %dma_wait3A_151 : memref<1x128xi32, #tpu.memory_space<vmem>> -> memref<128xi32, #tpu.memory_space<vmem>>
        %dma_wait3A_153 = arith.constant 0 : i32
        %dma_wait3A_154 = arith.constant 0 : i32
        %dma_wait3A_155 = tpu.memref_slice %arg4[%dma_wait3A_153, %dma_wait3A_154] : memref<10000x128xf32, #tpu.memory_space<hbm>> -> memref<10000x128xf32, #tpu.memory_space<hbm>>
        tpu.wait_indirect_dma semaphore(%arg14 : memref<!tpu.dma_semaphore, #tpu.memory_space<semaphore_mem>>) src(%dma_wait3A_155 : memref<10000x128xf32, #tpu.memory_space<hbm>>) dst(%dma_wait3A_149 : memref<128x128xf32, #tpu.memory_space<vmem>>)
        %add3A_156 = arith.addi %mul3A_0, %scan3A_126 : i32
        %dma_wait3A_157 = arith.constant 0 : i32
        %dma_wait3A_158 = arith.constant 0 : i32
        %dma_wait3A_159 = tpu.memref_slice %arg9[%dma_wait3A_157, %dma_wait3A_158] : memref<4x128xi32, #tpu.memory_space<vmem>> -> memref<1x128xi32, #tpu.memory_space<vmem>>
        %dma_wait3A_160 = tpu.memref_squeeze %dma_wait3A_159 : memref<1x128xi32, #tpu.memory_space<vmem>> -> memref<128xi32, #tpu.memory_space<vmem>>
        %dma_wait3A_161 = arith.constant 0 : i32
        %dma_wait3A_162 = tpu.memref_slice %arg3[%add3A_156, %dma_wait3A_161] : memref<1280x128xi32, #tpu.memory_space<hbm>> -> memref<1x128xi32, #tpu.memory_space<hbm>>
        %dma_wait3A_163 = tpu.memref_squeeze %dma_wait3A_162 : memref<1x128xi32, #tpu.memory_space<hbm>> -> memref<128xi32, #tpu.memory_space<hbm>>
        %dma_wait3A_164 = arith.constant 0 : i32
        %dma_wait3A_165 = tpu.memref_slice %arg9[%dma_wait3A_157, %dma_wait3A_164] : memref<4x128xi32, #tpu.memory_space<vmem>> -> memref<1x128xi32, #tpu.memory_space<vmem>>
        %dma_wait3A_166 = tpu.memref_squeeze %dma_wait3A_165 : memref<1x128xi32, #tpu.memory_space<vmem>> -> memref<128xi32, #tpu.memory_space<vmem>>
        %dma_wait3A_167 = arith.constant 0 : i32
        %dma_wait3A_168 = tpu.memref_slice %arg3[%add3A_156, %dma_wait3A_167] : memref<1280x128xi32, #tpu.memory_space<hbm>> -> memref<1x128xi32, #tpu.memory_space<hbm>>
        %dma_wait3A_169 = tpu.memref_squeeze %dma_wait3A_168 : memref<1x128xi32, #tpu.memory_space<hbm>> -> memref<128xi32, #tpu.memory_space<hbm>>
        tpu.wait_dma2 semaphore(%arg13 : memref<!tpu.dma_semaphore, #tpu.memory_space<semaphore_mem>>) src(%dma_wait3A_169 : memref<128xi32, #tpu.memory_space<hbm>>) dst(%dma_wait3A_166 : memref<128xi32, #tpu.memory_space<vmem>>)
        %rem3A_170 = arith.constant 4 : i32
        %rem3A_171 = arith.remsi %scan3A_126, %rem3A_170 : i32
        %dma_start3A_172 = arith.constant 0 : i32
        %dma_start3A_173 = arith.constant 0 : i32
        %dma_start3A_174 = tpu.memref_slice %arg10[%rem3A_127, %dma_start3A_172, %dma_start3A_173] : memref<3x128x128xf32, #tpu.memory_space<vmem>> -> memref<1x128x128xf32, #tpu.memory_space<vmem>>
        %dma_start3A_175 = tpu.memref_squeeze %dma_start3A_174 : memref<1x128x128xf32, #tpu.memory_space<vmem>> -> memref<128x128xf32, #tpu.memory_space<vmem>>
        %dma_start3A_176 = arith.constant 0 : i32
        %dma_start3A_177 = tpu.memref_slice %arg9[%rem3A_171, %dma_start3A_176] : memref<4x128xi32, #tpu.memory_space<vmem>> -> memref<1x128xi32, #tpu.memory_space<vmem>>
        %dma_start3A_178 = tpu.memref_squeeze %dma_start3A_177 : memref<1x128xi32, #tpu.memory_space<vmem>> -> memref<128xi32, #tpu.memory_space<vmem>>
        %dma_start3A_179 = arith.constant 0 : i32
        %dma_start3A_180 = arith.constant 0 : i32
        %dma_start3A_181 = tpu.memref_slice %arg11[%dma_start3A_179, %dma_start3A_180] : memref<10112x128xf32, #tpu.memory_space<vmem_shared>> -> memref<10112x128xf32, #tpu.memory_space<vmem_shared>>
        tpu.enqueue_indirect_dma source(%dma_start3A_175 : memref<128x128xf32, #tpu.memory_space<vmem>>) target(%dma_start3A_181 : memref<10112x128xf32, #tpu.memory_space<vmem_shared>>) offsets(%dma_start3A_178 : memref<128xi32, #tpu.memory_space<vmem>>) semaphore(%arg15 : memref<!tpu.dma_semaphore, #tpu.memory_space<semaphore_mem>>) {add = true}
      }
      %scan3A_101 = arith.constant 80 : i32
      %dma_wait3A_102 = arith.constant 0 : i32
      %dma_wait3A_103 = arith.constant 0 : i32
      %dma_wait3A_104 = arith.constant 0 : i32
      %dma_wait3A_105 = arith.constant 0 : i32
      %dma_wait3A_106 = tpu.memref_slice %arg10[%dma_wait3A_102, %dma_wait3A_104, %dma_wait3A_105] : memref<3x128x128xf32, #tpu.memory_space<vmem>> -> memref<1x128x128xf32, #tpu.memory_space<vmem>>
      %dma_wait3A_107 = tpu.memref_squeeze %dma_wait3A_106 : memref<1x128x128xf32, #tpu.memory_space<vmem>> -> memref<128x128xf32, #tpu.memory_space<vmem>>
      %dma_wait3A_108 = arith.constant 0 : i32
      %dma_wait3A_109 = tpu.memref_slice %arg9[%dma_wait3A_103, %dma_wait3A_108] : memref<4x128xi32, #tpu.memory_space<vmem>> -> memref<1x128xi32, #tpu.memory_space<vmem>>
      %dma_wait3A_110 = tpu.memref_squeeze %dma_wait3A_109 : memref<1x128xi32, #tpu.memory_space<vmem>> -> memref<128xi32, #tpu.memory_space<vmem>>
      %dma_wait3A_111 = arith.constant 0 : i32
      %dma_wait3A_112 = arith.constant 0 : i32
      %dma_wait3A_113 = tpu.memref_slice %arg11[%dma_wait3A_111, %dma_wait3A_112] : memref<10112x128xf32, #tpu.memory_space<vmem_shared>> -> memref<10112x128xf32, #tpu.memory_space<vmem_shared>>
      tpu.wait_indirect_dma semaphore(%arg15 : memref<!tpu.dma_semaphore, #tpu.memory_space<semaphore_mem>>) src(%dma_wait3A_107 : memref<128x128xf32, #tpu.memory_space<vmem>>) dst(%dma_wait3A_113 : memref<10112x128xf32, #tpu.memory_space<vmem_shared>>)
      %dma_wait3A_114 = arith.constant 0 : i32
      %dma_wait3A_115 = arith.constant 0 : i32
      %dma_wait3A_116 = arith.constant 0 : i32
      %dma_wait3A_117 = arith.constant 0 : i32
      %dma_wait3A_118 = tpu.memref_slice %arg10[%dma_wait3A_114, %dma_wait3A_116, %dma_wait3A_117] : memref<3x128x128xf32, #tpu.memory_space<vmem>> -> memref<1x128x128xf32, #tpu.memory_space<vmem>>
      %dma_wait3A_119 = tpu.memref_squeeze %dma_wait3A_118 : memref<1x128x128xf32, #tpu.memory_space<vmem>> -> memref<128x128xf32, #tpu.memory_space<vmem>>
      %dma_wait3A_120 = arith.constant 0 : i32
      %dma_wait3A_121 = tpu.memref_slice %arg9[%dma_wait3A_115, %dma_wait3A_120] : memref<4x128xi32, #tpu.memory_space<vmem>> -> memref<1x128xi32, #tpu.memory_space<vmem>>
      %dma_wait3A_122 = tpu.memref_squeeze %dma_wait3A_121 : memref<1x128xi32, #tpu.memory_space<vmem>> -> memref<128xi32, #tpu.memory_space<vmem>>
      %dma_wait3A_123 = arith.constant 0 : i32
      %dma_wait3A_124 = arith.constant 0 : i32
      %dma_wait3A_125 = tpu.memref_slice %arg11[%dma_wait3A_123, %dma_wait3A_124] : memref<10112x128xf32, #tpu.memory_space<vmem_shared>> -> memref<10112x128xf32, #tpu.memory_space<vmem_shared>>
      tpu.wait_indirect_dma semaphore(%arg15 : memref<!tpu.dma_semaphore, #tpu.memory_space<semaphore_mem>>) src(%dma_wait3A_119 : memref<128x128xf32, #tpu.memory_space<vmem>>) dst(%dma_wait3A_125 : memref<10112x128xf32, #tpu.memory_space<vmem_shared>>)
    } else {
    }
    %eq3A_5 = arith.constant 1 : i32
    %eq3A_6 = arith.cmpi eq, %arg0, %eq3A_5 : i32
    %convert_element_type3A_7 = arith.extui %eq3A_6 : i1 to i32
    %cond3A_8 = arith.constant 0 : i32
    %cond3A_9 = arith.cmpi ne, %convert_element_type3A_7, %cond3A_8 : i32
    scf.if %cond3A_9 {
      %add3A = arith.constant 0 : i32
      %add3A_15 = arith.addi %mul3A_0, %add3A : i32
      %dma_start3A = arith.constant 0 : i32
      %dma_start3A_16 = arith.constant 0 : i32
      %dma_start3A_17 = tpu.memref_slice %arg8[%dma_start3A, %dma_start3A_16] : memref<3x128xi32, #tpu.memory_space<vmem>> -> memref<1x128xi32, #tpu.memory_space<vmem>>
      %dma_start3A_18 = tpu.memref_squeeze %dma_start3A_17 : memref<1x128xi32, #tpu.memory_space<vmem>> -> memref<128xi32, #tpu.memory_space<vmem>>
      %dma_start3A_19 = arith.constant 0 : i32
      %dma_start3A_20 = tpu.memref_slice %arg2[%add3A_15, %dma_start3A_19] : memref<1280x128xi32, #tpu.memory_space<hbm>> -> memref<1x128xi32, #tpu.memory_space<hbm>>
      %dma_start3A_21 = tpu.memref_squeeze %dma_start3A_20 : memref<1x128xi32, #tpu.memory_space<hbm>> -> memref<128xi32, #tpu.memory_space<hbm>>
      %dma_start3A_22 = arith.constant 0 : i32
      %dma_start3A_23 = tpu.memref_slice %arg8[%dma_start3A, %dma_start3A_22] : memref<3x128xi32, #tpu.memory_space<vmem>> -> memref<1x128xi32, #tpu.memory_space<vmem>>
      %dma_start3A_24 = tpu.memref_squeeze %dma_start3A_23 : memref<1x128xi32, #tpu.memory_space<vmem>> -> memref<128xi32, #tpu.memory_space<vmem>>
      %dma_start3A_25 = arith.constant 0 : i32
      %dma_start3A_26 = tpu.memref_slice %arg2[%add3A_15, %dma_start3A_25] : memref<1280x128xi32, #tpu.memory_space<hbm>> -> memref<1x128xi32, #tpu.memory_space<hbm>>
      %dma_start3A_27 = tpu.memref_squeeze %dma_start3A_26 : memref<1x128xi32, #tpu.memory_space<hbm>> -> memref<128xi32, #tpu.memory_space<hbm>>
      tpu.enqueue_dma source(%dma_start3A_27 : memref<128xi32, #tpu.memory_space<hbm>>) target(%dma_start3A_24 : memref<128xi32, #tpu.memory_space<vmem>>) target_semaphore(%arg12 : memref<!tpu.dma_semaphore, #tpu.memory_space<semaphore_mem>>)
      %add3A_28 = arith.constant 0 : i32
      %add3A_29 = arith.addi %mul3A_0, %add3A_28 : i32
      %dma_start3A_30 = arith.constant 0 : i32
      %dma_start3A_31 = arith.constant 0 : i32
      %dma_start3A_32 = tpu.memref_slice %arg9[%dma_start3A_30, %dma_start3A_31] : memref<4x128xi32, #tpu.memory_space<vmem>> -> memref<1x128xi32, #tpu.memory_space<vmem>>
      %dma_start3A_33 = tpu.memref_squeeze %dma_start3A_32 : memref<1x128xi32, #tpu.memory_space<vmem>> -> memref<128xi32, #tpu.memory_space<vmem>>
      %dma_start3A_34 = arith.constant 0 : i32
      %dma_start3A_35 = tpu.memref_slice %arg3[%add3A_29, %dma_start3A_34] : memref<1280x128xi32, #tpu.memory_space<hbm>> -> memref<1x128xi32, #tpu.memory_space<hbm>>
      %dma_start3A_36 = tpu.memref_squeeze %dma_start3A_35 : memref<1x128xi32, #tpu.memory_space<hbm>> -> memref<128xi32, #tpu.memory_space<hbm>>
      %dma_start3A_37 = arith.constant 0 : i32
      %dma_start3A_38 = tpu.memref_slice %arg9[%dma_start3A_30, %dma_start3A_37] : memref<4x128xi32, #tpu.memory_space<vmem>> -> memref<1x128xi32, #tpu.memory_space<vmem>>
      %dma_start3A_39 = tpu.memref_squeeze %dma_start3A_38 : memref<1x128xi32, #tpu.memory_space<vmem>> -> memref<128xi32, #tpu.memory_space<vmem>>
      %dma_start3A_40 = arith.constant 0 : i32
      %dma_start3A_41 = tpu.memref_slice %arg3[%add3A_29, %dma_start3A_40] : memref<1280x128xi32, #tpu.memory_space<hbm>> -> memref<1x128xi32, #tpu.memory_space<hbm>>
      %dma_start3A_42 = tpu.memref_squeeze %dma_start3A_41 : memref<1x128xi32, #tpu.memory_space<hbm>> -> memref<128xi32, #tpu.memory_space<hbm>>
      tpu.enqueue_dma source(%dma_start3A_42 : memref<128xi32, #tpu.memory_space<hbm>>) target(%dma_start3A_39 : memref<128xi32, #tpu.memory_space<vmem>>) target_semaphore(%arg13 : memref<!tpu.dma_semaphore, #tpu.memory_space<semaphore_mem>>)
      %add3A_43 = arith.constant 1 : i32
      %add3A_44 = arith.addi %mul3A_0, %add3A_43 : i32
      %dma_start3A_45 = arith.constant 1 : i32
      %dma_start3A_46 = arith.constant 0 : i32
      %dma_start3A_47 = tpu.memref_slice %arg8[%dma_start3A_45, %dma_start3A_46] : memref<3x128xi32, #tpu.memory_space<vmem>> -> memref<1x128xi32, #tpu.memory_space<vmem>>
      %dma_start3A_48 = tpu.memref_squeeze %dma_start3A_47 : memref<1x128xi32, #tpu.memory_space<vmem>> -> memref<128xi32, #tpu.memory_space<vmem>>
      %dma_start3A_49 = arith.constant 0 : i32
      %dma_start3A_50 = tpu.memref_slice %arg2[%add3A_44, %dma_start3A_49] : memref<1280x128xi32, #tpu.memory_space<hbm>> -> memref<1x128xi32, #tpu.memory_space<hbm>>
      %dma_start3A_51 = tpu.memref_squeeze %dma_start3A_50 : memref<1x128xi32, #tpu.memory_space<hbm>> -> memref<128xi32, #tpu.memory_space<hbm>>
      %dma_start3A_52 = arith.constant 0 : i32
      %dma_start3A_53 = tpu.memref_slice %arg8[%dma_start3A_45, %dma_start3A_52] : memref<3x128xi32, #tpu.memory_space<vmem>> -> memref<1x128xi32, #tpu.memory_space<vmem>>
      %dma_start3A_54 = tpu.memref_squeeze %dma_start3A_53 : memref<1x128xi32, #tpu.memory_space<vmem>> -> memref<128xi32, #tpu.memory_space<vmem>>
      %dma_start3A_55 = arith.constant 0 : i32
      %dma_start3A_56 = tpu.memref_slice %arg2[%add3A_44, %dma_start3A_55] : memref<1280x128xi32, #tpu.memory_space<hbm>> -> memref<1x128xi32, #tpu.memory_space<hbm>>
      %dma_start3A_57 = tpu.memref_squeeze %dma_start3A_56 : memref<1x128xi32, #tpu.memory_space<hbm>> -> memref<128xi32, #tpu.memory_space<hbm>>
      tpu.enqueue_dma source(%dma_start3A_57 : memref<128xi32, #tpu.memory_space<hbm>>) target(%dma_start3A_54 : memref<128xi32, #tpu.memory_space<vmem>>) target_semaphore(%arg12 : memref<!tpu.dma_semaphore, #tpu.memory_space<semaphore_mem>>)
      %add3A_58 = arith.constant 1 : i32
      %add3A_59 = arith.addi %mul3A_0, %add3A_58 : i32
      %dma_start3A_60 = arith.constant 1 : i32
      %dma_start3A_61 = arith.constant 0 : i32
      %dma_start3A_62 = tpu.memref_slice %arg9[%dma_start3A_60, %dma_start3A_61] : memref<4x128xi32, #tpu.memory_space<vmem>> -> memref<1x128xi32, #tpu.memory_space<vmem>>
      %dma_start3A_63 = tpu.memref_squeeze %dma_start3A_62 : memref<1x128xi32, #tpu.memory_space<vmem>> -> memref<128xi32, #tpu.memory_space<vmem>>
      %dma_start3A_64 = arith.constant 0 : i32
      %dma_start3A_65 = tpu.memref_slice %arg3[%add3A_59, %dma_start3A_64] : memref<1280x128xi32, #tpu.memory_space<hbm>> -> memref<1x128xi32, #tpu.memory_space<hbm>>
      %dma_start3A_66 = tpu.memref_squeeze %dma_start3A_65 : memref<1x128xi32, #tpu.memory_space<hbm>> -> memref<128xi32, #tpu.memory_space<hbm>>
      %dma_start3A_67 = arith.constant 0 : i32
      %dma_start3A_68 = tpu.memref_slice %arg9[%dma_start3A_60, %dma_start3A_67] : memref<4x128xi32, #tpu.memory_space<vmem>> -> memref<1x128xi32, #tpu.memory_space<vmem>>
      %dma_start3A_69 = tpu.memref_squeeze %dma_start3A_68 : memref<1x128xi32, #tpu.memory_space<vmem>> -> memref<128xi32, #tpu.memory_space<vmem>>
      %dma_start3A_70 = arith.constant 0 : i32
      %dma_start3A_71 = tpu.memref_slice %arg3[%add3A_59, %dma_start3A_70] : memref<1280x128xi32, #tpu.memory_space<hbm>> -> memref<1x128xi32, #tpu.memory_space<hbm>>
      %dma_start3A_72 = tpu.memref_squeeze %dma_start3A_71 : memref<1x128xi32, #tpu.memory_space<hbm>> -> memref<128xi32, #tpu.memory_space<hbm>>
      tpu.enqueue_dma source(%dma_start3A_72 : memref<128xi32, #tpu.memory_space<hbm>>) target(%dma_start3A_69 : memref<128xi32, #tpu.memory_space<vmem>>) target_semaphore(%arg13 : memref<!tpu.dma_semaphore, #tpu.memory_space<semaphore_mem>>)
      %dma_wait3A = arith.constant 0 : i32
      %dma_wait3A_73 = arith.constant 0 : i32
      %dma_wait3A_74 = tpu.memref_slice %arg8[%dma_wait3A, %dma_wait3A_73] : memref<3x128xi32, #tpu.memory_space<vmem>> -> memref<1x128xi32, #tpu.memory_space<vmem>>
      %dma_wait3A_75 = tpu.memref_squeeze %dma_wait3A_74 : memref<1x128xi32, #tpu.memory_space<vmem>> -> memref<128xi32, #tpu.memory_space<vmem>>
      %dma_wait3A_76 = arith.constant 0 : i32
      %dma_wait3A_77 = tpu.memref_slice %arg2[%mul3A_0, %dma_wait3A_76] : memref<1280x128xi32, #tpu.memory_space<hbm>> -> memref<1x128xi32, #tpu.memory_space<hbm>>
      %dma_wait3A_78 = tpu.memref_squeeze %dma_wait3A_77 : memref<1x128xi32, #tpu.memory_space<hbm>> -> memref<128xi32, #tpu.memory_space<hbm>>
      %dma_wait3A_79 = arith.constant 0 : i32
      %dma_wait3A_80 = tpu.memref_slice %arg8[%dma_wait3A, %dma_wait3A_79] : memref<3x128xi32, #tpu.memory_space<vmem>> -> memref<1x128xi32, #tpu.memory_space<vmem>>
      %dma_wait3A_81 = tpu.memref_squeeze %dma_wait3A_80 : memref<1x128xi32, #tpu.memory_space<vmem>> -> memref<128xi32, #tpu.memory_space<vmem>>
      %dma_wait3A_82 = arith.constant 0 : i32
      %dma_wait3A_83 = tpu.memref_slice %arg2[%mul3A_0, %dma_wait3A_82] : memref<1280x128xi32, #tpu.memory_space<hbm>> -> memref<1x128xi32, #tpu.memory_space<hbm>>
      %dma_wait3A_84 = tpu.memref_squeeze %dma_wait3A_83 : memref<1x128xi32, #tpu.memory_space<hbm>> -> memref<128xi32, #tpu.memory_space<hbm>>
      tpu.wait_dma2 semaphore(%arg12 : memref<!tpu.dma_semaphore, #tpu.memory_space<semaphore_mem>>) src(%dma_wait3A_84 : memref<128xi32, #tpu.memory_space<hbm>>) dst(%dma_wait3A_81 : memref<128xi32, #tpu.memory_space<vmem>>)
      %dma_start3A_85 = arith.constant 0 : i32
      %dma_start3A_86 = arith.constant 0 : i32
      %dma_start3A_87 = arith.constant 0 : i32
      %dma_start3A_88 = arith.constant 0 : i32
      %dma_start3A_89 = tpu.memref_slice %arg10[%dma_start3A_86, %dma_start3A_87, %dma_start3A_88] : memref<3x128x128xf32, #tpu.memory_space<vmem>> -> memref<1x128x128xf32, #tpu.memory_space<vmem>>
      %dma_start3A_90 = tpu.memref_squeeze %dma_start3A_89 : memref<1x128x128xf32, #tpu.memory_space<vmem>> -> memref<128x128xf32, #tpu.memory_space<vmem>>
      %dma_start3A_91 = arith.constant 0 : i32
      %dma_start3A_92 = tpu.memref_slice %arg8[%dma_start3A_85, %dma_start3A_91] : memref<3x128xi32, #tpu.memory_space<vmem>> -> memref<1x128xi32, #tpu.memory_space<vmem>>
      %dma_start3A_93 = tpu.memref_squeeze %dma_start3A_92 : memref<1x128xi32, #tpu.memory_space<vmem>> -> memref<128xi32, #tpu.memory_space<vmem>>
      %dma_start3A_94 = arith.constant 0 : i32
      %dma_start3A_95 = arith.constant 0 : i32
      %dma_start3A_96 = tpu.memref_slice %arg5[%dma_start3A_94, %dma_start3A_95] : memref<10000x128xf32, #tpu.memory_space<hbm>> -> memref<10000x128xf32, #tpu.memory_space<hbm>>
      tpu.enqueue_indirect_dma source(%dma_start3A_96 : memref<10000x128xf32, #tpu.memory_space<hbm>>) target(%dma_start3A_90 : memref<128x128xf32, #tpu.memory_space<vmem>>) offsets(%dma_start3A_93 : memref<128xi32, #tpu.memory_space<vmem>>) semaphore(%arg14 : memref<!tpu.dma_semaphore, #tpu.memory_space<semaphore_mem>>)
      %scan3A = arith.constant 0 : i32
      %scan3A_97 = arith.constant 0 : i32
      %scan3A_98 = arith.constant 80 : i32
      %scan3A_99 = arith.addi %scan3A_97, %scan3A_98 : i32
      %scan3A_100 = arith.constant 1 : i32
      scf.for %scan3A_126 = %scan3A_97 to %scan3A_99 step %scan3A_100  : i32 {
        %rem3A = arith.constant 3 : i32
        %rem3A_127 = arith.remsi %scan3A_126, %rem3A : i32
        %ge3A = arith.constant 2 : i32
        %ge3A_128 = arith.cmpi sge, %scan3A_126, %ge3A : i32
        %convert_element_type3A_129 = arith.extui %ge3A_128 : i1 to i32
        %cond3A_130 = arith.constant 0 : i32
        %cond3A_131 = arith.cmpi ne, %convert_element_type3A_129, %cond3A_130 : i32
        scf.if %cond3A_131 {
          %dma_wait3A_182 = arith.constant 0 : i32
          %dma_wait3A_183 = arith.constant 0 : i32
          %dma_wait3A_184 = arith.constant 0 : i32
          %dma_wait3A_185 = arith.constant 0 : i32
          %dma_wait3A_186 = tpu.memref_slice %arg10[%dma_wait3A_182, %dma_wait3A_184, %dma_wait3A_185] : memref<3x128x128xf32, #tpu.memory_space<vmem>> -> memref<1x128x128xf32, #tpu.memory_space<vmem>>
          %dma_wait3A_187 = tpu.memref_squeeze %dma_wait3A_186 : memref<1x128x128xf32, #tpu.memory_space<vmem>> -> memref<128x128xf32, #tpu.memory_space<vmem>>
          %dma_wait3A_188 = arith.constant 0 : i32
          %dma_wait3A_189 = tpu.memref_slice %arg9[%dma_wait3A_183, %dma_wait3A_188] : memref<4x128xi32, #tpu.memory_space<vmem>> -> memref<1x128xi32, #tpu.memory_space<vmem>>
          %dma_wait3A_190 = tpu.memref_squeeze %dma_wait3A_189 : memref<1x128xi32, #tpu.memory_space<vmem>> -> memref<128xi32, #tpu.memory_space<vmem>>
          %dma_wait3A_191 = arith.constant 0 : i32
          %dma_wait3A_192 = arith.constant 0 : i32
          %dma_wait3A_193 = tpu.memref_slice %arg11[%dma_wait3A_191, %dma_wait3A_192] : memref<10112x128xf32, #tpu.memory_space<vmem_shared>> -> memref<10112x128xf32, #tpu.memory_space<vmem_shared>>
          tpu.wait_indirect_dma semaphore(%arg15 : memref<!tpu.dma_semaphore, #tpu.memory_space<semaphore_mem>>) src(%dma_wait3A_187 : memref<128x128xf32, #tpu.memory_space<vmem>>) dst(%dma_wait3A_193 : memref<10112x128xf32, #tpu.memory_space<vmem_shared>>)
        } else {
        }
        %add3A_132 = arith.constant 2 : i32
        %add3A_133 = arith.addi %scan3A_126, %add3A_132 : i32
        %lt3A = arith.constant 80 : i32
        %lt3A_134 = arith.cmpi slt, %add3A_133, %lt3A : i32
        %convert_element_type3A_135 = arith.extui %lt3A_134 : i1 to i32
        %cond3A_136 = arith.constant 0 : i32
        %cond3A_137 = arith.cmpi ne, %convert_element_type3A_135, %cond3A_136 : i32
        scf.if %cond3A_137 {
          %add3A_182 = arith.addi %mul3A_0, %scan3A_126 : i32
          %add3A_183 = arith.constant 2 : i32
          %add3A_184 = arith.addi %add3A_182, %add3A_183 : i32
          %add3A_185 = arith.constant 2 : i32
          %add3A_186 = arith.addi %scan3A_126, %add3A_185 : i32
          %rem3A_187 = arith.constant 3 : i32
          %rem3A_188 = arith.remsi %add3A_186, %rem3A_187 : i32
          %dma_start3A_189 = arith.constant 0 : i32
          %dma_start3A_190 = tpu.memref_slice %arg8[%rem3A_188, %dma_start3A_189] : memref<3x128xi32, #tpu.memory_space<vmem>> -> memref<1x128xi32, #tpu.memory_space<vmem>>
          %dma_start3A_191 = tpu.memref_squeeze %dma_start3A_190 : memref<1x128xi32, #tpu.memory_space<vmem>> -> memref<128xi32, #tpu.memory_space<vmem>>
          %dma_start3A_192 = arith.constant 0 : i32
          %dma_start3A_193 = tpu.memref_slice %arg2[%add3A_184, %dma_start3A_192] : memref<1280x128xi32, #tpu.memory_space<hbm>> -> memref<1x128xi32, #tpu.memory_space<hbm>>
          %dma_start3A_194 = tpu.memref_squeeze %dma_start3A_193 : memref<1x128xi32, #tpu.memory_space<hbm>> -> memref<128xi32, #tpu.memory_space<hbm>>
          %dma_start3A_195 = arith.constant 0 : i32
          %dma_start3A_196 = tpu.memref_slice %arg8[%rem3A_188, %dma_start3A_195] : memref<3x128xi32, #tpu.memory_space<vmem>> -> memref<1x128xi32, #tpu.memory_space<vmem>>
          %dma_start3A_197 = tpu.memref_squeeze %dma_start3A_196 : memref<1x128xi32, #tpu.memory_space<vmem>> -> memref<128xi32, #tpu.memory_space<vmem>>
          %dma_start3A_198 = arith.constant 0 : i32
          %dma_start3A_199 = tpu.memref_slice %arg2[%add3A_184, %dma_start3A_198] : memref<1280x128xi32, #tpu.memory_space<hbm>> -> memref<1x128xi32, #tpu.memory_space<hbm>>
          %dma_start3A_200 = tpu.memref_squeeze %dma_start3A_199 : memref<1x128xi32, #tpu.memory_space<hbm>> -> memref<128xi32, #tpu.memory_space<hbm>>
          tpu.enqueue_dma source(%dma_start3A_200 : memref<128xi32, #tpu.memory_space<hbm>>) target(%dma_start3A_197 : memref<128xi32, #tpu.memory_space<vmem>>) target_semaphore(%arg12 : memref<!tpu.dma_semaphore, #tpu.memory_space<semaphore_mem>>)
          %add3A_201 = arith.addi %mul3A_0, %scan3A_126 : i32
          %add3A_202 = arith.constant 2 : i32
          %add3A_203 = arith.addi %add3A_201, %add3A_202 : i32
          %add3A_204 = arith.constant 2 : i32
          %add3A_205 = arith.addi %scan3A_126, %add3A_204 : i32
          %rem3A_206 = arith.constant 4 : i32
          %rem3A_207 = arith.remsi %add3A_205, %rem3A_206 : i32
          %dma_start3A_208 = arith.constant 0 : i32
          %dma_start3A_209 = tpu.memref_slice %arg9[%rem3A_207, %dma_start3A_208] : memref<4x128xi32, #tpu.memory_space<vmem>> -> memref<1x128xi32, #tpu.memory_space<vmem>>
          %dma_start3A_210 = tpu.memref_squeeze %dma_start3A_209 : memref<1x128xi32, #tpu.memory_space<vmem>> -> memref<128xi32, #tpu.memory_space<vmem>>
          %dma_start3A_211 = arith.constant 0 : i32
          %dma_start3A_212 = tpu.memref_slice %arg3[%add3A_203, %dma_start3A_211] : memref<1280x128xi32, #tpu.memory_space<hbm>> -> memref<1x128xi32, #tpu.memory_space<hbm>>
          %dma_start3A_213 = tpu.memref_squeeze %dma_start3A_212 : memref<1x128xi32, #tpu.memory_space<hbm>> -> memref<128xi32, #tpu.memory_space<hbm>>
          %dma_start3A_214 = arith.constant 0 : i32
          %dma_start3A_215 = tpu.memref_slice %arg9[%rem3A_207, %dma_start3A_214] : memref<4x128xi32, #tpu.memory_space<vmem>> -> memref<1x128xi32, #tpu.memory_space<vmem>>
          %dma_start3A_216 = tpu.memref_squeeze %dma_start3A_215 : memref<1x128xi32, #tpu.memory_space<vmem>> -> memref<128xi32, #tpu.memory_space<vmem>>
          %dma_start3A_217 = arith.constant 0 : i32
          %dma_start3A_218 = tpu.memref_slice %arg3[%add3A_203, %dma_start3A_217] : memref<1280x128xi32, #tpu.memory_space<hbm>> -> memref<1x128xi32, #tpu.memory_space<hbm>>
          %dma_start3A_219 = tpu.memref_squeeze %dma_start3A_218 : memref<1x128xi32, #tpu.memory_space<hbm>> -> memref<128xi32, #tpu.memory_space<hbm>>
          tpu.enqueue_dma source(%dma_start3A_219 : memref<128xi32, #tpu.memory_space<hbm>>) target(%dma_start3A_216 : memref<128xi32, #tpu.memory_space<vmem>>) target_semaphore(%arg13 : memref<!tpu.dma_semaphore, #tpu.memory_space<semaphore_mem>>)
        } else {
        }
        %add3A_138 = arith.constant 1 : i32
        %add3A_139 = arith.addi %scan3A_126, %add3A_138 : i32
        %lt3A_140 = arith.constant 80 : i32
        %lt3A_141 = arith.cmpi slt, %add3A_139, %lt3A_140 : i32
        %convert_element_type3A_142 = arith.extui %lt3A_141 : i1 to i32
        %cond3A_143 = arith.constant 0 : i32
        %cond3A_144 = arith.cmpi ne, %convert_element_type3A_142, %cond3A_143 : i32
        scf.if %cond3A_144 {
          %add3A_182 = arith.addi %mul3A_0, %scan3A_126 : i32
          %add3A_183 = arith.constant 1 : i32
          %add3A_184 = arith.addi %add3A_182, %add3A_183 : i32
          %dma_wait3A_185 = arith.constant 0 : i32
          %dma_wait3A_186 = arith.constant 0 : i32
          %dma_wait3A_187 = tpu.memref_slice %arg8[%dma_wait3A_185, %dma_wait3A_186] : memref<3x128xi32, #tpu.memory_space<vmem>> -> memref<1x128xi32, #tpu.memory_space<vmem>>
          %dma_wait3A_188 = tpu.memref_squeeze %dma_wait3A_187 : memref<1x128xi32, #tpu.memory_space<vmem>> -> memref<128xi32, #tpu.memory_space<vmem>>
          %dma_wait3A_189 = arith.constant 0 : i32
          %dma_wait3A_190 = tpu.memref_slice %arg2[%add3A_184, %dma_wait3A_189] : memref<1280x128xi32, #tpu.memory_space<hbm>> -> memref<1x128xi32, #tpu.memory_space<hbm>>
          %dma_wait3A_191 = tpu.memref_squeeze %dma_wait3A_190 : memref<1x128xi32, #tpu.memory_space<hbm>> -> memref<128xi32, #tpu.memory_space<hbm>>
          %dma_wait3A_192 = arith.constant 0 : i32
          %dma_wait3A_193 = tpu.memref_slice %arg8[%dma_wait3A_185, %dma_wait3A_192] : memref<3x128xi32, #tpu.memory_space<vmem>> -> memref<1x128xi32, #tpu.memory_space<vmem>>
          %dma_wait3A_194 = tpu.memref_squeeze %dma_wait3A_193 : memref<1x128xi32, #tpu.memory_space<vmem>> -> memref<128xi32, #tpu.memory_space<vmem>>
          %dma_wait3A_195 = arith.constant 0 : i32
          %dma_wait3A_196 = tpu.memref_slice %arg2[%add3A_184, %dma_wait3A_195] : memref<1280x128xi32, #tpu.memory_space<hbm>> -> memref<1x128xi32, #tpu.memory_space<hbm>>
          %dma_wait3A_197 = tpu.memref_squeeze %dma_wait3A_196 : memref<1x128xi32, #tpu.memory_space<hbm>> -> memref<128xi32, #tpu.memory_space<hbm>>
          tpu.wait_dma2 semaphore(%arg12 : memref<!tpu.dma_semaphore, #tpu.memory_space<semaphore_mem>>) src(%dma_wait3A_197 : memref<128xi32, #tpu.memory_space<hbm>>) dst(%dma_wait3A_194 : memref<128xi32, #tpu.memory_space<vmem>>)
          %add3A_198 = arith.constant 1 : i32
          %add3A_199 = arith.addi %scan3A_126, %add3A_198 : i32
          %rem3A_200 = arith.constant 3 : i32
          %rem3A_201 = arith.remsi %add3A_199, %rem3A_200 : i32
          %dma_start3A_202 = arith.constant 0 : i32
          %dma_start3A_203 = arith.constant 0 : i32
          %dma_start3A_204 = tpu.memref_slice %arg10[%rem3A_201, %dma_start3A_202, %dma_start3A_203] : memref<3x128x128xf32, #tpu.memory_space<vmem>> -> memref<1x128x128xf32, #tpu.memory_space<vmem>>
          %dma_start3A_205 = tpu.memref_squeeze %dma_start3A_204 : memref<1x128x128xf32, #tpu.memory_space<vmem>> -> memref<128x128xf32, #tpu.memory_space<vmem>>
          %dma_start3A_206 = arith.constant 0 : i32
          %dma_start3A_207 = tpu.memref_slice %arg8[%rem3A_201, %dma_start3A_206] : memref<3x128xi32, #tpu.memory_space<vmem>> -> memref<1x128xi32, #tpu.memory_space<vmem>>
          %dma_start3A_208 = tpu.memref_squeeze %dma_start3A_207 : memref<1x128xi32, #tpu.memory_space<vmem>> -> memref<128xi32, #tpu.memory_space<vmem>>
          %dma_start3A_209 = arith.constant 0 : i32
          %dma_start3A_210 = arith.constant 0 : i32
          %dma_start3A_211 = tpu.memref_slice %arg5[%dma_start3A_209, %dma_start3A_210] : memref<10000x128xf32, #tpu.memory_space<hbm>> -> memref<10000x128xf32, #tpu.memory_space<hbm>>
          tpu.enqueue_indirect_dma source(%dma_start3A_211 : memref<10000x128xf32, #tpu.memory_space<hbm>>) target(%dma_start3A_205 : memref<128x128xf32, #tpu.memory_space<vmem>>) offsets(%dma_start3A_208 : memref<128xi32, #tpu.memory_space<vmem>>) semaphore(%arg14 : memref<!tpu.dma_semaphore, #tpu.memory_space<semaphore_mem>>)
        } else {
        }
        %dma_wait3A_145 = arith.constant 0 : i32
        %dma_wait3A_146 = arith.constant 0 : i32
        %dma_wait3A_147 = arith.constant 0 : i32
        %dma_wait3A_148 = tpu.memref_slice %arg10[%rem3A_127, %dma_wait3A_146, %dma_wait3A_147] : memref<3x128x128xf32, #tpu.memory_space<vmem>> -> memref<1x128x128xf32, #tpu.memory_space<vmem>>
        %dma_wait3A_149 = tpu.memref_squeeze %dma_wait3A_148 : memref<1x128x128xf32, #tpu.memory_space<vmem>> -> memref<128x128xf32, #tpu.memory_space<vmem>>
        %dma_wait3A_150 = arith.constant 0 : i32
        %dma_wait3A_151 = tpu.memref_slice %arg8[%dma_wait3A_145, %dma_wait3A_150] : memref<3x128xi32, #tpu.memory_space<vmem>> -> memref<1x128xi32, #tpu.memory_space<vmem>>
        %dma_wait3A_152 = tpu.memref_squeeze %dma_wait3A_151 : memref<1x128xi32, #tpu.memory_space<vmem>> -> memref<128xi32, #tpu.memory_space<vmem>>
        %dma_wait3A_153 = arith.constant 0 : i32
        %dma_wait3A_154 = arith.constant 0 : i32
        %dma_wait3A_155 = tpu.memref_slice %arg5[%dma_wait3A_153, %dma_wait3A_154] : memref<10000x128xf32, #tpu.memory_space<hbm>> -> memref<10000x128xf32, #tpu.memory_space<hbm>>
        tpu.wait_indirect_dma semaphore(%arg14 : memref<!tpu.dma_semaphore, #tpu.memory_space<semaphore_mem>>) src(%dma_wait3A_155 : memref<10000x128xf32, #tpu.memory_space<hbm>>) dst(%dma_wait3A_149 : memref<128x128xf32, #tpu.memory_space<vmem>>)
        %add3A_156 = arith.addi %mul3A_0, %scan3A_126 : i32
        %dma_wait3A_157 = arith.constant 0 : i32
        %dma_wait3A_158 = arith.constant 0 : i32
        %dma_wait3A_159 = tpu.memref_slice %arg9[%dma_wait3A_157, %dma_wait3A_158] : memref<4x128xi32, #tpu.memory_space<vmem>> -> memref<1x128xi32, #tpu.memory_space<vmem>>
        %dma_wait3A_160 = tpu.memref_squeeze %dma_wait3A_159 : memref<1x128xi32, #tpu.memory_space<vmem>> -> memref<128xi32, #tpu.memory_space<vmem>>
        %dma_wait3A_161 = arith.constant 0 : i32
        %dma_wait3A_162 = tpu.memref_slice %arg3[%add3A_156, %dma_wait3A_161] : memref<1280x128xi32, #tpu.memory_space<hbm>> -> memref<1x128xi32, #tpu.memory_space<hbm>>
        %dma_wait3A_163 = tpu.memref_squeeze %dma_wait3A_162 : memref<1x128xi32, #tpu.memory_space<hbm>> -> memref<128xi32, #tpu.memory_space<hbm>>
        %dma_wait3A_164 = arith.constant 0 : i32
        %dma_wait3A_165 = tpu.memref_slice %arg9[%dma_wait3A_157, %dma_wait3A_164] : memref<4x128xi32, #tpu.memory_space<vmem>> -> memref<1x128xi32, #tpu.memory_space<vmem>>
        %dma_wait3A_166 = tpu.memref_squeeze %dma_wait3A_165 : memref<1x128xi32, #tpu.memory_space<vmem>> -> memref<128xi32, #tpu.memory_space<vmem>>
        %dma_wait3A_167 = arith.constant 0 : i32
        %dma_wait3A_168 = tpu.memref_slice %arg3[%add3A_156, %dma_wait3A_167] : memref<1280x128xi32, #tpu.memory_space<hbm>> -> memref<1x128xi32, #tpu.memory_space<hbm>>
        %dma_wait3A_169 = tpu.memref_squeeze %dma_wait3A_168 : memref<1x128xi32, #tpu.memory_space<hbm>> -> memref<128xi32, #tpu.memory_space<hbm>>
        tpu.wait_dma2 semaphore(%arg13 : memref<!tpu.dma_semaphore, #tpu.memory_space<semaphore_mem>>) src(%dma_wait3A_169 : memref<128xi32, #tpu.memory_space<hbm>>) dst(%dma_wait3A_166 : memref<128xi32, #tpu.memory_space<vmem>>)
        %rem3A_170 = arith.constant 4 : i32
        %rem3A_171 = arith.remsi %scan3A_126, %rem3A_170 : i32
        %dma_start3A_172 = arith.constant 0 : i32
        %dma_start3A_173 = arith.constant 0 : i32
        %dma_start3A_174 = tpu.memref_slice %arg10[%rem3A_127, %dma_start3A_172, %dma_start3A_173] : memref<3x128x128xf32, #tpu.memory_space<vmem>> -> memref<1x128x128xf32, #tpu.memory_space<vmem>>
        %dma_start3A_175 = tpu.memref_squeeze %dma_start3A_174 : memref<1x128x128xf32, #tpu.memory_space<vmem>> -> memref<128x128xf32, #tpu.memory_space<vmem>>
        %dma_start3A_176 = arith.constant 0 : i32
        %dma_start3A_177 = tpu.memref_slice %arg9[%rem3A_171, %dma_start3A_176] : memref<4x128xi32, #tpu.memory_space<vmem>> -> memref<1x128xi32, #tpu.memory_space<vmem>>
        %dma_start3A_178 = tpu.memref_squeeze %dma_start3A_177 : memref<1x128xi32, #tpu.memory_space<vmem>> -> memref<128xi32, #tpu.memory_space<vmem>>
        %dma_start3A_179 = arith.constant 0 : i32
        %dma_start3A_180 = arith.constant 0 : i32
        %dma_start3A_181 = tpu.memref_slice %arg11[%dma_start3A_179, %dma_start3A_180] : memref<10112x128xf32, #tpu.memory_space<vmem_shared>> -> memref<10112x128xf32, #tpu.memory_space<vmem_shared>>
        tpu.enqueue_indirect_dma source(%dma_start3A_175 : memref<128x128xf32, #tpu.memory_space<vmem>>) target(%dma_start3A_181 : memref<10112x128xf32, #tpu.memory_space<vmem_shared>>) offsets(%dma_start3A_178 : memref<128xi32, #tpu.memory_space<vmem>>) semaphore(%arg15 : memref<!tpu.dma_semaphore, #tpu.memory_space<semaphore_mem>>) {add = true}
      }
      %scan3A_101 = arith.constant 80 : i32
      %dma_wait3A_102 = arith.constant 0 : i32
      %dma_wait3A_103 = arith.constant 0 : i32
      %dma_wait3A_104 = arith.constant 0 : i32
      %dma_wait3A_105 = arith.constant 0 : i32
      %dma_wait3A_106 = tpu.memref_slice %arg10[%dma_wait3A_102, %dma_wait3A_104, %dma_wait3A_105] : memref<3x128x128xf32, #tpu.memory_space<vmem>> -> memref<1x128x128xf32, #tpu.memory_space<vmem>>
      %dma_wait3A_107 = tpu.memref_squeeze %dma_wait3A_106 : memref<1x128x128xf32, #tpu.memory_space<vmem>> -> memref<128x128xf32, #tpu.memory_space<vmem>>
      %dma_wait3A_108 = arith.constant 0 : i32
      %dma_wait3A_109 = tpu.memref_slice %arg9[%dma_wait3A_103, %dma_wait3A_108] : memref<4x128xi32, #tpu.memory_space<vmem>> -> memref<1x128xi32, #tpu.memory_space<vmem>>
      %dma_wait3A_110 = tpu.memref_squeeze %dma_wait3A_109 : memref<1x128xi32, #tpu.memory_space<vmem>> -> memref<128xi32, #tpu.memory_space<vmem>>
      %dma_wait3A_111 = arith.constant 0 : i32
      %dma_wait3A_112 = arith.constant 0 : i32
      %dma_wait3A_113 = tpu.memref_slice %arg11[%dma_wait3A_111, %dma_wait3A_112] : memref<10112x128xf32, #tpu.memory_space<vmem_shared>> -> memref<10112x128xf32, #tpu.memory_space<vmem_shared>>
      tpu.wait_indirect_dma semaphore(%arg15 : memref<!tpu.dma_semaphore, #tpu.memory_space<semaphore_mem>>) src(%dma_wait3A_107 : memref<128x128xf32, #tpu.memory_space<vmem>>) dst(%dma_wait3A_113 : memref<10112x128xf32, #tpu.memory_space<vmem_shared>>)
      %dma_wait3A_114 = arith.constant 0 : i32
      %dma_wait3A_115 = arith.constant 0 : i32
      %dma_wait3A_116 = arith.constant 0 : i32
      %dma_wait3A_117 = arith.constant 0 : i32
      %dma_wait3A_118 = tpu.memref_slice %arg10[%dma_wait3A_114, %dma_wait3A_116, %dma_wait3A_117] : memref<3x128x128xf32, #tpu.memory_space<vmem>> -> memref<1x128x128xf32, #tpu.memory_space<vmem>>
      %dma_wait3A_119 = tpu.memref_squeeze %dma_wait3A_118 : memref<1x128x128xf32, #tpu.memory_space<vmem>> -> memref<128x128xf32, #tpu.memory_space<vmem>>
      %dma_wait3A_120 = arith.constant 0 : i32
      %dma_wait3A_121 = tpu.memref_slice %arg9[%dma_wait3A_115, %dma_wait3A_120] : memref<4x128xi32, #tpu.memory_space<vmem>> -> memref<1x128xi32, #tpu.memory_space<vmem>>
      %dma_wait3A_122 = tpu.memref_squeeze %dma_wait3A_121 : memref<1x128xi32, #tpu.memory_space<vmem>> -> memref<128xi32, #tpu.memory_space<vmem>>
      %dma_wait3A_123 = arith.constant 0 : i32
      %dma_wait3A_124 = arith.constant 0 : i32
      %dma_wait3A_125 = tpu.memref_slice %arg11[%dma_wait3A_123, %dma_wait3A_124] : memref<10112x128xf32, #tpu.memory_space<vmem_shared>> -> memref<10112x128xf32, #tpu.memory_space<vmem_shared>>
      tpu.wait_indirect_dma semaphore(%arg15 : memref<!tpu.dma_semaphore, #tpu.memory_space<semaphore_mem>>) src(%dma_wait3A_119 : memref<128x128xf32, #tpu.memory_space<vmem>>) dst(%dma_wait3A_125 : memref<10112x128xf32, #tpu.memory_space<vmem_shared>>)
    } else {
    }
    %barrier3A_10 = arith.constant 0 : index
    tpu.barrier barrier_id(%barrier3A_10)
    %mul3A_11 = arith.constant 632 : i32
    %mul3A_12 = arith.muli %arg1, %mul3A_11 : i32
    %mul3A_13 = arith.constant 632 : i32
    %mul3A_14 = arith.muli %arg1, %mul3A_13 : i32
    "tpu.region"() ({
      %run_scoped3A = tpu.sem_alloc : memref<!tpu.dma_semaphore, #tpu.memory_space<semaphore_mem>>
      %dma_start3A = arith.constant 0 : i32
      %dma_start3A_15 = tpu.memref_slice %arg7[%arg0, %mul3A_14, %dma_start3A] : memref<2x10112x128xf32, #tpu.memory_space<hbm>> -> memref<1x632x128xf32, #tpu.memory_space<hbm>>
      %dma_start3A_16 = tpu.memref_squeeze %dma_start3A_15 : memref<1x632x128xf32, #tpu.memory_space<hbm>> -> memref<632x128xf32, #tpu.memory_space<hbm>>
      %dma_start3A_17 = arith.constant 0 : i32
      %dma_start3A_18 = tpu.memref_slice %arg11[%mul3A_12, %dma_start3A_17] : memref<10112x128xf32, #tpu.memory_space<vmem_shared>> -> memref<632x128xf32, #tpu.memory_space<vmem_shared>>
      tpu.enqueue_dma source(%dma_start3A_18 : memref<632x128xf32, #tpu.memory_space<vmem_shared>>) target(%dma_start3A_16 : memref<632x128xf32, #tpu.memory_space<hbm>>) target_semaphore(%run_scoped3A : memref<!tpu.dma_semaphore, #tpu.memory_space<semaphore_mem>>)
      %dma_wait3A = arith.constant 0 : i32
      %dma_wait3A_19 = tpu.memref_slice %arg7[%arg0, %mul3A_14, %dma_wait3A] : memref<2x10112x128xf32, #tpu.memory_space<hbm>> -> memref<1x632x128xf32, #tpu.memory_space<hbm>>
      %dma_wait3A_20 = tpu.memref_squeeze %dma_wait3A_19 : memref<1x632x128xf32, #tpu.memory_space<hbm>> -> memref<632x128xf32, #tpu.memory_space<hbm>>
      %dma_wait3A_21 = arith.constant 0 : i32
      %dma_wait3A_22 = tpu.memref_slice %arg11[%mul3A_12, %dma_wait3A_21] : memref<10112x128xf32, #tpu.memory_space<vmem_shared>> -> memref<632x128xf32, #tpu.memory_space<vmem_shared>>
      tpu.wait_dma2 semaphore(%run_scoped3A : memref<!tpu.dma_semaphore, #tpu.memory_space<semaphore_mem>>) src(%dma_wait3A_22 : memref<632x128xf32, #tpu.memory_space<vmem_shared>>) dst(%dma_wait3A_20 : memref<632x128xf32, #tpu.memory_space<hbm>>)
      tpu.yield
    }) : () -> ()
    return
  }
}

#map = affine_map<(d0, d1) -> (0, 0)>
#map1 = affine_map<(d0, d1) -> (0, 0, 0)>
module attributes {stable_mosaic.version = 14 : i64} {
  func.func @body(%arg0: i32, %arg1: i32, %arg2: memref<1280x128xi32, #tpu.memory_space<hbm>>, %arg3: memref<1280x128xi32, #tpu.memory_space<hbm>>, %arg4: memref<10000x128xf32, #tpu.memory_space<hbm>>, %arg5: memref<10000x128xf32, #tpu.memory_space<hbm>>, %arg6: memref<632x128xf32, #tpu.memory_space<hbm>>, %arg7: memref<2x10112x128xf32, #tpu.memory_space<hbm>>, %arg8: memref<3x128xi32, #tpu.memory_space<vmem>>, %arg9: memref<4x128xi32, #tpu.memory_space<vmem>>, %arg10: memref<3x128x128xf32, #tpu.memory_space<vmem>>, %arg11: memref<10112x128xf32, #tpu.memory_space<vmem_shared>>, %arg12: memref<!tpu.dma_semaphore, #tpu.memory_space<semaphore_mem>>, %arg13: memref<!tpu.dma_semaphore, #tpu.memory_space<semaphore_mem>>, %arg14: memref<!tpu.dma_semaphore, #tpu.memory_space<semaphore_mem>>, %arg15: memref<!tpu.dma_semaphore, #tpu.memory_space<semaphore_mem>>) attributes {dimension_semantics = [#tpu.dimension_semantics<core_parallel>, #tpu.dimension_semantics<subcore_parallel>], iteration_bounds = array<i64: 2, 16>, scalar_prefetch = 0 : i64, scratch_operands = 8 : i64, tpu.core_type = #tpu.core_type<sc_vector_subcore>, window_params = [{transform_indices = #map}, {transform_indices = #map}, {transform_indices = #map}, {transform_indices = #map}, {transform_indices = #map}, {transform_indices = #map1}]} {
    %mul3A = arith.constant 80 : i32
    %mul3A_0 = arith.muli %arg1, %mul3A : i32
    %mul3A_1 = arith.constant 632 : i32
    %mul3A_2 = arith.muli %arg1, %mul3A_1 : i32
    "tpu.region"() ({
      %run_scoped3A = tpu.sem_alloc : memref<!tpu.dma_semaphore, #tpu.memory_space<semaphore_mem>>
      %dma_start3A = arith.constant 0 : i32
      %dma_start3A_15 = tpu.memref_slice %arg11[%mul3A_2, %dma_start3A] : memref<10112x128xf32, #tpu.memory_space<vmem_shared>> -> memref<632x128xf32, #tpu.memory_space<vmem_shared>>
      tpu.enqueue_dma source(%arg6 : memref<632x128xf32, #tpu.memory_space<hbm>>) target(%dma_start3A_15 : memref<632x128xf32, #tpu.memory_space<vmem_shared>>) target_semaphore(%run_scoped3A : memref<!tpu.dma_semaphore, #tpu.memory_space<semaphore_mem>>)
      %dma_wait3A = arith.constant 0 : i32
      %dma_wait3A_16 = tpu.memref_slice %arg11[%mul3A_2, %dma_wait3A] : memref<10112x128xf32, #tpu.memory_space<vmem_shared>> -> memref<632x128xf32, #tpu.memory_space<vmem_shared>>
      tpu.wait_dma2 semaphore(%run_scoped3A : memref<!tpu.dma_semaphore, #tpu.memory_space<semaphore_mem>>) src(%arg6 : memref<632x128xf32, #tpu.memory_space<hbm>>) dst(%dma_wait3A_16 : memref<632x128xf32, #tpu.memory_space<vmem_shared>>)
      tpu.yield
    }) : () -> ()
    %barrier3A = arith.constant 0 : index
    tpu.barrier barrier_id(%barrier3A)
    %eq3A = arith.constant 0 : i32
    %eq3A_3 = arith.cmpi eq, %arg0, %eq3A : i32
    %convert_element_type3A = arith.extui %eq3A_3 : i1 to i32
    %cond3A = arith.constant 0 : i32
    %cond3A_4 = arith.cmpi ne, %convert_element_type3A, %cond3A : i32
    scf.if %cond3A_4 {
      %add3A = arith.constant 0 : i32
      %add3A_15 = arith.addi %mul3A_0, %add3A : i32
      %dma_start3A = arith.constant 0 : i32
      %dma_start3A_16 = arith.constant 0 : i32
      %dma_start3A_17 = tpu.memref_slice %arg8[%dma_start3A, %dma_start3A_16] : memref<3x128xi32, #tpu.memory_space<vmem>> -> memref<1x128xi32, #tpu.memory_space<vmem>>
      %dma_start3A_18 = tpu.memref_squeeze %dma_start3A_17 : memref<1x128xi32, #tpu.memory_space<vmem>> -> memref<128xi32, #tpu.memory_space<vmem>>
      %dma_start3A_19 = arith.constant 0 : i32
      %dma_start3A_20 = tpu.memref_slice %arg2[%add3A_15, %dma_start3A_19] : memref<1280x128xi32, #tpu.memory_space<hbm>> -> memref<1x128xi32, #tpu.memory_space<hbm>>
      %dma_start3A_21 = tpu.memref_squeeze %dma_start3A_20 : memref<1x128xi32, #tpu.memory_space<hbm>> -> memref<128xi32, #tpu.memory_space<hbm>>
      %dma_start3A_22 = arith.constant 0 : i32
      %dma_start3A_23 = tpu.memref_slice %arg8[%dma_start3A, %dma_start3A_22] : memref<3x128xi32, #tpu.memory_space<vmem>> -> memref<1x128xi32, #tpu.memory_space<vmem>>
      %dma_start3A_24 = tpu.memref_squeeze %dma_start3A_23 : memref<1x128xi32, #tpu.memory_space<vmem>> -> memref<128xi32, #tpu.memory_space<vmem>>
      %dma_start3A_25 = arith.constant 0 : i32
      %dma_start3A_26 = tpu.memref_slice %arg2[%add3A_15, %dma_start3A_25] : memref<1280x128xi32, #tpu.memory_space<hbm>> -> memref<1x128xi32, #tpu.memory_space<hbm>>
      %dma_start3A_27 = tpu.memref_squeeze %dma_start3A_26 : memref<1x128xi32, #tpu.memory_space<hbm>> -> memref<128xi32, #tpu.memory_space<hbm>>
      tpu.enqueue_dma source(%dma_start3A_27 : memref<128xi32, #tpu.memory_space<hbm>>) target(%dma_start3A_24 : memref<128xi32, #tpu.memory_space<vmem>>) target_semaphore(%arg12 : memref<!tpu.dma_semaphore, #tpu.memory_space<semaphore_mem>>)
      %add3A_28 = arith.constant 0 : i32
      %add3A_29 = arith.addi %mul3A_0, %add3A_28 : i32
      %dma_start3A_30 = arith.constant 0 : i32
      %dma_start3A_31 = arith.constant 0 : i32
      %dma_start3A_32 = tpu.memref_slice %arg9[%dma_start3A_30, %dma_start3A_31] : memref<4x128xi32, #tpu.memory_space<vmem>> -> memref<1x128xi32, #tpu.memory_space<vmem>>
      %dma_start3A_33 = tpu.memref_squeeze %dma_start3A_32 : memref<1x128xi32, #tpu.memory_space<vmem>> -> memref<128xi32, #tpu.memory_space<vmem>>
      %dma_start3A_34 = arith.constant 0 : i32
      %dma_start3A_35 = tpu.memref_slice %arg3[%add3A_29, %dma_start3A_34] : memref<1280x128xi32, #tpu.memory_space<hbm>> -> memref<1x128xi32, #tpu.memory_space<hbm>>
      %dma_start3A_36 = tpu.memref_squeeze %dma_start3A_35 : memref<1x128xi32, #tpu.memory_space<hbm>> -> memref<128xi32, #tpu.memory_space<hbm>>
      %dma_start3A_37 = arith.constant 0 : i32
      %dma_start3A_38 = tpu.memref_slice %arg9[%dma_start3A_30, %dma_start3A_37] : memref<4x128xi32, #tpu.memory_space<vmem>> -> memref<1x128xi32, #tpu.memory_space<vmem>>
      %dma_start3A_39 = tpu.memref_squeeze %dma_start3A_38 : memref<1x128xi32, #tpu.memory_space<vmem>> -> memref<128xi32, #tpu.memory_space<vmem>>
      %dma_start3A_40 = arith.constant 0 : i32
      %dma_start3A_41 = tpu.memref_slice %arg3[%add3A_29, %dma_start3A_40] : memref<1280x128xi32, #tpu.memory_space<hbm>> -> memref<1x128xi32, #tpu.memory_space<hbm>>
      %dma_start3A_42 = tpu.memref_squeeze %dma_start3A_41 : memref<1x128xi32, #tpu.memory_space<hbm>> -> memref<128xi32, #tpu.memory_space<hbm>>
      tpu.enqueue_dma source(%dma_start3A_42 : memref<128xi32, #tpu.memory_space<hbm>>) target(%dma_start3A_39 : memref<128xi32, #tpu.memory_space<vmem>>) target_semaphore(%arg13 : memref<!tpu.dma_semaphore, #tpu.memory_space<semaphore_mem>>)
      %add3A_43 = arith.constant 1 : i32
      %add3A_44 = arith.addi %mul3A_0, %add3A_43 : i32
      %dma_start3A_45 = arith.constant 1 : i32
      %dma_start3A_46 = arith.constant 0 : i32
      %dma_start3A_47 = tpu.memref_slice %arg8[%dma_start3A_45, %dma_start3A_46] : memref<3x128xi32, #tpu.memory_space<vmem>> -> memref<1x128xi32, #tpu.memory_space<vmem>>
      %dma_start3A_48 = tpu.memref_squeeze %dma_start3A_47 : memref<1x128xi32, #tpu.memory_space<vmem>> -> memref<128xi32, #tpu.memory_space<vmem>>
      %dma_start3A_49 = arith.constant 0 : i32
      %dma_start3A_50 = tpu.memref_slice %arg2[%add3A_44, %dma_start3A_49] : memref<1280x128xi32, #tpu.memory_space<hbm>> -> memref<1x128xi32, #tpu.memory_space<hbm>>
      %dma_start3A_51 = tpu.memref_squeeze %dma_start3A_50 : memref<1x128xi32, #tpu.memory_space<hbm>> -> memref<128xi32, #tpu.memory_space<hbm>>
      %dma_start3A_52 = arith.constant 0 : i32
      %dma_start3A_53 = tpu.memref_slice %arg8[%dma_start3A_45, %dma_start3A_52] : memref<3x128xi32, #tpu.memory_space<vmem>> -> memref<1x128xi32, #tpu.memory_space<vmem>>
      %dma_start3A_54 = tpu.memref_squeeze %dma_start3A_53 : memref<1x128xi32, #tpu.memory_space<vmem>> -> memref<128xi32, #tpu.memory_space<vmem>>
      %dma_start3A_55 = arith.constant 0 : i32
      %dma_start3A_56 = tpu.memref_slice %arg2[%add3A_44, %dma_start3A_55] : memref<1280x128xi32, #tpu.memory_space<hbm>> -> memref<1x128xi32, #tpu.memory_space<hbm>>
      %dma_start3A_57 = tpu.memref_squeeze %dma_start3A_56 : memref<1x128xi32, #tpu.memory_space<hbm>> -> memref<128xi32, #tpu.memory_space<hbm>>
      tpu.enqueue_dma source(%dma_start3A_57 : memref<128xi32, #tpu.memory_space<hbm>>) target(%dma_start3A_54 : memref<128xi32, #tpu.memory_space<vmem>>) target_semaphore(%arg12 : memref<!tpu.dma_semaphore, #tpu.memory_space<semaphore_mem>>)
      %add3A_58 = arith.constant 1 : i32
      %add3A_59 = arith.addi %mul3A_0, %add3A_58 : i32
      %dma_start3A_60 = arith.constant 1 : i32
      %dma_start3A_61 = arith.constant 0 : i32
      %dma_start3A_62 = tpu.memref_slice %arg9[%dma_start3A_60, %dma_start3A_61] : memref<4x128xi32, #tpu.memory_space<vmem>> -> memref<1x128xi32, #tpu.memory_space<vmem>>
      %dma_start3A_63 = tpu.memref_squeeze %dma_start3A_62 : memref<1x128xi32, #tpu.memory_space<vmem>> -> memref<128xi32, #tpu.memory_space<vmem>>
      %dma_start3A_64 = arith.constant 0 : i32
      %dma_start3A_65 = tpu.memref_slice %arg3[%add3A_59, %dma_start3A_64] : memref<1280x128xi32, #tpu.memory_space<hbm>> -> memref<1x128xi32, #tpu.memory_space<hbm>>
      %dma_start3A_66 = tpu.memref_squeeze %dma_start3A_65 : memref<1x128xi32, #tpu.memory_space<hbm>> -> memref<128xi32, #tpu.memory_space<hbm>>
      %dma_start3A_67 = arith.constant 0 : i32
      %dma_start3A_68 = tpu.memref_slice %arg9[%dma_start3A_60, %dma_start3A_67] : memref<4x128xi32, #tpu.memory_space<vmem>> -> memref<1x128xi32, #tpu.memory_space<vmem>>
      %dma_start3A_69 = tpu.memref_squeeze %dma_start3A_68 : memref<1x128xi32, #tpu.memory_space<vmem>> -> memref<128xi32, #tpu.memory_space<vmem>>
      %dma_start3A_70 = arith.constant 0 : i32
      %dma_start3A_71 = tpu.memref_slice %arg3[%add3A_59, %dma_start3A_70] : memref<1280x128xi32, #tpu.memory_space<hbm>> -> memref<1x128xi32, #tpu.memory_space<hbm>>
      %dma_start3A_72 = tpu.memref_squeeze %dma_start3A_71 : memref<1x128xi32, #tpu.memory_space<hbm>> -> memref<128xi32, #tpu.memory_space<hbm>>
      tpu.enqueue_dma source(%dma_start3A_72 : memref<128xi32, #tpu.memory_space<hbm>>) target(%dma_start3A_69 : memref<128xi32, #tpu.memory_space<vmem>>) target_semaphore(%arg13 : memref<!tpu.dma_semaphore, #tpu.memory_space<semaphore_mem>>)
      %dma_wait3A = arith.constant 0 : i32
      %dma_wait3A_73 = arith.constant 0 : i32
      %dma_wait3A_74 = tpu.memref_slice %arg8[%dma_wait3A, %dma_wait3A_73] : memref<3x128xi32, #tpu.memory_space<vmem>> -> memref<1x128xi32, #tpu.memory_space<vmem>>
      %dma_wait3A_75 = tpu.memref_squeeze %dma_wait3A_74 : memref<1x128xi32, #tpu.memory_space<vmem>> -> memref<128xi32, #tpu.memory_space<vmem>>
      %dma_wait3A_76 = arith.constant 0 : i32
      %dma_wait3A_77 = tpu.memref_slice %arg2[%mul3A_0, %dma_wait3A_76] : memref<1280x128xi32, #tpu.memory_space<hbm>> -> memref<1x128xi32, #tpu.memory_space<hbm>>
      %dma_wait3A_78 = tpu.memref_squeeze %dma_wait3A_77 : memref<1x128xi32, #tpu.memory_space<hbm>> -> memref<128xi32, #tpu.memory_space<hbm>>
      %dma_wait3A_79 = arith.constant 0 : i32
      %dma_wait3A_80 = tpu.memref_slice %arg8[%dma_wait3A, %dma_wait3A_79] : memref<3x128xi32, #tpu.memory_space<vmem>> -> memref<1x128xi32, #tpu.memory_space<vmem>>
      %dma_wait3A_81 = tpu.memref_squeeze %dma_wait3A_80 : memref<1x128xi32, #tpu.memory_space<vmem>> -> memref<128xi32, #tpu.memory_space<vmem>>
      %dma_wait3A_82 = arith.constant 0 : i32
      %dma_wait3A_83 = tpu.memref_slice %arg2[%mul3A_0, %dma_wait3A_82] : memref<1280x128xi32, #tpu.memory_space<hbm>> -> memref<1x128xi32, #tpu.memory_space<hbm>>
      %dma_wait3A_84 = tpu.memref_squeeze %dma_wait3A_83 : memref<1x128xi32, #tpu.memory_space<hbm>> -> memref<128xi32, #tpu.memory_space<hbm>>
      tpu.wait_dma2 semaphore(%arg12 : memref<!tpu.dma_semaphore, #tpu.memory_space<semaphore_mem>>) src(%dma_wait3A_84 : memref<128xi32, #tpu.memory_space<hbm>>) dst(%dma_wait3A_81 : memref<128xi32, #tpu.memory_space<vmem>>)
      %dma_start3A_85 = arith.constant 0 : i32
      %dma_start3A_86 = arith.constant 0 : i32
      %dma_start3A_87 = arith.constant 0 : i32
      %dma_start3A_88 = arith.constant 0 : i32
      %dma_start3A_89 = tpu.memref_slice %arg10[%dma_start3A_86, %dma_start3A_87, %dma_start3A_88] : memref<3x128x128xf32, #tpu.memory_space<vmem>> -> memref<1x128x128xf32, #tpu.memory_space<vmem>>
      %dma_start3A_90 = tpu.memref_squeeze %dma_start3A_89 : memref<1x128x128xf32, #tpu.memory_space<vmem>> -> memref<128x128xf32, #tpu.memory_space<vmem>>
      %dma_start3A_91 = arith.constant 0 : i32
      %dma_start3A_92 = tpu.memref_slice %arg8[%dma_start3A_85, %dma_start3A_91] : memref<3x128xi32, #tpu.memory_space<vmem>> -> memref<1x128xi32, #tpu.memory_space<vmem>>
      %dma_start3A_93 = tpu.memref_squeeze %dma_start3A_92 : memref<1x128xi32, #tpu.memory_space<vmem>> -> memref<128xi32, #tpu.memory_space<vmem>>
      %dma_start3A_94 = arith.constant 0 : i32
      %dma_start3A_95 = arith.constant 0 : i32
      %dma_start3A_96 = tpu.memref_slice %arg4[%dma_start3A_94, %dma_start3A_95] : memref<10000x128xf32, #tpu.memory_space<hbm>> -> memref<10000x128xf32, #tpu.memory_space<hbm>>
      tpu.enqueue_indirect_dma source(%dma_start3A_96 : memref<10000x128xf32, #tpu.memory_space<hbm>>) target(%dma_start3A_90 : memref<128x128xf32, #tpu.memory_space<vmem>>) offsets(%dma_start3A_93 : memref<128xi32, #tpu.memory_space<vmem>>) semaphore(%arg14 : memref<!tpu.dma_semaphore, #tpu.memory_space<semaphore_mem>>)
      %scan3A = arith.constant 0 : i32
      %scan3A_97 = arith.constant 0 : i32
      %scan3A_98 = arith.constant 80 : i32
      %scan3A_99 = arith.addi %scan3A_97, %scan3A_98 : i32
      %scan3A_100 = arith.constant 1 : i32
      scf.for %scan3A_126 = %scan3A_97 to %scan3A_99 step %scan3A_100  : i32 {
        %rem3A = arith.constant 3 : i32
        %rem3A_127 = arith.remsi %scan3A_126, %rem3A : i32
        %ge3A = arith.constant 2 : i32
        %ge3A_128 = arith.cmpi sge, %scan3A_126, %ge3A : i32
        %convert_element_type3A_129 = arith.extui %ge3A_128 : i1 to i32
        %cond3A_130 = arith.constant 0 : i32
        %cond3A_131 = arith.cmpi ne, %convert_element_type3A_129, %cond3A_130 : i32
        scf.if %cond3A_131 {
          %dma_wait3A_182 = arith.constant 0 : i32
          %dma_wait3A_183 = arith.constant 0 : i32
          %dma_wait3A_184 = arith.constant 0 : i32
          %dma_wait3A_185 = arith.constant 0 : i32
          %dma_wait3A_186 = tpu.memref_slice %arg10[%dma_wait3A_182, %dma_wait3A_184, %dma_wait3A_185] : memref<3x128x128xf32, #tpu.memory_space<vmem>> -> memref<1x128x128xf32, #tpu.memory_space<vmem>>
          %dma_wait3A_187 = tpu.memref_squeeze %dma_wait3A_186 : memref<1x128x128xf32, #tpu.memory_space<vmem>> -> memref<128x128xf32, #tpu.memory_space<vmem>>
          %dma_wait3A_188 = arith.constant 0 : i32
          %dma_wait3A_189 = tpu.memref_slice %arg9[%dma_wait3A_183, %dma_wait3A_188] : memref<4x128xi32, #tpu.memory_space<vmem>> -> memref<1x128xi32, #tpu.memory_space<vmem>>
          %dma_wait3A_190 = tpu.memref_squeeze %dma_wait3A_189 : memref<1x128xi32, #tpu.memory_space<vmem>> -> memref<128xi32, #tpu.memory_space<vmem>>
          %dma_wait3A_191 = arith.constant 0 : i32
          %dma_wait3A_192 = arith.constant 0 : i32
          %dma_wait3A_193 = tpu.memref_slice %arg11[%dma_wait3A_191, %dma_wait3A_192] : memref<10112x128xf32, #tpu.memory_space<vmem_shared>> -> memref<10112x128xf32, #tpu.memory_space<vmem_shared>>
          tpu.wait_indirect_dma semaphore(%arg15 : memref<!tpu.dma_semaphore, #tpu.memory_space<semaphore_mem>>) src(%dma_wait3A_187 : memref<128x128xf32, #tpu.memory_space<vmem>>) dst(%dma_wait3A_193 : memref<10112x128xf32, #tpu.memory_space<vmem_shared>>)
        } else {
        }
        %add3A_132 = arith.constant 2 : i32
        %add3A_133 = arith.addi %scan3A_126, %add3A_132 : i32
        %lt3A = arith.constant 80 : i32
        %lt3A_134 = arith.cmpi slt, %add3A_133, %lt3A : i32
        %convert_element_type3A_135 = arith.extui %lt3A_134 : i1 to i32
        %cond3A_136 = arith.constant 0 : i32
        %cond3A_137 = arith.cmpi ne, %convert_element_type3A_135, %cond3A_136 : i32
        scf.if %cond3A_137 {
          %add3A_182 = arith.addi %mul3A_0, %scan3A_126 : i32
          %add3A_183 = arith.constant 2 : i32
          %add3A_184 = arith.addi %add3A_182, %add3A_183 : i32
          %add3A_185 = arith.constant 2 : i32
          %add3A_186 = arith.addi %scan3A_126, %add3A_185 : i32
          %rem3A_187 = arith.constant 3 : i32
          %rem3A_188 = arith.remsi %add3A_186, %rem3A_187 : i32
          %dma_start3A_189 = arith.constant 0 : i32
          %dma_start3A_190 = tpu.memref_slice %arg8[%rem3A_188, %dma_start3A_189] : memref<3x128xi32, #tpu.memory_space<vmem>> -> memref<1x128xi32, #tpu.memory_space<vmem>>
          %dma_start3A_191 = tpu.memref_squeeze %dma_start3A_190 : memref<1x128xi32, #tpu.memory_space<vmem>> -> memref<128xi32, #tpu.memory_space<vmem>>
          %dma_start3A_192 = arith.constant 0 : i32
          %dma_start3A_193 = tpu.memref_slice %arg2[%add3A_184, %dma_start3A_192] : memref<1280x128xi32, #tpu.memory_space<hbm>> -> memref<1x128xi32, #tpu.memory_space<hbm>>
          %dma_start3A_194 = tpu.memref_squeeze %dma_start3A_193 : memref<1x128xi32, #tpu.memory_space<hbm>> -> memref<128xi32, #tpu.memory_space<hbm>>
          %dma_start3A_195 = arith.constant 0 : i32
          %dma_start3A_196 = tpu.memref_slice %arg8[%rem3A_188, %dma_start3A_195] : memref<3x128xi32, #tpu.memory_space<vmem>> -> memref<1x128xi32, #tpu.memory_space<vmem>>
          %dma_start3A_197 = tpu.memref_squeeze %dma_start3A_196 : memref<1x128xi32, #tpu.memory_space<vmem>> -> memref<128xi32, #tpu.memory_space<vmem>>
          %dma_start3A_198 = arith.constant 0 : i32
          %dma_start3A_199 = tpu.memref_slice %arg2[%add3A_184, %dma_start3A_198] : memref<1280x128xi32, #tpu.memory_space<hbm>> -> memref<1x128xi32, #tpu.memory_space<hbm>>
          %dma_start3A_200 = tpu.memref_squeeze %dma_start3A_199 : memref<1x128xi32, #tpu.memory_space<hbm>> -> memref<128xi32, #tpu.memory_space<hbm>>
          tpu.enqueue_dma source(%dma_start3A_200 : memref<128xi32, #tpu.memory_space<hbm>>) target(%dma_start3A_197 : memref<128xi32, #tpu.memory_space<vmem>>) target_semaphore(%arg12 : memref<!tpu.dma_semaphore, #tpu.memory_space<semaphore_mem>>)
          %add3A_201 = arith.addi %mul3A_0, %scan3A_126 : i32
          %add3A_202 = arith.constant 2 : i32
          %add3A_203 = arith.addi %add3A_201, %add3A_202 : i32
          %add3A_204 = arith.constant 2 : i32
          %add3A_205 = arith.addi %scan3A_126, %add3A_204 : i32
          %rem3A_206 = arith.constant 4 : i32
          %rem3A_207 = arith.remsi %add3A_205, %rem3A_206 : i32
          %dma_start3A_208 = arith.constant 0 : i32
          %dma_start3A_209 = tpu.memref_slice %arg9[%rem3A_207, %dma_start3A_208] : memref<4x128xi32, #tpu.memory_space<vmem>> -> memref<1x128xi32, #tpu.memory_space<vmem>>
          %dma_start3A_210 = tpu.memref_squeeze %dma_start3A_209 : memref<1x128xi32, #tpu.memory_space<vmem>> -> memref<128xi32, #tpu.memory_space<vmem>>
          %dma_start3A_211 = arith.constant 0 : i32
          %dma_start3A_212 = tpu.memref_slice %arg3[%add3A_203, %dma_start3A_211] : memref<1280x128xi32, #tpu.memory_space<hbm>> -> memref<1x128xi32, #tpu.memory_space<hbm>>
          %dma_start3A_213 = tpu.memref_squeeze %dma_start3A_212 : memref<1x128xi32, #tpu.memory_space<hbm>> -> memref<128xi32, #tpu.memory_space<hbm>>
          %dma_start3A_214 = arith.constant 0 : i32
          %dma_start3A_215 = tpu.memref_slice %arg9[%rem3A_207, %dma_start3A_214] : memref<4x128xi32, #tpu.memory_space<vmem>> -> memref<1x128xi32, #tpu.memory_space<vmem>>
          %dma_start3A_216 = tpu.memref_squeeze %dma_start3A_215 : memref<1x128xi32, #tpu.memory_space<vmem>> -> memref<128xi32, #tpu.memory_space<vmem>>
          %dma_start3A_217 = arith.constant 0 : i32
          %dma_start3A_218 = tpu.memref_slice %arg3[%add3A_203, %dma_start3A_217] : memref<1280x128xi32, #tpu.memory_space<hbm>> -> memref<1x128xi32, #tpu.memory_space<hbm>>
          %dma_start3A_219 = tpu.memref_squeeze %dma_start3A_218 : memref<1x128xi32, #tpu.memory_space<hbm>> -> memref<128xi32, #tpu.memory_space<hbm>>
          tpu.enqueue_dma source(%dma_start3A_219 : memref<128xi32, #tpu.memory_space<hbm>>) target(%dma_start3A_216 : memref<128xi32, #tpu.memory_space<vmem>>) target_semaphore(%arg13 : memref<!tpu.dma_semaphore, #tpu.memory_space<semaphore_mem>>)
        } else {
        }
        %add3A_138 = arith.constant 1 : i32
        %add3A_139 = arith.addi %scan3A_126, %add3A_138 : i32
        %lt3A_140 = arith.constant 80 : i32
        %lt3A_141 = arith.cmpi slt, %add3A_139, %lt3A_140 : i32
        %convert_element_type3A_142 = arith.extui %lt3A_141 : i1 to i32
        %cond3A_143 = arith.constant 0 : i32
        %cond3A_144 = arith.cmpi ne, %convert_element_type3A_142, %cond3A_143 : i32
        scf.if %cond3A_144 {
          %add3A_182 = arith.addi %mul3A_0, %scan3A_126 : i32
          %add3A_183 = arith.constant 1 : i32
          %add3A_184 = arith.addi %add3A_182, %add3A_183 : i32
          %dma_wait3A_185 = arith.constant 0 : i32
          %dma_wait3A_186 = arith.constant 0 : i32
          %dma_wait3A_187 = tpu.memref_slice %arg8[%dma_wait3A_185, %dma_wait3A_186] : memref<3x128xi32, #tpu.memory_space<vmem>> -> memref<1x128xi32, #tpu.memory_space<vmem>>
          %dma_wait3A_188 = tpu.memref_squeeze %dma_wait3A_187 : memref<1x128xi32, #tpu.memory_space<vmem>> -> memref<128xi32, #tpu.memory_space<vmem>>
          %dma_wait3A_189 = arith.constant 0 : i32
          %dma_wait3A_190 = tpu.memref_slice %arg2[%add3A_184, %dma_wait3A_189] : memref<1280x128xi32, #tpu.memory_space<hbm>> -> memref<1x128xi32, #tpu.memory_space<hbm>>
          %dma_wait3A_191 = tpu.memref_squeeze %dma_wait3A_190 : memref<1x128xi32, #tpu.memory_space<hbm>> -> memref<128xi32, #tpu.memory_space<hbm>>
          %dma_wait3A_192 = arith.constant 0 : i32
          %dma_wait3A_193 = tpu.memref_slice %arg8[%dma_wait3A_185, %dma_wait3A_192] : memref<3x128xi32, #tpu.memory_space<vmem>> -> memref<1x128xi32, #tpu.memory_space<vmem>>
          %dma_wait3A_194 = tpu.memref_squeeze %dma_wait3A_193 : memref<1x128xi32, #tpu.memory_space<vmem>> -> memref<128xi32, #tpu.memory_space<vmem>>
          %dma_wait3A_195 = arith.constant 0 : i32
          %dma_wait3A_196 = tpu.memref_slice %arg2[%add3A_184, %dma_wait3A_195] : memref<1280x128xi32, #tpu.memory_space<hbm>> -> memref<1x128xi32, #tpu.memory_space<hbm>>
          %dma_wait3A_197 = tpu.memref_squeeze %dma_wait3A_196 : memref<1x128xi32, #tpu.memory_space<hbm>> -> memref<128xi32, #tpu.memory_space<hbm>>
          tpu.wait_dma2 semaphore(%arg12 : memref<!tpu.dma_semaphore, #tpu.memory_space<semaphore_mem>>) src(%dma_wait3A_197 : memref<128xi32, #tpu.memory_space<hbm>>) dst(%dma_wait3A_194 : memref<128xi32, #tpu.memory_space<vmem>>)
          %add3A_198 = arith.constant 1 : i32
          %add3A_199 = arith.addi %scan3A_126, %add3A_198 : i32
          %rem3A_200 = arith.constant 3 : i32
          %rem3A_201 = arith.remsi %add3A_199, %rem3A_200 : i32
          %dma_start3A_202 = arith.constant 0 : i32
          %dma_start3A_203 = arith.constant 0 : i32
          %dma_start3A_204 = tpu.memref_slice %arg10[%rem3A_201, %dma_start3A_202, %dma_start3A_203] : memref<3x128x128xf32, #tpu.memory_space<vmem>> -> memref<1x128x128xf32, #tpu.memory_space<vmem>>
          %dma_start3A_205 = tpu.memref_squeeze %dma_start3A_204 : memref<1x128x128xf32, #tpu.memory_space<vmem>> -> memref<128x128xf32, #tpu.memory_space<vmem>>
          %dma_start3A_206 = arith.constant 0 : i32
          %dma_start3A_207 = tpu.memref_slice %arg8[%rem3A_201, %dma_start3A_206] : memref<3x128xi32, #tpu.memory_space<vmem>> -> memref<1x128xi32, #tpu.memory_space<vmem>>
          %dma_start3A_208 = tpu.memref_squeeze %dma_start3A_207 : memref<1x128xi32, #tpu.memory_space<vmem>> -> memref<128xi32, #tpu.memory_space<vmem>>
          %dma_start3A_209 = arith.constant 0 : i32
          %dma_start3A_210 = arith.constant 0 : i32
          %dma_start3A_211 = tpu.memref_slice %arg4[%dma_start3A_209, %dma_start3A_210] : memref<10000x128xf32, #tpu.memory_space<hbm>> -> memref<10000x128xf32, #tpu.memory_space<hbm>>
          tpu.enqueue_indirect_dma source(%dma_start3A_211 : memref<10000x128xf32, #tpu.memory_space<hbm>>) target(%dma_start3A_205 : memref<128x128xf32, #tpu.memory_space<vmem>>) offsets(%dma_start3A_208 : memref<128xi32, #tpu.memory_space<vmem>>) semaphore(%arg14 : memref<!tpu.dma_semaphore, #tpu.memory_space<semaphore_mem>>)
        } else {
        }
        %dma_wait3A_145 = arith.constant 0 : i32
        %dma_wait3A_146 = arith.constant 0 : i32
        %dma_wait3A_147 = arith.constant 0 : i32
        %dma_wait3A_148 = tpu.memref_slice %arg10[%rem3A_127, %dma_wait3A_146, %dma_wait3A_147] : memref<3x128x128xf32, #tpu.memory_space<vmem>> -> memref<1x128x128xf32, #tpu.memory_space<vmem>>
        %dma_wait3A_149 = tpu.memref_squeeze %dma_wait3A_148 : memref<1x128x128xf32, #tpu.memory_space<vmem>> -> memref<128x128xf32, #tpu.memory_space<vmem>>
        %dma_wait3A_150 = arith.constant 0 : i32
        %dma_wait3A_151 = tpu.memref_slice %arg8[%dma_wait3A_145, %dma_wait3A_150] : memref<3x128xi32, #tpu.memory_space<vmem>> -> memref<1x128xi32, #tpu.memory_space<vmem>>
        %dma_wait3A_152 = tpu.memref_squeeze %dma_wait3A_151 : memref<1x128xi32, #tpu.memory_space<vmem>> -> memref<128xi32, #tpu.memory_space<vmem>>
        %dma_wait3A_153 = arith.constant 0 : i32
        %dma_wait3A_154 = arith.constant 0 : i32
        %dma_wait3A_155 = tpu.memref_slice %arg4[%dma_wait3A_153, %dma_wait3A_154] : memref<10000x128xf32, #tpu.memory_space<hbm>> -> memref<10000x128xf32, #tpu.memory_space<hbm>>
        tpu.wait_indirect_dma semaphore(%arg14 : memref<!tpu.dma_semaphore, #tpu.memory_space<semaphore_mem>>) src(%dma_wait3A_155 : memref<10000x128xf32, #tpu.memory_space<hbm>>) dst(%dma_wait3A_149 : memref<128x128xf32, #tpu.memory_space<vmem>>)
        %add3A_156 = arith.addi %mul3A_0, %scan3A_126 : i32
        %dma_wait3A_157 = arith.constant 0 : i32
        %dma_wait3A_158 = arith.constant 0 : i32
        %dma_wait3A_159 = tpu.memref_slice %arg9[%dma_wait3A_157, %dma_wait3A_158] : memref<4x128xi32, #tpu.memory_space<vmem>> -> memref<1x128xi32, #tpu.memory_space<vmem>>
        %dma_wait3A_160 = tpu.memref_squeeze %dma_wait3A_159 : memref<1x128xi32, #tpu.memory_space<vmem>> -> memref<128xi32, #tpu.memory_space<vmem>>
        %dma_wait3A_161 = arith.constant 0 : i32
        %dma_wait3A_162 = tpu.memref_slice %arg3[%add3A_156, %dma_wait3A_161] : memref<1280x128xi32, #tpu.memory_space<hbm>> -> memref<1x128xi32, #tpu.memory_space<hbm>>
        %dma_wait3A_163 = tpu.memref_squeeze %dma_wait3A_162 : memref<1x128xi32, #tpu.memory_space<hbm>> -> memref<128xi32, #tpu.memory_space<hbm>>
        %dma_wait3A_164 = arith.constant 0 : i32
        %dma_wait3A_165 = tpu.memref_slice %arg9[%dma_wait3A_157, %dma_wait3A_164] : memref<4x128xi32, #tpu.memory_space<vmem>> -> memref<1x128xi32, #tpu.memory_space<vmem>>
        %dma_wait3A_166 = tpu.memref_squeeze %dma_wait3A_165 : memref<1x128xi32, #tpu.memory_space<vmem>> -> memref<128xi32, #tpu.memory_space<vmem>>
        %dma_wait3A_167 = arith.constant 0 : i32
        %dma_wait3A_168 = tpu.memref_slice %arg3[%add3A_156, %dma_wait3A_167] : memref<1280x128xi32, #tpu.memory_space<hbm>> -> memref<1x128xi32, #tpu.memory_space<hbm>>
        %dma_wait3A_169 = tpu.memref_squeeze %dma_wait3A_168 : memref<1x128xi32, #tpu.memory_space<hbm>> -> memref<128xi32, #tpu.memory_space<hbm>>
        tpu.wait_dma2 semaphore(%arg13 : memref<!tpu.dma_semaphore, #tpu.memory_space<semaphore_mem>>) src(%dma_wait3A_169 : memref<128xi32, #tpu.memory_space<hbm>>) dst(%dma_wait3A_166 : memref<128xi32, #tpu.memory_space<vmem>>)
        %rem3A_170 = arith.constant 4 : i32
        %rem3A_171 = arith.remsi %scan3A_126, %rem3A_170 : i32
        %dma_start3A_172 = arith.constant 0 : i32
        %dma_start3A_173 = arith.constant 0 : i32
        %dma_start3A_174 = tpu.memref_slice %arg10[%rem3A_127, %dma_start3A_172, %dma_start3A_173] : memref<3x128x128xf32, #tpu.memory_space<vmem>> -> memref<1x128x128xf32, #tpu.memory_space<vmem>>
        %dma_start3A_175 = tpu.memref_squeeze %dma_start3A_174 : memref<1x128x128xf32, #tpu.memory_space<vmem>> -> memref<128x128xf32, #tpu.memory_space<vmem>>
        %dma_start3A_176 = arith.constant 0 : i32
        %dma_start3A_177 = tpu.memref_slice %arg9[%rem3A_171, %dma_start3A_176] : memref<4x128xi32, #tpu.memory_space<vmem>> -> memref<1x128xi32, #tpu.memory_space<vmem>>
        %dma_start3A_178 = tpu.memref_squeeze %dma_start3A_177 : memref<1x128xi32, #tpu.memory_space<vmem>> -> memref<128xi32, #tpu.memory_space<vmem>>
        %dma_start3A_179 = arith.constant 0 : i32
        %dma_start3A_180 = arith.constant 0 : i32
        %dma_start3A_181 = tpu.memref_slice %arg11[%dma_start3A_179, %dma_start3A_180] : memref<10112x128xf32, #tpu.memory_space<vmem_shared>> -> memref<10112x128xf32, #tpu.memory_space<vmem_shared>>
        tpu.enqueue_indirect_dma source(%dma_start3A_175 : memref<128x128xf32, #tpu.memory_space<vmem>>) target(%dma_start3A_181 : memref<10112x128xf32, #tpu.memory_space<vmem_shared>>) offsets(%dma_start3A_178 : memref<128xi32, #tpu.memory_space<vmem>>) semaphore(%arg15 : memref<!tpu.dma_semaphore, #tpu.memory_space<semaphore_mem>>) {add = true}
      }
      %scan3A_101 = arith.constant 80 : i32
      %dma_wait3A_102 = arith.constant 0 : i32
      %dma_wait3A_103 = arith.constant 0 : i32
      %dma_wait3A_104 = arith.constant 0 : i32
      %dma_wait3A_105 = arith.constant 0 : i32
      %dma_wait3A_106 = tpu.memref_slice %arg10[%dma_wait3A_102, %dma_wait3A_104, %dma_wait3A_105] : memref<3x128x128xf32, #tpu.memory_space<vmem>> -> memref<1x128x128xf32, #tpu.memory_space<vmem>>
      %dma_wait3A_107 = tpu.memref_squeeze %dma_wait3A_106 : memref<1x128x128xf32, #tpu.memory_space<vmem>> -> memref<128x128xf32, #tpu.memory_space<vmem>>
      %dma_wait3A_108 = arith.constant 0 : i32
      %dma_wait3A_109 = tpu.memref_slice %arg9[%dma_wait3A_103, %dma_wait3A_108] : memref<4x128xi32, #tpu.memory_space<vmem>> -> memref<1x128xi32, #tpu.memory_space<vmem>>
      %dma_wait3A_110 = tpu.memref_squeeze %dma_wait3A_109 : memref<1x128xi32, #tpu.memory_space<vmem>> -> memref<128xi32, #tpu.memory_space<vmem>>
      %dma_wait3A_111 = arith.constant 0 : i32
      %dma_wait3A_112 = arith.constant 0 : i32
      %dma_wait3A_113 = tpu.memref_slice %arg11[%dma_wait3A_111, %dma_wait3A_112] : memref<10112x128xf32, #tpu.memory_space<vmem_shared>> -> memref<10112x128xf32, #tpu.memory_space<vmem_shared>>
      tpu.wait_indirect_dma semaphore(%arg15 : memref<!tpu.dma_semaphore, #tpu.memory_space<semaphore_mem>>) src(%dma_wait3A_107 : memref<128x128xf32, #tpu.memory_space<vmem>>) dst(%dma_wait3A_113 : memref<10112x128xf32, #tpu.memory_space<vmem_shared>>)
      %dma_wait3A_114 = arith.constant 0 : i32
      %dma_wait3A_115 = arith.constant 0 : i32
      %dma_wait3A_116 = arith.constant 0 : i32
      %dma_wait3A_117 = arith.constant 0 : i32
      %dma_wait3A_118 = tpu.memref_slice %arg10[%dma_wait3A_114, %dma_wait3A_116, %dma_wait3A_117] : memref<3x128x128xf32, #tpu.memory_space<vmem>> -> memref<1x128x128xf32, #tpu.memory_space<vmem>>
      %dma_wait3A_119 = tpu.memref_squeeze %dma_wait3A_118 : memref<1x128x128xf32, #tpu.memory_space<vmem>> -> memref<128x128xf32, #tpu.memory_space<vmem>>
      %dma_wait3A_120 = arith.constant 0 : i32
      %dma_wait3A_121 = tpu.memref_slice %arg9[%dma_wait3A_115, %dma_wait3A_120] : memref<4x128xi32, #tpu.memory_space<vmem>> -> memref<1x128xi32, #tpu.memory_space<vmem>>
      %dma_wait3A_122 = tpu.memref_squeeze %dma_wait3A_121 : memref<1x128xi32, #tpu.memory_space<vmem>> -> memref<128xi32, #tpu.memory_space<vmem>>
      %dma_wait3A_123 = arith.constant 0 : i32
      %dma_wait3A_124 = arith.constant 0 : i32
      %dma_wait3A_125 = tpu.memref_slice %arg11[%dma_wait3A_123, %dma_wait3A_124] : memref<10112x128xf32, #tpu.memory_space<vmem_shared>> -> memref<10112x128xf32, #tpu.memory_space<vmem_shared>>
      tpu.wait_indirect_dma semaphore(%arg15 : memref<!tpu.dma_semaphore, #tpu.memory_space<semaphore_mem>>) src(%dma_wait3A_119 : memref<128x128xf32, #tpu.memory_space<vmem>>) dst(%dma_wait3A_125 : memref<10112x128xf32, #tpu.memory_space<vmem_shared>>)
    } else {
    }
    %eq3A_5 = arith.constant 1 : i32
    %eq3A_6 = arith.cmpi eq, %arg0, %eq3A_5 : i32
    %convert_element_type3A_7 = arith.extui %eq3A_6 : i1 to i32
    %cond3A_8 = arith.constant 0 : i32
    %cond3A_9 = arith.cmpi ne, %convert_element_type3A_7, %cond3A_8 : i32
    scf.if %cond3A_9 {
      %add3A = arith.constant 0 : i32
      %add3A_15 = arith.addi %mul3A_0, %add3A : i32
      %dma_start3A = arith.constant 0 : i32
      %dma_start3A_16 = arith.constant 0 : i32
      %dma_start3A_17 = tpu.memref_slice %arg8[%dma_start3A, %dma_start3A_16] : memref<3x128xi32, #tpu.memory_space<vmem>> -> memref<1x128xi32, #tpu.memory_space<vmem>>
      %dma_start3A_18 = tpu.memref_squeeze %dma_start3A_17 : memref<1x128xi32, #tpu.memory_space<vmem>> -> memref<128xi32, #tpu.memory_space<vmem>>
      %dma_start3A_19 = arith.constant 0 : i32
      %dma_start3A_20 = tpu.memref_slice %arg2[%add3A_15, %dma_start3A_19] : memref<1280x128xi32, #tpu.memory_space<hbm>> -> memref<1x128xi32, #tpu.memory_space<hbm>>
      %dma_start3A_21 = tpu.memref_squeeze %dma_start3A_20 : memref<1x128xi32, #tpu.memory_space<hbm>> -> memref<128xi32, #tpu.memory_space<hbm>>
      %dma_start3A_22 = arith.constant 0 : i32
      %dma_start3A_23 = tpu.memref_slice %arg8[%dma_start3A, %dma_start3A_22] : memref<3x128xi32, #tpu.memory_space<vmem>> -> memref<1x128xi32, #tpu.memory_space<vmem>>
      %dma_start3A_24 = tpu.memref_squeeze %dma_start3A_23 : memref<1x128xi32, #tpu.memory_space<vmem>> -> memref<128xi32, #tpu.memory_space<vmem>>
      %dma_start3A_25 = arith.constant 0 : i32
      %dma_start3A_26 = tpu.memref_slice %arg2[%add3A_15, %dma_start3A_25] : memref<1280x128xi32, #tpu.memory_space<hbm>> -> memref<1x128xi32, #tpu.memory_space<hbm>>
      %dma_start3A_27 = tpu.memref_squeeze %dma_start3A_26 : memref<1x128xi32, #tpu.memory_space<hbm>> -> memref<128xi32, #tpu.memory_space<hbm>>
      tpu.enqueue_dma source(%dma_start3A_27 : memref<128xi32, #tpu.memory_space<hbm>>) target(%dma_start3A_24 : memref<128xi32, #tpu.memory_space<vmem>>) target_semaphore(%arg12 : memref<!tpu.dma_semaphore, #tpu.memory_space<semaphore_mem>>)
      %add3A_28 = arith.constant 0 : i32
      %add3A_29 = arith.addi %mul3A_0, %add3A_28 : i32
      %dma_start3A_30 = arith.constant 0 : i32
      %dma_start3A_31 = arith.constant 0 : i32
      %dma_start3A_32 = tpu.memref_slice %arg9[%dma_start3A_30, %dma_start3A_31] : memref<4x128xi32, #tpu.memory_space<vmem>> -> memref<1x128xi32, #tpu.memory_space<vmem>>
      %dma_start3A_33 = tpu.memref_squeeze %dma_start3A_32 : memref<1x128xi32, #tpu.memory_space<vmem>> -> memref<128xi32, #tpu.memory_space<vmem>>
      %dma_start3A_34 = arith.constant 0 : i32
      %dma_start3A_35 = tpu.memref_slice %arg3[%add3A_29, %dma_start3A_34] : memref<1280x128xi32, #tpu.memory_space<hbm>> -> memref<1x128xi32, #tpu.memory_space<hbm>>
      %dma_start3A_36 = tpu.memref_squeeze %dma_start3A_35 : memref<1x128xi32, #tpu.memory_space<hbm>> -> memref<128xi32, #tpu.memory_space<hbm>>
      %dma_start3A_37 = arith.constant 0 : i32
      %dma_start3A_38 = tpu.memref_slice %arg9[%dma_start3A_30, %dma_start3A_37] : memref<4x128xi32, #tpu.memory_space<vmem>> -> memref<1x128xi32, #tpu.memory_space<vmem>>
      %dma_start3A_39 = tpu.memref_squeeze %dma_start3A_38 : memref<1x128xi32, #tpu.memory_space<vmem>> -> memref<128xi32, #tpu.memory_space<vmem>>
      %dma_start3A_40 = arith.constant 0 : i32
      %dma_start3A_41 = tpu.memref_slice %arg3[%add3A_29, %dma_start3A_40] : memref<1280x128xi32, #tpu.memory_space<hbm>> -> memref<1x128xi32, #tpu.memory_space<hbm>>
      %dma_start3A_42 = tpu.memref_squeeze %dma_start3A_41 : memref<1x128xi32, #tpu.memory_space<hbm>> -> memref<128xi32, #tpu.memory_space<hbm>>
      tpu.enqueue_dma source(%dma_start3A_42 : memref<128xi32, #tpu.memory_space<hbm>>) target(%dma_start3A_39 : memref<128xi32, #tpu.memory_space<vmem>>) target_semaphore(%arg13 : memref<!tpu.dma_semaphore, #tpu.memory_space<semaphore_mem>>)
      %add3A_43 = arith.constant 1 : i32
      %add3A_44 = arith.addi %mul3A_0, %add3A_43 : i32
      %dma_start3A_45 = arith.constant 1 : i32
      %dma_start3A_46 = arith.constant 0 : i32
      %dma_start3A_47 = tpu.memref_slice %arg8[%dma_start3A_45, %dma_start3A_46] : memref<3x128xi32, #tpu.memory_space<vmem>> -> memref<1x128xi32, #tpu.memory_space<vmem>>
      %dma_start3A_48 = tpu.memref_squeeze %dma_start3A_47 : memref<1x128xi32, #tpu.memory_space<vmem>> -> memref<128xi32, #tpu.memory_space<vmem>>
      %dma_start3A_49 = arith.constant 0 : i32
      %dma_start3A_50 = tpu.memref_slice %arg2[%add3A_44, %dma_start3A_49] : memref<1280x128xi32, #tpu.memory_space<hbm>> -> memref<1x128xi32, #tpu.memory_space<hbm>>
      %dma_start3A_51 = tpu.memref_squeeze %dma_start3A_50 : memref<1x128xi32, #tpu.memory_space<hbm>> -> memref<128xi32, #tpu.memory_space<hbm>>
      %dma_start3A_52 = arith.constant 0 : i32
      %dma_start3A_53 = tpu.memref_slice %arg8[%dma_start3A_45, %dma_start3A_52] : memref<3x128xi32, #tpu.memory_space<vmem>> -> memref<1x128xi32, #tpu.memory_space<vmem>>
      %dma_start3A_54 = tpu.memref_squeeze %dma_start3A_53 : memref<1x128xi32, #tpu.memory_space<vmem>> -> memref<128xi32, #tpu.memory_space<vmem>>
      %dma_start3A_55 = arith.constant 0 : i32
      %dma_start3A_56 = tpu.memref_slice %arg2[%add3A_44, %dma_start3A_55] : memref<1280x128xi32, #tpu.memory_space<hbm>> -> memref<1x128xi32, #tpu.memory_space<hbm>>
      %dma_start3A_57 = tpu.memref_squeeze %dma_start3A_56 : memref<1x128xi32, #tpu.memory_space<hbm>> -> memref<128xi32, #tpu.memory_space<hbm>>
      tpu.enqueue_dma source(%dma_start3A_57 : memref<128xi32, #tpu.memory_space<hbm>>) target(%dma_start3A_54 : memref<128xi32, #tpu.memory_space<vmem>>) target_semaphore(%arg12 : memref<!tpu.dma_semaphore, #tpu.memory_space<semaphore_mem>>)
      %add3A_58 = arith.constant 1 : i32
      %add3A_59 = arith.addi %mul3A_0, %add3A_58 : i32
      %dma_start3A_60 = arith.constant 1 : i32
      %dma_start3A_61 = arith.constant 0 : i32
      %dma_start3A_62 = tpu.memref_slice %arg9[%dma_start3A_60, %dma_start3A_61] : memref<4x128xi32, #tpu.memory_space<vmem>> -> memref<1x128xi32, #tpu.memory_space<vmem>>
      %dma_start3A_63 = tpu.memref_squeeze %dma_start3A_62 : memref<1x128xi32, #tpu.memory_space<vmem>> -> memref<128xi32, #tpu.memory_space<vmem>>
      %dma_start3A_64 = arith.constant 0 : i32
      %dma_start3A_65 = tpu.memref_slice %arg3[%add3A_59, %dma_start3A_64] : memref<1280x128xi32, #tpu.memory_space<hbm>> -> memref<1x128xi32, #tpu.memory_space<hbm>>
      %dma_start3A_66 = tpu.memref_squeeze %dma_start3A_65 : memref<1x128xi32, #tpu.memory_space<hbm>> -> memref<128xi32, #tpu.memory_space<hbm>>
      %dma_start3A_67 = arith.constant 0 : i32
      %dma_start3A_68 = tpu.memref_slice %arg9[%dma_start3A_60, %dma_start3A_67] : memref<4x128xi32, #tpu.memory_space<vmem>> -> memref<1x128xi32, #tpu.memory_space<vmem>>
      %dma_start3A_69 = tpu.memref_squeeze %dma_start3A_68 : memref<1x128xi32, #tpu.memory_space<vmem>> -> memref<128xi32, #tpu.memory_space<vmem>>
      %dma_start3A_70 = arith.constant 0 : i32
      %dma_start3A_71 = tpu.memref_slice %arg3[%add3A_59, %dma_start3A_70] : memref<1280x128xi32, #tpu.memory_space<hbm>> -> memref<1x128xi32, #tpu.memory_space<hbm>>
      %dma_start3A_72 = tpu.memref_squeeze %dma_start3A_71 : memref<1x128xi32, #tpu.memory_space<hbm>> -> memref<128xi32, #tpu.memory_space<hbm>>
      tpu.enqueue_dma source(%dma_start3A_72 : memref<128xi32, #tpu.memory_space<hbm>>) target(%dma_start3A_69 : memref<128xi32, #tpu.memory_space<vmem>>) target_semaphore(%arg13 : memref<!tpu.dma_semaphore, #tpu.memory_space<semaphore_mem>>)
      %dma_wait3A = arith.constant 0 : i32
      %dma_wait3A_73 = arith.constant 0 : i32
      %dma_wait3A_74 = tpu.memref_slice %arg8[%dma_wait3A, %dma_wait3A_73] : memref<3x128xi32, #tpu.memory_space<vmem>> -> memref<1x128xi32, #tpu.memory_space<vmem>>
      %dma_wait3A_75 = tpu.memref_squeeze %dma_wait3A_74 : memref<1x128xi32, #tpu.memory_space<vmem>> -> memref<128xi32, #tpu.memory_space<vmem>>
      %dma_wait3A_76 = arith.constant 0 : i32
      %dma_wait3A_77 = tpu.memref_slice %arg2[%mul3A_0, %dma_wait3A_76] : memref<1280x128xi32, #tpu.memory_space<hbm>> -> memref<1x128xi32, #tpu.memory_space<hbm>>
      %dma_wait3A_78 = tpu.memref_squeeze %dma_wait3A_77 : memref<1x128xi32, #tpu.memory_space<hbm>> -> memref<128xi32, #tpu.memory_space<hbm>>
      %dma_wait3A_79 = arith.constant 0 : i32
      %dma_wait3A_80 = tpu.memref_slice %arg8[%dma_wait3A, %dma_wait3A_79] : memref<3x128xi32, #tpu.memory_space<vmem>> -> memref<1x128xi32, #tpu.memory_space<vmem>>
      %dma_wait3A_81 = tpu.memref_squeeze %dma_wait3A_80 : memref<1x128xi32, #tpu.memory_space<vmem>> -> memref<128xi32, #tpu.memory_space<vmem>>
      %dma_wait3A_82 = arith.constant 0 : i32
      %dma_wait3A_83 = tpu.memref_slice %arg2[%mul3A_0, %dma_wait3A_82] : memref<1280x128xi32, #tpu.memory_space<hbm>> -> memref<1x128xi32, #tpu.memory_space<hbm>>
      %dma_wait3A_84 = tpu.memref_squeeze %dma_wait3A_83 : memref<1x128xi32, #tpu.memory_space<hbm>> -> memref<128xi32, #tpu.memory_space<hbm>>
      tpu.wait_dma2 semaphore(%arg12 : memref<!tpu.dma_semaphore, #tpu.memory_space<semaphore_mem>>) src(%dma_wait3A_84 : memref<128xi32, #tpu.memory_space<hbm>>) dst(%dma_wait3A_81 : memref<128xi32, #tpu.memory_space<vmem>>)
      %dma_start3A_85 = arith.constant 0 : i32
      %dma_start3A_86 = arith.constant 0 : i32
      %dma_start3A_87 = arith.constant 0 : i32
      %dma_start3A_88 = arith.constant 0 : i32
      %dma_start3A_89 = tpu.memref_slice %arg10[%dma_start3A_86, %dma_start3A_87, %dma_start3A_88] : memref<3x128x128xf32, #tpu.memory_space<vmem>> -> memref<1x128x128xf32, #tpu.memory_space<vmem>>
      %dma_start3A_90 = tpu.memref_squeeze %dma_start3A_89 : memref<1x128x128xf32, #tpu.memory_space<vmem>> -> memref<128x128xf32, #tpu.memory_space<vmem>>
      %dma_start3A_91 = arith.constant 0 : i32
      %dma_start3A_92 = tpu.memref_slice %arg8[%dma_start3A_85, %dma_start3A_91] : memref<3x128xi32, #tpu.memory_space<vmem>> -> memref<1x128xi32, #tpu.memory_space<vmem>>
      %dma_start3A_93 = tpu.memref_squeeze %dma_start3A_92 : memref<1x128xi32, #tpu.memory_space<vmem>> -> memref<128xi32, #tpu.memory_space<vmem>>
      %dma_start3A_94 = arith.constant 0 : i32
      %dma_start3A_95 = arith.constant 0 : i32
      %dma_start3A_96 = tpu.memref_slice %arg5[%dma_start3A_94, %dma_start3A_95] : memref<10000x128xf32, #tpu.memory_space<hbm>> -> memref<10000x128xf32, #tpu.memory_space<hbm>>
      tpu.enqueue_indirect_dma source(%dma_start3A_96 : memref<10000x128xf32, #tpu.memory_space<hbm>>) target(%dma_start3A_90 : memref<128x128xf32, #tpu.memory_space<vmem>>) offsets(%dma_start3A_93 : memref<128xi32, #tpu.memory_space<vmem>>) semaphore(%arg14 : memref<!tpu.dma_semaphore, #tpu.memory_space<semaphore_mem>>)
      %scan3A = arith.constant 0 : i32
      %scan3A_97 = arith.constant 0 : i32
      %scan3A_98 = arith.constant 80 : i32
      %scan3A_99 = arith.addi %scan3A_97, %scan3A_98 : i32
      %scan3A_100 = arith.constant 1 : i32
      scf.for %scan3A_126 = %scan3A_97 to %scan3A_99 step %scan3A_100  : i32 {
        %rem3A = arith.constant 3 : i32
        %rem3A_127 = arith.remsi %scan3A_126, %rem3A : i32
        %ge3A = arith.constant 2 : i32
        %ge3A_128 = arith.cmpi sge, %scan3A_126, %ge3A : i32
        %convert_element_type3A_129 = arith.extui %ge3A_128 : i1 to i32
        %cond3A_130 = arith.constant 0 : i32
        %cond3A_131 = arith.cmpi ne, %convert_element_type3A_129, %cond3A_130 : i32
        scf.if %cond3A_131 {
          %dma_wait3A_182 = arith.constant 0 : i32
          %dma_wait3A_183 = arith.constant 0 : i32
          %dma_wait3A_184 = arith.constant 0 : i32
          %dma_wait3A_185 = arith.constant 0 : i32
          %dma_wait3A_186 = tpu.memref_slice %arg10[%dma_wait3A_182, %dma_wait3A_184, %dma_wait3A_185] : memref<3x128x128xf32, #tpu.memory_space<vmem>> -> memref<1x128x128xf32, #tpu.memory_space<vmem>>
          %dma_wait3A_187 = tpu.memref_squeeze %dma_wait3A_186 : memref<1x128x128xf32, #tpu.memory_space<vmem>> -> memref<128x128xf32, #tpu.memory_space<vmem>>
          %dma_wait3A_188 = arith.constant 0 : i32
          %dma_wait3A_189 = tpu.memref_slice %arg9[%dma_wait3A_183, %dma_wait3A_188] : memref<4x128xi32, #tpu.memory_space<vmem>> -> memref<1x128xi32, #tpu.memory_space<vmem>>
          %dma_wait3A_190 = tpu.memref_squeeze %dma_wait3A_189 : memref<1x128xi32, #tpu.memory_space<vmem>> -> memref<128xi32, #tpu.memory_space<vmem>>
          %dma_wait3A_191 = arith.constant 0 : i32
          %dma_wait3A_192 = arith.constant 0 : i32
          %dma_wait3A_193 = tpu.memref_slice %arg11[%dma_wait3A_191, %dma_wait3A_192] : memref<10112x128xf32, #tpu.memory_space<vmem_shared>> -> memref<10112x128xf32, #tpu.memory_space<vmem_shared>>
          tpu.wait_indirect_dma semaphore(%arg15 : memref<!tpu.dma_semaphore, #tpu.memory_space<semaphore_mem>>) src(%dma_wait3A_187 : memref<128x128xf32, #tpu.memory_space<vmem>>) dst(%dma_wait3A_193 : memref<10112x128xf32, #tpu.memory_space<vmem_shared>>)
        } else {
        }
        %add3A_132 = arith.constant 2 : i32
        %add3A_133 = arith.addi %scan3A_126, %add3A_132 : i32
        %lt3A = arith.constant 80 : i32
        %lt3A_134 = arith.cmpi slt, %add3A_133, %lt3A : i32
        %convert_element_type3A_135 = arith.extui %lt3A_134 : i1 to i32
        %cond3A_136 = arith.constant 0 : i32
        %cond3A_137 = arith.cmpi ne, %convert_element_type3A_135, %cond3A_136 : i32
        scf.if %cond3A_137 {
          %add3A_182 = arith.addi %mul3A_0, %scan3A_126 : i32
          %add3A_183 = arith.constant 2 : i32
          %add3A_184 = arith.addi %add3A_182, %add3A_183 : i32
          %add3A_185 = arith.constant 2 : i32
          %add3A_186 = arith.addi %scan3A_126, %add3A_185 : i32
          %rem3A_187 = arith.constant 3 : i32
          %rem3A_188 = arith.remsi %add3A_186, %rem3A_187 : i32
          %dma_start3A_189 = arith.constant 0 : i32
          %dma_start3A_190 = tpu.memref_slice %arg8[%rem3A_188, %dma_start3A_189] : memref<3x128xi32, #tpu.memory_space<vmem>> -> memref<1x128xi32, #tpu.memory_space<vmem>>
          %dma_start3A_191 = tpu.memref_squeeze %dma_start3A_190 : memref<1x128xi32, #tpu.memory_space<vmem>> -> memref<128xi32, #tpu.memory_space<vmem>>
          %dma_start3A_192 = arith.constant 0 : i32
          %dma_start3A_193 = tpu.memref_slice %arg2[%add3A_184, %dma_start3A_192] : memref<1280x128xi32, #tpu.memory_space<hbm>> -> memref<1x128xi32, #tpu.memory_space<hbm>>
          %dma_start3A_194 = tpu.memref_squeeze %dma_start3A_193 : memref<1x128xi32, #tpu.memory_space<hbm>> -> memref<128xi32, #tpu.memory_space<hbm>>
          %dma_start3A_195 = arith.constant 0 : i32
          %dma_start3A_196 = tpu.memref_slice %arg8[%rem3A_188, %dma_start3A_195] : memref<3x128xi32, #tpu.memory_space<vmem>> -> memref<1x128xi32, #tpu.memory_space<vmem>>
          %dma_start3A_197 = tpu.memref_squeeze %dma_start3A_196 : memref<1x128xi32, #tpu.memory_space<vmem>> -> memref<128xi32, #tpu.memory_space<vmem>>
          %dma_start3A_198 = arith.constant 0 : i32
          %dma_start3A_199 = tpu.memref_slice %arg2[%add3A_184, %dma_start3A_198] : memref<1280x128xi32, #tpu.memory_space<hbm>> -> memref<1x128xi32, #tpu.memory_space<hbm>>
          %dma_start3A_200 = tpu.memref_squeeze %dma_start3A_199 : memref<1x128xi32, #tpu.memory_space<hbm>> -> memref<128xi32, #tpu.memory_space<hbm>>
          tpu.enqueue_dma source(%dma_start3A_200 : memref<128xi32, #tpu.memory_space<hbm>>) target(%dma_start3A_197 : memref<128xi32, #tpu.memory_space<vmem>>) target_semaphore(%arg12 : memref<!tpu.dma_semaphore, #tpu.memory_space<semaphore_mem>>)
          %add3A_201 = arith.addi %mul3A_0, %scan3A_126 : i32
          %add3A_202 = arith.constant 2 : i32
          %add3A_203 = arith.addi %add3A_201, %add3A_202 : i32
          %add3A_204 = arith.constant 2 : i32
          %add3A_205 = arith.addi %scan3A_126, %add3A_204 : i32
          %rem3A_206 = arith.constant 4 : i32
          %rem3A_207 = arith.remsi %add3A_205, %rem3A_206 : i32
          %dma_start3A_208 = arith.constant 0 : i32
          %dma_start3A_209 = tpu.memref_slice %arg9[%rem3A_207, %dma_start3A_208] : memref<4x128xi32, #tpu.memory_space<vmem>> -> memref<1x128xi32, #tpu.memory_space<vmem>>
          %dma_start3A_210 = tpu.memref_squeeze %dma_start3A_209 : memref<1x128xi32, #tpu.memory_space<vmem>> -> memref<128xi32, #tpu.memory_space<vmem>>
          %dma_start3A_211 = arith.constant 0 : i32
          %dma_start3A_212 = tpu.memref_slice %arg3[%add3A_203, %dma_start3A_211] : memref<1280x128xi32, #tpu.memory_space<hbm>> -> memref<1x128xi32, #tpu.memory_space<hbm>>
          %dma_start3A_213 = tpu.memref_squeeze %dma_start3A_212 : memref<1x128xi32, #tpu.memory_space<hbm>> -> memref<128xi32, #tpu.memory_space<hbm>>
          %dma_start3A_214 = arith.constant 0 : i32
          %dma_start3A_215 = tpu.memref_slice %arg9[%rem3A_207, %dma_start3A_214] : memref<4x128xi32, #tpu.memory_space<vmem>> -> memref<1x128xi32, #tpu.memory_space<vmem>>
          %dma_start3A_216 = tpu.memref_squeeze %dma_start3A_215 : memref<1x128xi32, #tpu.memory_space<vmem>> -> memref<128xi32, #tpu.memory_space<vmem>>
          %dma_start3A_217 = arith.constant 0 : i32
          %dma_start3A_218 = tpu.memref_slice %arg3[%add3A_203, %dma_start3A_217] : memref<1280x128xi32, #tpu.memory_space<hbm>> -> memref<1x128xi32, #tpu.memory_space<hbm>>
          %dma_start3A_219 = tpu.memref_squeeze %dma_start3A_218 : memref<1x128xi32, #tpu.memory_space<hbm>> -> memref<128xi32, #tpu.memory_space<hbm>>
          tpu.enqueue_dma source(%dma_start3A_219 : memref<128xi32, #tpu.memory_space<hbm>>) target(%dma_start3A_216 : memref<128xi32, #tpu.memory_space<vmem>>) target_semaphore(%arg13 : memref<!tpu.dma_semaphore, #tpu.memory_space<semaphore_mem>>)
        } else {
        }
        %add3A_138 = arith.constant 1 : i32
        %add3A_139 = arith.addi %scan3A_126, %add3A_138 : i32
        %lt3A_140 = arith.constant 80 : i32
        %lt3A_141 = arith.cmpi slt, %add3A_139, %lt3A_140 : i32
        %convert_element_type3A_142 = arith.extui %lt3A_141 : i1 to i32
        %cond3A_143 = arith.constant 0 : i32
        %cond3A_144 = arith.cmpi ne, %convert_element_type3A_142, %cond3A_143 : i32
        scf.if %cond3A_144 {
          %add3A_182 = arith.addi %mul3A_0, %scan3A_126 : i32
          %add3A_183 = arith.constant 1 : i32
          %add3A_184 = arith.addi %add3A_182, %add3A_183 : i32
          %dma_wait3A_185 = arith.constant 0 : i32
          %dma_wait3A_186 = arith.constant 0 : i32
          %dma_wait3A_187 = tpu.memref_slice %arg8[%dma_wait3A_185, %dma_wait3A_186] : memref<3x128xi32, #tpu.memory_space<vmem>> -> memref<1x128xi32, #tpu.memory_space<vmem>>
          %dma_wait3A_188 = tpu.memref_squeeze %dma_wait3A_187 : memref<1x128xi32, #tpu.memory_space<vmem>> -> memref<128xi32, #tpu.memory_space<vmem>>
          %dma_wait3A_189 = arith.constant 0 : i32
          %dma_wait3A_190 = tpu.memref_slice %arg2[%add3A_184, %dma_wait3A_189] : memref<1280x128xi32, #tpu.memory_space<hbm>> -> memref<1x128xi32, #tpu.memory_space<hbm>>
          %dma_wait3A_191 = tpu.memref_squeeze %dma_wait3A_190 : memref<1x128xi32, #tpu.memory_space<hbm>> -> memref<128xi32, #tpu.memory_space<hbm>>
          %dma_wait3A_192 = arith.constant 0 : i32
          %dma_wait3A_193 = tpu.memref_slice %arg8[%dma_wait3A_185, %dma_wait3A_192] : memref<3x128xi32, #tpu.memory_space<vmem>> -> memref<1x128xi32, #tpu.memory_space<vmem>>
          %dma_wait3A_194 = tpu.memref_squeeze %dma_wait3A_193 : memref<1x128xi32, #tpu.memory_space<vmem>> -> memref<128xi32, #tpu.memory_space<vmem>>
          %dma_wait3A_195 = arith.constant 0 : i32
          %dma_wait3A_196 = tpu.memref_slice %arg2[%add3A_184, %dma_wait3A_195] : memref<1280x128xi32, #tpu.memory_space<hbm>> -> memref<1x128xi32, #tpu.memory_space<hbm>>
          %dma_wait3A_197 = tpu.memref_squeeze %dma_wait3A_196 : memref<1x128xi32, #tpu.memory_space<hbm>> -> memref<128xi32, #tpu.memory_space<hbm>>
          tpu.wait_dma2 semaphore(%arg12 : memref<!tpu.dma_semaphore, #tpu.memory_space<semaphore_mem>>) src(%dma_wait3A_197 : memref<128xi32, #tpu.memory_space<hbm>>) dst(%dma_wait3A_194 : memref<128xi32, #tpu.memory_space<vmem>>)
          %add3A_198 = arith.constant 1 : i32
          %add3A_199 = arith.addi %scan3A_126, %add3A_198 : i32
          %rem3A_200 = arith.constant 3 : i32
          %rem3A_201 = arith.remsi %add3A_199, %rem3A_200 : i32
          %dma_start3A_202 = arith.constant 0 : i32
          %dma_start3A_203 = arith.constant 0 : i32
          %dma_start3A_204 = tpu.memref_slice %arg10[%rem3A_201, %dma_start3A_202, %dma_start3A_203] : memref<3x128x128xf32, #tpu.memory_space<vmem>> -> memref<1x128x128xf32, #tpu.memory_space<vmem>>
          %dma_start3A_205 = tpu.memref_squeeze %dma_start3A_204 : memref<1x128x128xf32, #tpu.memory_space<vmem>> -> memref<128x128xf32, #tpu.memory_space<vmem>>
          %dma_start3A_206 = arith.constant 0 : i32
          %dma_start3A_207 = tpu.memref_slice %arg8[%rem3A_201, %dma_start3A_206] : memref<3x128xi32, #tpu.memory_space<vmem>> -> memref<1x128xi32, #tpu.memory_space<vmem>>
          %dma_start3A_208 = tpu.memref_squeeze %dma_start3A_207 : memref<1x128xi32, #tpu.memory_space<vmem>> -> memref<128xi32, #tpu.memory_space<vmem>>
          %dma_start3A_209 = arith.constant 0 : i32
          %dma_start3A_210 = arith.constant 0 : i32
          %dma_start3A_211 = tpu.memref_slice %arg5[%dma_start3A_209, %dma_start3A_210] : memref<10000x128xf32, #tpu.memory_space<hbm>> -> memref<10000x128xf32, #tpu.memory_space<hbm>>
          tpu.enqueue_indirect_dma source(%dma_start3A_211 : memref<10000x128xf32, #tpu.memory_space<hbm>>) target(%dma_start3A_205 : memref<128x128xf32, #tpu.memory_space<vmem>>) offsets(%dma_start3A_208 : memref<128xi32, #tpu.memory_space<vmem>>) semaphore(%arg14 : memref<!tpu.dma_semaphore, #tpu.memory_space<semaphore_mem>>)
        } else {
        }
        %dma_wait3A_145 = arith.constant 0 : i32
        %dma_wait3A_146 = arith.constant 0 : i32
        %dma_wait3A_147 = arith.constant 0 : i32
        %dma_wait3A_148 = tpu.memref_slice %arg10[%rem3A_127, %dma_wait3A_146, %dma_wait3A_147] : memref<3x128x128xf32, #tpu.memory_space<vmem>> -> memref<1x128x128xf32, #tpu.memory_space<vmem>>
        %dma_wait3A_149 = tpu.memref_squeeze %dma_wait3A_148 : memref<1x128x128xf32, #tpu.memory_space<vmem>> -> memref<128x128xf32, #tpu.memory_space<vmem>>
        %dma_wait3A_150 = arith.constant 0 : i32
        %dma_wait3A_151 = tpu.memref_slice %arg8[%dma_wait3A_145, %dma_wait3A_150] : memref<3x128xi32, #tpu.memory_space<vmem>> -> memref<1x128xi32, #tpu.memory_space<vmem>>
        %dma_wait3A_152 = tpu.memref_squeeze %dma_wait3A_151 : memref<1x128xi32, #tpu.memory_space<vmem>> -> memref<128xi32, #tpu.memory_space<vmem>>
        %dma_wait3A_153 = arith.constant 0 : i32
        %dma_wait3A_154 = arith.constant 0 : i32
        %dma_wait3A_155 = tpu.memref_slice %arg5[%dma_wait3A_153, %dma_wait3A_154] : memref<10000x128xf32, #tpu.memory_space<hbm>> -> memref<10000x128xf32, #tpu.memory_space<hbm>>
        tpu.wait_indirect_dma semaphore(%arg14 : memref<!tpu.dma_semaphore, #tpu.memory_space<semaphore_mem>>) src(%dma_wait3A_155 : memref<10000x128xf32, #tpu.memory_space<hbm>>) dst(%dma_wait3A_149 : memref<128x128xf32, #tpu.memory_space<vmem>>)
        %add3A_156 = arith.addi %mul3A_0, %scan3A_126 : i32
        %dma_wait3A_157 = arith.constant 0 : i32
        %dma_wait3A_158 = arith.constant 0 : i32
        %dma_wait3A_159 = tpu.memref_slice %arg9[%dma_wait3A_157, %dma_wait3A_158] : memref<4x128xi32, #tpu.memory_space<vmem>> -> memref<1x128xi32, #tpu.memory_space<vmem>>
        %dma_wait3A_160 = tpu.memref_squeeze %dma_wait3A_159 : memref<1x128xi32, #tpu.memory_space<vmem>> -> memref<128xi32, #tpu.memory_space<vmem>>
        %dma_wait3A_161 = arith.constant 0 : i32
        %dma_wait3A_162 = tpu.memref_slice %arg3[%add3A_156, %dma_wait3A_161] : memref<1280x128xi32, #tpu.memory_space<hbm>> -> memref<1x128xi32, #tpu.memory_space<hbm>>
        %dma_wait3A_163 = tpu.memref_squeeze %dma_wait3A_162 : memref<1x128xi32, #tpu.memory_space<hbm>> -> memref<128xi32, #tpu.memory_space<hbm>>
        %dma_wait3A_164 = arith.constant 0 : i32
        %dma_wait3A_165 = tpu.memref_slice %arg9[%dma_wait3A_157, %dma_wait3A_164] : memref<4x128xi32, #tpu.memory_space<vmem>> -> memref<1x128xi32, #tpu.memory_space<vmem>>
        %dma_wait3A_166 = tpu.memref_squeeze %dma_wait3A_165 : memref<1x128xi32, #tpu.memory_space<vmem>> -> memref<128xi32, #tpu.memory_space<vmem>>
        %dma_wait3A_167 = arith.constant 0 : i32
        %dma_wait3A_168 = tpu.memref_slice %arg3[%add3A_156, %dma_wait3A_167] : memref<1280x128xi32, #tpu.memory_space<hbm>> -> memref<1x128xi32, #tpu.memory_space<hbm>>
        %dma_wait3A_169 = tpu.memref_squeeze %dma_wait3A_168 : memref<1x128xi32, #tpu.memory_space<hbm>> -> memref<128xi32, #tpu.memory_space<hbm>>
        tpu.wait_dma2 semaphore(%arg13 : memref<!tpu.dma_semaphore, #tpu.memory_space<semaphore_mem>>) src(%dma_wait3A_169 : memref<128xi32, #tpu.memory_space<hbm>>) dst(%dma_wait3A_166 : memref<128xi32, #tpu.memory_space<vmem>>)
        %rem3A_170 = arith.constant 4 : i32
        %rem3A_171 = arith.remsi %scan3A_126, %rem3A_170 : i32
        %dma_start3A_172 = arith.constant 0 : i32
        %dma_start3A_173 = arith.constant 0 : i32
        %dma_start3A_174 = tpu.memref_slice %arg10[%rem3A_127, %dma_start3A_172, %dma_start3A_173] : memref<3x128x128xf32, #tpu.memory_space<vmem>> -> memref<1x128x128xf32, #tpu.memory_space<vmem>>
        %dma_start3A_175 = tpu.memref_squeeze %dma_start3A_174 : memref<1x128x128xf32, #tpu.memory_space<vmem>> -> memref<128x128xf32, #tpu.memory_space<vmem>>
        %dma_start3A_176 = arith.constant 0 : i32
        %dma_start3A_177 = tpu.memref_slice %arg9[%rem3A_171, %dma_start3A_176] : memref<4x128xi32, #tpu.memory_space<vmem>> -> memref<1x128xi32, #tpu.memory_space<vmem>>
        %dma_start3A_178 = tpu.memref_squeeze %dma_start3A_177 : memref<1x128xi32, #tpu.memory_space<vmem>> -> memref<128xi32, #tpu.memory_space<vmem>>
        %dma_start3A_179 = arith.constant 0 : i32
        %dma_start3A_180 = arith.constant 0 : i32
        %dma_start3A_181 = tpu.memref_slice %arg11[%dma_start3A_179, %dma_start3A_180] : memref<10112x128xf32, #tpu.memory_space<vmem_shared>> -> memref<10112x128xf32, #tpu.memory_space<vmem_shared>>
        tpu.enqueue_indirect_dma source(%dma_start3A_175 : memref<128x128xf32, #tpu.memory_space<vmem>>) target(%dma_start3A_181 : memref<10112x128xf32, #tpu.memory_space<vmem_shared>>) offsets(%dma_start3A_178 : memref<128xi32, #tpu.memory_space<vmem>>) semaphore(%arg15 : memref<!tpu.dma_semaphore, #tpu.memory_space<semaphore_mem>>) {add = true}
      }
      %scan3A_101 = arith.constant 80 : i32
      %dma_wait3A_102 = arith.constant 0 : i32
      %dma_wait3A_103 = arith.constant 0 : i32
      %dma_wait3A_104 = arith.constant 0 : i32
      %dma_wait3A_105 = arith.constant 0 : i32
      %dma_wait3A_106 = tpu.memref_slice %arg10[%dma_wait3A_102, %dma_wait3A_104, %dma_wait3A_105] : memref<3x128x128xf32, #tpu.memory_space<vmem>> -> memref<1x128x128xf32, #tpu.memory_space<vmem>>
      %dma_wait3A_107 = tpu.memref_squeeze %dma_wait3A_106 : memref<1x128x128xf32, #tpu.memory_space<vmem>> -> memref<128x128xf32, #tpu.memory_space<vmem>>
      %dma_wait3A_108 = arith.constant 0 : i32
      %dma_wait3A_109 = tpu.memref_slice %arg9[%dma_wait3A_103, %dma_wait3A_108] : memref<4x128xi32, #tpu.memory_space<vmem>> -> memref<1x128xi32, #tpu.memory_space<vmem>>
      %dma_wait3A_110 = tpu.memref_squeeze %dma_wait3A_109 : memref<1x128xi32, #tpu.memory_space<vmem>> -> memref<128xi32, #tpu.memory_space<vmem>>
      %dma_wait3A_111 = arith.constant 0 : i32
      %dma_wait3A_112 = arith.constant 0 : i32
      %dma_wait3A_113 = tpu.memref_slice %arg11[%dma_wait3A_111, %dma_wait3A_112] : memref<10112x128xf32, #tpu.memory_space<vmem_shared>> -> memref<10112x128xf32, #tpu.memory_space<vmem_shared>>
      tpu.wait_indirect_dma semaphore(%arg15 : memref<!tpu.dma_semaphore, #tpu.memory_space<semaphore_mem>>) src(%dma_wait3A_107 : memref<128x128xf32, #tpu.memory_space<vmem>>) dst(%dma_wait3A_113 : memref<10112x128xf32, #tpu.memory_space<vmem_shared>>)
      %dma_wait3A_114 = arith.constant 0 : i32
      %dma_wait3A_115 = arith.constant 0 : i32
      %dma_wait3A_116 = arith.constant 0 : i32
      %dma_wait3A_117 = arith.constant 0 : i32
      %dma_wait3A_118 = tpu.memref_slice %arg10[%dma_wait3A_114, %dma_wait3A_116, %dma_wait3A_117] : memref<3x128x128xf32, #tpu.memory_space<vmem>> -> memref<1x128x128xf32, #tpu.memory_space<vmem>>
      %dma_wait3A_119 = tpu.memref_squeeze %dma_wait3A_118 : memref<1x128x128xf32, #tpu.memory_space<vmem>> -> memref<128x128xf32, #tpu.memory_space<vmem>>
      %dma_wait3A_120 = arith.constant 0 : i32
      %dma_wait3A_121 = tpu.memref_slice %arg9[%dma_wait3A_115, %dma_wait3A_120] : memref<4x128xi32, #tpu.memory_space<vmem>> -> memref<1x128xi32, #tpu.memory_space<vmem>>
      %dma_wait3A_122 = tpu.memref_squeeze %dma_wait3A_121 : memref<1x128xi32, #tpu.memory_space<vmem>> -> memref<128xi32, #tpu.memory_space<vmem>>
      %dma_wait3A_123 = arith.constant 0 : i32
      %dma_wait3A_124 = arith.constant 0 : i32
      %dma_wait3A_125 = tpu.memref_slice %arg11[%dma_wait3A_123, %dma_wait3A_124] : memref<10112x128xf32, #tpu.memory_space<vmem_shared>> -> memref<10112x128xf32, #tpu.memory_space<vmem_shared>>
      tpu.wait_indirect_dma semaphore(%arg15 : memref<!tpu.dma_semaphore, #tpu.memory_space<semaphore_mem>>) src(%dma_wait3A_119 : memref<128x128xf32, #tpu.memory_space<vmem>>) dst(%dma_wait3A_125 : memref<10112x128xf32, #tpu.memory_space<vmem_shared>>)
    } else {
    }
    %barrier3A_10 = arith.constant 0 : index
    tpu.barrier barrier_id(%barrier3A_10)
    %mul3A_11 = arith.constant 632 : i32
    %mul3A_12 = arith.muli %arg1, %mul3A_11 : i32
    %mul3A_13 = arith.constant 632 : i32
    %mul3A_14 = arith.muli %arg1, %mul3A_13 : i32
    "tpu.region"() ({
      %run_scoped3A = tpu.sem_alloc : memref<!tpu.dma_semaphore, #tpu.memory_space<semaphore_mem>>
      %dma_start3A = arith.constant 0 : i32
      %dma_start3A_15 = tpu.memref_slice %arg7[%arg0, %mul3A_14, %dma_start3A] : memref<2x10112x128xf32, #tpu.memory_space<hbm>> -> memref<1x632x128xf32, #tpu.memory_space<hbm>>
      %dma_start3A_16 = tpu.memref_squeeze %dma_start3A_15 : memref<1x632x128xf32, #tpu.memory_space<hbm>> -> memref<632x128xf32, #tpu.memory_space<hbm>>
      %dma_start3A_17 = arith.constant 0 : i32
      %dma_start3A_18 = tpu.memref_slice %arg11[%mul3A_12, %dma_start3A_17] : memref<10112x128xf32, #tpu.memory_space<vmem_shared>> -> memref<632x128xf32, #tpu.memory_space<vmem_shared>>
      tpu.enqueue_dma source(%dma_start3A_18 : memref<632x128xf32, #tpu.memory_space<vmem_shared>>) target(%dma_start3A_16 : memref<632x128xf32, #tpu.memory_space<hbm>>) target_semaphore(%run_scoped3A : memref<!tpu.dma_semaphore, #tpu.memory_space<semaphore_mem>>)
      %dma_wait3A = arith.constant 0 : i32
      %dma_wait3A_19 = tpu.memref_slice %arg7[%arg0, %mul3A_14, %dma_wait3A] : memref<2x10112x128xf32, #tpu.memory_space<hbm>> -> memref<1x632x128xf32, #tpu.memory_space<hbm>>
      %dma_wait3A_20 = tpu.memref_squeeze %dma_wait3A_19 : memref<1x632x128xf32, #tpu.memory_space<hbm>> -> memref<632x128xf32, #tpu.memory_space<hbm>>
      %dma_wait3A_21 = arith.constant 0 : i32
      %dma_wait3A_22 = tpu.memref_slice %arg11[%mul3A_12, %dma_wait3A_21] : memref<10112x128xf32, #tpu.memory_space<vmem_shared>> -> memref<632x128xf32, #tpu.memory_space<vmem_shared>>
      tpu.wait_dma2 semaphore(%run_scoped3A : memref<!tpu.dma_semaphore, #tpu.memory_space<semaphore_mem>>) src(%dma_wait3A_22 : memref<632x128xf32, #tpu.memory_space<vmem_shared>>) dst(%dma_wait3A_20 : memref<632x128xf32, #tpu.memory_space<hbm>>)
      tpu.yield
    }) : () -> ()
    return
  }
}

module attributes {stable_mosaic.version = 14 : i64} {
  func.func @body(%arg0: i32, %arg1: memref<400x256xf32, #tpu.memory_space<vmem>>, %arg2: memref<2x400x128xf32, #tpu.memory_space<vmem>>, %arg3: memref<2x400x128xf32, #tpu.memory_space<vmem>>) attributes {dimension_semantics = [#tpu.dimension_semantics<arbitrary>], iteration_bounds = array<i64: 25>, scalar_prefetch = 0 : i64, scratch_operands = 0 : i64, tpu.core_type = #tpu.core_type<tc>, window_params = [{transform_indices = @transform_0, window_bounds = array<i64: 400, 256>}, {transform_indices = @transform_1, window_bounds = array<i64: 2, 400, 128>}, {transform_indices = @transform_2, window_bounds = array<i64: 2, 400, 128>}]} {
    %get3A = arith.constant 0 : index
    %get3A_0 = arith.constant 0 : index
    %get3A_1 = arith.constant 0 : index
    %get3A_2 = vector.load %arg2[%get3A, %get3A_0, %get3A_1] : memref<2x400x128xf32, #tpu.memory_space<vmem>>, vector<1x400x128xf32>
    %get3A_3 = vector.shape_cast %get3A_2 : vector<1x400x128xf32> to vector<400x128xf32>
    %slice3A = vector.extract_strided_slice %get3A_3 {offsets = [0, 0], sizes = [400, 1], strides = [1, 1]} : vector<400x128xf32> to vector<400x1xf32>
    %squeeze3A = vector.shape_cast %slice3A : vector<400x1xf32> to vector<400xf32>
    %get3A_4 = arith.constant 1 : index
    %get3A_5 = arith.constant 0 : index
    %get3A_6 = arith.constant 0 : index
    %get3A_7 = vector.load %arg2[%get3A_4, %get3A_5, %get3A_6] : memref<2x400x128xf32, #tpu.memory_space<vmem>>, vector<1x400x128xf32>
    %get3A_8 = vector.shape_cast %get3A_7 : vector<1x400x128xf32> to vector<400x128xf32>
    %slice3A_9 = vector.extract_strided_slice %get3A_8 {offsets = [0, 0], sizes = [400, 1], strides = [1, 1]} : vector<400x128xf32> to vector<400x1xf32>
    %squeeze3A_10 = vector.shape_cast %slice3A_9 : vector<400x1xf32> to vector<400xf32>
    %add3A = arith.addf %squeeze3A, %squeeze3A_10 : vector<400xf32>
    %add3A_11 = arith.constant 1.000000e+00 : f32
    %add3A_12 = vector.broadcast %add3A_11 : f32 to vector<400xf32>
    %add3A_13 = arith.addf %add3A, %add3A_12 : vector<400xf32>
    %rsqrt3A = math.rsqrt %add3A_13 : vector<400xf32>
    %get3A_14 = arith.constant 0 : index
    %get3A_15 = arith.constant 0 : index
    %get3A_16 = vector.load %arg1[%get3A_14, %get3A_15] : memref<400x256xf32, #tpu.memory_space<vmem>>, vector<400x256xf32>
    %broadcast_in_dim3A = vector.shape_cast %rsqrt3A : vector<400xf32> to vector<400x1xf32>
    %mul3A = vector.broadcast %broadcast_in_dim3A : vector<400x1xf32> to vector<400x256xf32>
    %mul3A_17 = arith.mulf %get3A_16, %mul3A : vector<400x256xf32>
    %slice3A_18 = vector.extract_strided_slice %mul3A_17 {offsets = [0, 0], sizes = [400, 128], strides = [1, 1]} : vector<400x256xf32> to vector<400x128xf32>
    %swap3A = arith.constant 0 : index
    %swap3A_19 = arith.constant 0 : index
    %swap3A_20 = arith.constant 0 : index
    %swap3A_21 = vector.load %arg3[%swap3A, %swap3A_19, %swap3A_20] : memref<2x400x128xf32, #tpu.memory_space<vmem>>, vector<1x400x128xf32>
    %swap3A_22 = vector.shape_cast %swap3A_21 : vector<1x400x128xf32> to vector<400x128xf32>
    %swap3A_23 = vector.shape_cast %slice3A_18 : vector<400x128xf32> to vector<1x400x128xf32>
    tpu.vector_store %arg3[%swap3A, %swap3A_19, %swap3A_20], %swap3A_23 {strides = array<i32>} : memref<2x400x128xf32, #tpu.memory_space<vmem>>, vector<1x400x128xf32>,
    %slice3A_24 = vector.extract_strided_slice %mul3A_17 {offsets = [0, 128], sizes = [400, 128], strides = [1, 1]} : vector<400x256xf32> to vector<400x128xf32>
    %swap3A_25 = arith.constant 1 : index
    %swap3A_26 = arith.constant 0 : index
    %swap3A_27 = arith.constant 0 : index
    %swap3A_28 = vector.load %arg3[%swap3A_25, %swap3A_26, %swap3A_27] : memref<2x400x128xf32, #tpu.memory_space<vmem>>, vector<1x400x128xf32>
    %swap3A_29 = vector.shape_cast %swap3A_28 : vector<1x400x128xf32> to vector<400x128xf32>
    %swap3A_30 = vector.shape_cast %slice3A_24 : vector<400x128xf32> to vector<1x400x128xf32>
    tpu.vector_store %arg3[%swap3A_25, %swap3A_26, %swap3A_27], %swap3A_30 {strides = array<i32>} : memref<2x400x128xf32, #tpu.memory_space<vmem>>, vector<1x400x128xf32>,
    return
  }
  func.func @transform_0(%arg0: i32) -> (i32, i32) {
    %c0_i32 = arith.constant 0 : i32
    %c0_i32_0 = arith.constant 0 : i32
    return %arg0, %c0_i32 : i32, i32
  }
  func.func @transform_1(%arg0: i32) -> (i32, i32, i32) {
    %c0_i32 = arith.constant 0 : i32
    %c0_i32_0 = arith.constant 0 : i32
    %c0_i32_1 = arith.constant 0 : i32
    return %c0_i32, %arg0, %c0_i32_0 : i32, i32, i32
  }
  func.func @transform_2(%arg0: i32) -> (i32, i32, i32) {
    %c0_i32 = arith.constant 0 : i32
    %c0_i32_0 = arith.constant 0 : i32
    %c0_i32_1 = arith.constant 0 : i32
    return %c0_i32, %arg0, %c0_i32_0 : i32, i32, i32
  }
}

module attributes {stable_mosaic.version = 14 : i64} {
  func.func @body(%arg0: i32, %arg1: memref<400x256xf32, #tpu.memory_space<vmem>>, %arg2: memref<256x256xf32, #tpu.memory_space<vmem>>, %arg3: memref<400x256xf32, #tpu.memory_space<vmem>>) attributes {dimension_semantics = [#tpu.dimension_semantics<arbitrary>], iteration_bounds = array<i64: 25>, scalar_prefetch = 0 : i64, scratch_operands = 0 : i64, tpu.core_type = #tpu.core_type<tc>, window_params = [{transform_indices = @transform_0, window_bounds = array<i64: 400, 256>}, {pipeline_mode = #tpu.pipeline_mode<synchronous>, transform_indices = @transform_1, window_bounds = array<i64: 256, 256>}, {transform_indices = @transform_2, window_bounds = array<i64: 400, 256>}]} {
    %get3A = arith.constant 0 : index
    %get3A_0 = arith.constant 0 : index
    %get3A_1 = vector.load %arg1[%get3A, %get3A_0] : memref<400x256xf32, #tpu.memory_space<vmem>>, vector<400x256xf32>
    %get3A_2 = arith.constant 0 : index
    %get3A_3 = arith.constant 0 : index
    %get3A_4 = vector.load %arg2[%get3A_2, %get3A_3] : memref<256x256xf32, #tpu.memory_space<vmem>>, vector<256x256xf32>
    %dot_general3A = arith.constant dense<0.000000e+00> : vector<400x256xf32>
    %dot_general3A_5 = tpu.matmul %get3A_1, %get3A_4, %dot_general3A {dimension_numbers = #tpu.dot_dimension_numbers<[1], [0], [0], [1], [0, 0, 1, 1], [], []>, transpose_lhs_hint = false} : vector<400x256xf32>, vector<256x256xf32>, vector<400x256xf32> -> vector<400x256xf32>
    %swap3A = arith.constant 0 : index
    %swap3A_6 = arith.constant 0 : index
    %swap3A_7 = vector.load %arg3[%swap3A, %swap3A_6] : memref<400x256xf32, #tpu.memory_space<vmem>>, vector<400x256xf32>
    tpu.vector_store %arg3[%swap3A, %swap3A_6], %dot_general3A_5 {strides = array<i32>} : memref<400x256xf32, #tpu.memory_space<vmem>>, vector<400x256xf32>,
    return
  }
  func.func @transform_0(%arg0: i32) -> (i32, i32) {
    %c0_i32 = arith.constant 0 : i32
    %c0_i32_0 = arith.constant 0 : i32
    return %arg0, %c0_i32 : i32, i32
  }
  func.func @transform_1(%arg0: i32) -> (i32, i32) {
    %c0_i32 = arith.constant 0 : i32
    %c0_i32_0 = arith.constant 0 : i32
    %c0_i32_1 = arith.constant 0 : i32
    return %c0_i32, %c0_i32_0 : i32, i32
  }
  func.func @transform_2(%arg0: i32) -> (i32, i32) {
    %c0_i32 = arith.constant 0 : i32
    %c0_i32_0 = arith.constant 0 : i32
    return %arg0, %c0_i32 : i32, i32
  }
}

module attributes {stable_mosaic.version = 14 : i64} {
  func.func @body(%arg0: i32, %arg1: memref<2x400x128xf32, #tpu.memory_space<vmem>>, %arg2: memref<2x400x128xf32, #tpu.memory_space<vmem>>, %arg3: memref<2x400x128xf32, #tpu.memory_space<vmem>>, %arg4: memref<2x1x128xf32, #tpu.memory_space<vmem>>, %arg5: memref<2x400x128xf32, #tpu.memory_space<vmem>>, %arg6: memref<2x8x128xf32, #tpu.memory_space<vmem>>) attributes {dimension_semantics = [#tpu.dimension_semantics<arbitrary>], iteration_bounds = array<i64: 25>, scalar_prefetch = 0 : i64, scratch_operands = 0 : i64, tpu.core_type = #tpu.core_type<tc>, window_params = [{transform_indices = @transform_0, window_bounds = array<i64: 2, 400, 128>}, {transform_indices = @transform_1, window_bounds = array<i64: 2, 400, 128>}, {transform_indices = @transform_2, window_bounds = array<i64: 2, 400, 128>}, {pipeline_mode = #tpu.pipeline_mode<synchronous>, transform_indices = @transform_3, window_bounds = array<i64: 2, 1, 128>}, {transform_indices = @transform_4, window_bounds = array<i64: 2, 400, 128>}, {pipeline_mode = #tpu.pipeline_mode<synchronous>, transform_indices = @transform_5, window_bounds = array<i64: 2, 8, 128>}]} {
    %get3A = arith.constant 0 : index
    %get3A_0 = arith.constant 0 : index
    %get3A_1 = arith.constant 0 : index
    %get3A_2 = vector.load %arg3[%get3A, %get3A_0, %get3A_1] : memref<2x400x128xf32, #tpu.memory_space<vmem>>, vector<1x400x128xf32>
    %get3A_3 = vector.shape_cast %get3A_2 : vector<1x400x128xf32> to vector<400x128xf32>
    %slice3A = vector.extract_strided_slice %get3A_3 {offsets = [0, 0], sizes = [400, 1], strides = [1, 1]} : vector<400x128xf32> to vector<400x1xf32>
    %squeeze3A = vector.shape_cast %slice3A : vector<400x1xf32> to vector<400xf32>
    %get3A_4 = arith.constant 1 : index
    %get3A_5 = arith.constant 0 : index
    %get3A_6 = arith.constant 0 : index
    %get3A_7 = vector.load %arg3[%get3A_4, %get3A_5, %get3A_6] : memref<2x400x128xf32, #tpu.memory_space<vmem>>, vector<1x400x128xf32>
    %get3A_8 = vector.shape_cast %get3A_7 : vector<1x400x128xf32> to vector<400x128xf32>
    %slice3A_9 = vector.extract_strided_slice %get3A_8 {offsets = [0, 0], sizes = [400, 1], strides = [1, 1]} : vector<400x128xf32> to vector<400x1xf32>
    %squeeze3A_10 = vector.shape_cast %slice3A_9 : vector<400x1xf32> to vector<400xf32>
    %add3A = arith.addf %squeeze3A, %squeeze3A_10 : vector<400xf32>
    %add3A_11 = arith.constant 1.000000e+00 : f32
    %add3A_12 = vector.broadcast %add3A_11 : f32 to vector<400xf32>
    %add3A_13 = arith.addf %add3A, %add3A_12 : vector<400xf32>
    %rsqrt3A = math.rsqrt %add3A_13 : vector<400xf32>
    %eq3A = arith.constant 0 : i32
    %eq3A_14 = arith.cmpi eq, %arg0, %eq3A : i32
    %convert_element_type3A = arith.extui %eq3A_14 : i1 to i32
    %cond3A = arith.constant 0 : i32
    %cond3A_15 = arith.cmpi ne, %convert_element_type3A, %cond3A : i32
    scf.if %cond3A_15 {
      %broadcast_in_dim3A_109 = arith.constant 0.000000e+00 : f32
      %broadcast_in_dim3A_110 = vector.broadcast %broadcast_in_dim3A_109 : f32 to vector<2x8x128xf32>
      %swap3A_111 = arith.constant 0 : index
      %swap3A_112 = arith.constant 0 : index
      %swap3A_113 = arith.constant 0 : index
      %swap3A_114 = vector.load %arg6[%swap3A_111, %swap3A_112, %swap3A_113] : memref<2x8x128xf32, #tpu.memory_space<vmem>>, vector<2x8x128xf32>
      tpu.vector_store %arg6[%swap3A_111, %swap3A_112, %swap3A_113], %broadcast_in_dim3A_110 {strides = array<i32>} : memref<2x8x128xf32, #tpu.memory_space<vmem>>, vector<2x8x128xf32>,
    } else {
    }
    %get3A_16 = arith.constant 0 : index
    %get3A_17 = arith.constant 0 : index
    %get3A_18 = arith.constant 0 : index
    %get3A_19 = vector.load %arg1[%get3A_16, %get3A_17, %get3A_18] : memref<2x400x128xf32, #tpu.memory_space<vmem>>, vector<1x400x128xf32>
    %get3A_20 = vector.shape_cast %get3A_19 : vector<1x400x128xf32> to vector<400x128xf32>
    %get3A_21 = arith.constant 0 : index
    %get3A_22 = arith.constant 0 : index
    %get3A_23 = arith.constant 0 : index
    %get3A_24 = vector.load %arg2[%get3A_21, %get3A_22, %get3A_23] : memref<2x400x128xf32, #tpu.memory_space<vmem>>, vector<1x400x128xf32>
    %get3A_25 = vector.shape_cast %get3A_24 : vector<1x400x128xf32> to vector<400x128xf32>
    %add3A_26 = arith.addf %get3A_20, %get3A_25 : vector<400x128xf32>
    %broadcast_in_dim3A = vector.shape_cast %rsqrt3A : vector<400xf32> to vector<400x1xf32>
    %mul3A = vector.broadcast %broadcast_in_dim3A : vector<400x1xf32> to vector<400x128xf32>
    %mul3A_27 = arith.mulf %add3A_26, %mul3A : vector<400x128xf32>
    %get3A_28 = arith.constant 0 : index
    %get3A_29 = arith.constant 0 : index
    %get3A_30 = arith.constant 0 : index
    %get3A_31 = vector.load %arg4[%get3A_28, %get3A_29, %get3A_30] : memref<2x1x128xf32, #tpu.memory_space<vmem>>, vector<1x1x128xf32>
    %get3A_32 = vector.shape_cast %get3A_31 : vector<1x1x128xf32> to vector<1x128xf32>
    %add3A_33 = vector.broadcast %get3A_32 : vector<1x128xf32> to vector<400x128xf32>
    %add3A_34 = arith.addf %mul3A_27, %add3A_33 : vector<400x128xf32>
    %swap3A = arith.constant 0 : index
    %swap3A_35 = arith.constant 0 : index
    %swap3A_36 = arith.constant 0 : index
    %swap3A_37 = vector.load %arg5[%swap3A, %swap3A_35, %swap3A_36] : memref<2x400x128xf32, #tpu.memory_space<vmem>>, vector<1x400x128xf32>
    %swap3A_38 = vector.shape_cast %swap3A_37 : vector<1x400x128xf32> to vector<400x128xf32>
    %swap3A_39 = vector.shape_cast %add3A_34 : vector<400x128xf32> to vector<1x400x128xf32>
    tpu.vector_store %arg5[%swap3A, %swap3A_35, %swap3A_36], %swap3A_39 {strides = array<i32>} : memref<2x400x128xf32, #tpu.memory_space<vmem>>, vector<1x400x128xf32>,
    %reduce_sum3A = arith.constant dense<0.000000e+00> : vector<128xf32>
    %reduce_sum3A_40 = vector.multi_reduction <add>, %add3A_34, %reduce_sum3A [0] : vector<400x128xf32> to vector<128xf32>
    %broadcast_in_dim3A_41 = vector.shape_cast %reduce_sum3A_40 : vector<128xf32> to vector<1x128xf32>
    %mul3A_42 = arith.mulf %add3A_34, %add3A_34 : vector<400x128xf32>
    %reduce_sum3A_43 = arith.constant dense<0.000000e+00> : vector<128xf32>
    %reduce_sum3A_44 = vector.multi_reduction <add>, %mul3A_42, %reduce_sum3A_43 [0] : vector<400x128xf32> to vector<128xf32>
    %broadcast_in_dim3A_45 = vector.shape_cast %reduce_sum3A_44 : vector<128xf32> to vector<1x128xf32>
    %broadcast_in_dim3A_46 = arith.constant 0.000000e+00 : f32
    %broadcast_in_dim3A_47 = vector.broadcast %broadcast_in_dim3A_46 : f32 to vector<6x128xf32>
    %concatenate3A = tpu.concatenate %broadcast_in_dim3A_41, %broadcast_in_dim3A_45, %broadcast_in_dim3A_47 in 0 : vector<1x128xf32>, vector<1x128xf32>, vector<6x128xf32> -> vector<8x128xf32>
    %get3A_48 = arith.constant 0 : index
    %get3A_49 = arith.constant 0 : index
    %get3A_50 = arith.constant 0 : index
    %get3A_51 = vector.load %arg6[%get3A_48, %get3A_49, %get3A_50] : memref<2x8x128xf32, #tpu.memory_space<vmem>>, vector<1x8x128xf32>
    %get3A_52 = vector.shape_cast %get3A_51 : vector<1x8x128xf32> to vector<8x128xf32>
    %add3A_53 = arith.addf %get3A_52, %concatenate3A : vector<8x128xf32>
    %swap3A_54 = arith.constant 0 : index
    %swap3A_55 = arith.constant 0 : index
    %swap3A_56 = arith.constant 0 : index
    %swap3A_57 = vector.load %arg6[%swap3A_54, %swap3A_55, %swap3A_56] : memref<2x8x128xf32, #tpu.memory_space<vmem>>, vector<1x8x128xf32>
    %swap3A_58 = vector.shape_cast %swap3A_57 : vector<1x8x128xf32> to vector<8x128xf32>
    %swap3A_59 = vector.shape_cast %add3A_53 : vector<8x128xf32> to vector<1x8x128xf32>
    tpu.vector_store %arg6[%swap3A_54, %swap3A_55, %swap3A_56], %swap3A_59 {strides = array<i32>} : memref<2x8x128xf32, #tpu.memory_space<vmem>>, vector<1x8x128xf32>,
    %get3A_60 = arith.constant 1 : index
    %get3A_61 = arith.constant 0 : index
    %get3A_62 = arith.constant 0 : index
    %get3A_63 = vector.load %arg1[%get3A_60, %get3A_61, %get3A_62] : memref<2x400x128xf32, #tpu.memory_space<vmem>>, vector<1x400x128xf32>
    %get3A_64 = vector.shape_cast %get3A_63 : vector<1x400x128xf32> to vector<400x128xf32>
    %get3A_65 = arith.constant 1 : index
    %get3A_66 = arith.constant 0 : index
    %get3A_67 = arith.constant 0 : index
    %get3A_68 = vector.load %arg2[%get3A_65, %get3A_66, %get3A_67] : memref<2x400x128xf32, #tpu.memory_space<vmem>>, vector<1x400x128xf32>
    %get3A_69 = vector.shape_cast %get3A_68 : vector<1x400x128xf32> to vector<400x128xf32>
    %add3A_70 = arith.addf %get3A_64, %get3A_69 : vector<400x128xf32>
    %broadcast_in_dim3A_71 = vector.shape_cast %rsqrt3A : vector<400xf32> to vector<400x1xf32>
    %mul3A_72 = vector.broadcast %broadcast_in_dim3A_71 : vector<400x1xf32> to vector<400x128xf32>
    %mul3A_73 = arith.mulf %add3A_70, %mul3A_72 : vector<400x128xf32>
    %get3A_74 = arith.constant 1 : index
    %get3A_75 = arith.constant 0 : index
    %get3A_76 = arith.constant 0 : index
    %get3A_77 = vector.load %arg4[%get3A_74, %get3A_75, %get3A_76] : memref<2x1x128xf32, #tpu.memory_space<vmem>>, vector<1x1x128xf32>
    %get3A_78 = vector.shape_cast %get3A_77 : vector<1x1x128xf32> to vector<1x128xf32>
    %add3A_79 = vector.broadcast %get3A_78 : vector<1x128xf32> to vector<400x128xf32>
    %add3A_80 = arith.addf %mul3A_73, %add3A_79 : vector<400x128xf32>
    %swap3A_81 = arith.constant 1 : index
    %swap3A_82 = arith.constant 0 : index
    %swap3A_83 = arith.constant 0 : index
    %swap3A_84 = vector.load %arg5[%swap3A_81, %swap3A_82, %swap3A_83] : memref<2x400x128xf32, #tpu.memory_space<vmem>>, vector<1x400x128xf32>
    %swap3A_85 = vector.shape_cast %swap3A_84 : vector<1x400x128xf32> to vector<400x128xf32>
    %swap3A_86 = vector.shape_cast %add3A_80 : vector<400x128xf32> to vector<1x400x128xf32>
    tpu.vector_store %arg5[%swap3A_81, %swap3A_82, %swap3A_83], %swap3A_86 {strides = array<i32>} : memref<2x400x128xf32, #tpu.memory_space<vmem>>, vector<1x400x128xf32>,
    %reduce_sum3A_87 = arith.constant dense<0.000000e+00> : vector<128xf32>
    %reduce_sum3A_88 = vector.multi_reduction <add>, %add3A_80, %reduce_sum3A_87 [0] : vector<400x128xf32> to vector<128xf32>
    %broadcast_in_dim3A_89 = vector.shape_cast %reduce_sum3A_88 : vector<128xf32> to vector<1x128xf32>
    %mul3A_90 = arith.mulf %add3A_80, %add3A_80 : vector<400x128xf32>
    %reduce_sum3A_91 = arith.constant dense<0.000000e+00> : vector<128xf32>
    %reduce_sum3A_92 = vector.multi_reduction <add>, %mul3A_90, %reduce_sum3A_91 [0] : vector<400x128xf32> to vector<128xf32>
    %broadcast_in_dim3A_93 = vector.shape_cast %reduce_sum3A_92 : vector<128xf32> to vector<1x128xf32>
    %broadcast_in_dim3A_94 = arith.constant 0.000000e+00 : f32
    %broadcast_in_dim3A_95 = vector.broadcast %broadcast_in_dim3A_94 : f32 to vector<6x128xf32>
    %concatenate3A_96 = tpu.concatenate %broadcast_in_dim3A_89, %broadcast_in_dim3A_93, %broadcast_in_dim3A_95 in 0 : vector<1x128xf32>, vector<1x128xf32>, vector<6x128xf32> -> vector<8x128xf32>
    %get3A_97 = arith.constant 1 : index
    %get3A_98 = arith.constant 0 : index
    %get3A_99 = arith.constant 0 : index
    %get3A_100 = vector.load %arg6[%get3A_97, %get3A_98, %get3A_99] : memref<2x8x128xf32, #tpu.memory_space<vmem>>, vector<1x8x128xf32>
    %get3A_101 = vector.shape_cast %get3A_100 : vector<1x8x128xf32> to vector<8x128xf32>
    %add3A_102 = arith.addf %get3A_101, %concatenate3A_96 : vector<8x128xf32>
    %swap3A_103 = arith.constant 1 : index
    %swap3A_104 = arith.constant 0 : index
    %swap3A_105 = arith.constant 0 : index
    %swap3A_106 = vector.load %arg6[%swap3A_103, %swap3A_104, %swap3A_105] : memref<2x8x128xf32, #tpu.memory_space<vmem>>, vector<1x8x128xf32>
    %swap3A_107 = vector.shape_cast %swap3A_106 : vector<1x8x128xf32> to vector<8x128xf32>
    %swap3A_108 = vector.shape_cast %add3A_102 : vector<8x128xf32> to vector<1x8x128xf32>
    tpu.vector_store %arg6[%swap3A_103, %swap3A_104, %swap3A_105], %swap3A_108 {strides = array<i32>} : memref<2x8x128xf32, #tpu.memory_space<vmem>>, vector<1x8x128xf32>,
    return
  }
  func.func @transform_0(%arg0: i32) -> (i32, i32, i32) {
    %c0_i32 = arith.constant 0 : i32
    %c0_i32_0 = arith.constant 0 : i32
    %c0_i32_1 = arith.constant 0 : i32
    return %c0_i32, %arg0, %c0_i32_0 : i32, i32, i32
  }
  func.func @transform_1(%arg0: i32) -> (i32, i32, i32) {
    %c0_i32 = arith.constant 0 : i32
    %c0_i32_0 = arith.constant 0 : i32
    %c0_i32_1 = arith.constant 0 : i32
    return %c0_i32, %arg0, %c0_i32_0 : i32, i32, i32
  }
  func.func @transform_2(%arg0: i32) -> (i32, i32, i32) {
    %c0_i32 = arith.constant 0 : i32
    %c0_i32_0 = arith.constant 0 : i32
    %c0_i32_1 = arith.constant 0 : i32
    return %c0_i32, %arg0, %c0_i32_0 : i32, i32, i32
  }
  func.func @transform_3(%arg0: i32) -> (i32, i32, i32) {
    %c0_i32 = arith.constant 0 : i32
    %c0_i32_0 = arith.constant 0 : i32
    %c0_i32_1 = arith.constant 0 : i32
    %c0_i32_2 = arith.constant 0 : i32
    return %c0_i32, %c0_i32_0, %c0_i32_1 : i32, i32, i32
  }
  func.func @transform_4(%arg0: i32) -> (i32, i32, i32) {
    %c0_i32 = arith.constant 0 : i32
    %c0_i32_0 = arith.constant 0 : i32
    %c0_i32_1 = arith.constant 0 : i32
    return %c0_i32, %arg0, %c0_i32_0 : i32, i32, i32
  }
  func.func @transform_5(%arg0: i32) -> (i32, i32, i32) {
    %c0_i32 = arith.constant 0 : i32
    %c0_i32_0 = arith.constant 0 : i32
    %c0_i32_1 = arith.constant 0 : i32
    %c0_i32_2 = arith.constant 0 : i32
    return %c0_i32, %c0_i32_0, %c0_i32_1 : i32, i32, i32
  }
}

module attributes {stable_mosaic.version = 14 : i64} {
  func.func @body(%arg0: i32, %arg1: memref<2x400x128xf32, #tpu.memory_space<vmem>>, %arg2: memref<2x8x128xf32, #tpu.memory_space<vmem>>, %arg3: memref<2x1x128xf32, #tpu.memory_space<vmem>>, %arg4: memref<2x1x128xf32, #tpu.memory_space<vmem>>, %arg5: memref<256x256xf32, #tpu.memory_space<vmem>>, %arg6: memref<2x400x128xf32, #tpu.memory_space<vmem>>, %arg7: memref<2x400x128xf32, #tpu.memory_space<vmem>>) attributes {dimension_semantics = [#tpu.dimension_semantics<arbitrary>], iteration_bounds = array<i64: 25>, scalar_prefetch = 0 : i64, scratch_operands = 0 : i64, tpu.core_type = #tpu.core_type<tc>, window_params = [{transform_indices = @transform_0, window_bounds = array<i64: 2, 400, 128>}, {pipeline_mode = #tpu.pipeline_mode<synchronous>, transform_indices = @transform_1, window_bounds = array<i64: 2, 8, 128>}, {pipeline_mode = #tpu.pipeline_mode<synchronous>, transform_indices = @transform_2, window_bounds = array<i64: 2, 1, 128>}, {pipeline_mode = #tpu.pipeline_mode<synchronous>, transform_indices = @transform_3, window_bounds = array<i64: 2, 1, 128>}, {pipeline_mode = #tpu.pipeline_mode<synchronous>, transform_indices = @transform_4, window_bounds = array<i64: 256, 256>}, {transform_indices = @transform_5, window_bounds = array<i64: 2, 400, 128>}, {transform_indices = @transform_6, window_bounds = array<i64: 2, 400, 128>}]} {
    %get3A = arith.constant 0 : index
    %get3A_0 = arith.constant 0 : index
    %get3A_1 = arith.constant 0 : index
    %get3A_2 = vector.load %arg6[%get3A, %get3A_0, %get3A_1] : memref<2x400x128xf32, #tpu.memory_space<vmem>>, vector<1x400x128xf32>
    %get3A_3 = vector.shape_cast %get3A_2 : vector<1x400x128xf32> to vector<400x128xf32>
    %slice3A = vector.extract_strided_slice %get3A_3 {offsets = [0, 0], sizes = [400, 1], strides = [1, 1]} : vector<400x128xf32> to vector<400x1xf32>
    %squeeze3A = vector.shape_cast %slice3A : vector<400x1xf32> to vector<400xf32>
    %get3A_4 = arith.constant 1 : index
    %get3A_5 = arith.constant 0 : index
    %get3A_6 = arith.constant 0 : index
    %get3A_7 = vector.load %arg6[%get3A_4, %get3A_5, %get3A_6] : memref<2x400x128xf32, #tpu.memory_space<vmem>>, vector<1x400x128xf32>
    %get3A_8 = vector.shape_cast %get3A_7 : vector<1x400x128xf32> to vector<400x128xf32>
    %slice3A_9 = vector.extract_strided_slice %get3A_8 {offsets = [0, 0], sizes = [400, 1], strides = [1, 1]} : vector<400x128xf32> to vector<400x1xf32>
    %squeeze3A_10 = vector.shape_cast %slice3A_9 : vector<400x1xf32> to vector<400xf32>
    %add3A = arith.addf %squeeze3A, %squeeze3A_10 : vector<400xf32>
    %add3A_11 = arith.constant 1.000000e+00 : f32
    %add3A_12 = vector.broadcast %add3A_11 : f32 to vector<400xf32>
    %add3A_13 = arith.addf %add3A, %add3A_12 : vector<400xf32>
    %rsqrt3A = math.rsqrt %add3A_13 : vector<400xf32>
    %get3A_14 = arith.constant 0 : index
    %get3A_15 = arith.constant 0 : index
    %get3A_16 = arith.constant 0 : index
    %get3A_17 = vector.load %arg2[%get3A_14, %get3A_15, %get3A_16] : memref<2x8x128xf32, #tpu.memory_space<vmem>>, vector<1x1x128xf32>
    %get3A_18 = vector.shape_cast %get3A_17 : vector<1x1x128xf32> to vector<1x128xf32>
    %div3A = arith.constant 1.000000e+04 : f32
    %div3A_19 = vector.broadcast %div3A : f32 to vector<1x128xf32>
    %div3A_20 = arith.divf %get3A_18, %div3A_19 : vector<1x128xf32>
    %get3A_21 = arith.constant 0 : index
    %get3A_22 = arith.constant 1 : index
    %get3A_23 = arith.constant 0 : index
    %get3A_24 = vector.load %arg2[%get3A_21, %get3A_22, %get3A_23] : memref<2x8x128xf32, #tpu.memory_space<vmem>>, vector<1x1x128xf32>
    %get3A_25 = vector.shape_cast %get3A_24 : vector<1x1x128xf32> to vector<1x128xf32>
    %div3A_26 = arith.constant 1.000000e+04 : f32
    %div3A_27 = vector.broadcast %div3A_26 : f32 to vector<1x128xf32>
    %div3A_28 = arith.divf %get3A_25, %div3A_27 : vector<1x128xf32>
    %mul3A = arith.mulf %div3A_20, %div3A_20 : vector<1x128xf32>
    %sub3A = arith.subf %div3A_28, %mul3A : vector<1x128xf32>
    %add3A_29 = arith.constant 9.99999974E-6 : f32
    %add3A_30 = vector.broadcast %add3A_29 : f32 to vector<1x128xf32>
    %add3A_31 = arith.addf %sub3A, %add3A_30 : vector<1x128xf32>
    %rsqrt3A_32 = math.rsqrt %add3A_31 : vector<1x128xf32>
    %get3A_33 = arith.constant 0 : index
    %get3A_34 = arith.constant 0 : index
    %get3A_35 = arith.constant 0 : index
    %get3A_36 = vector.load %arg1[%get3A_33, %get3A_34, %get3A_35] : memref<2x400x128xf32, #tpu.memory_space<vmem>>, vector<1x400x128xf32>
    %get3A_37 = vector.shape_cast %get3A_36 : vector<1x400x128xf32> to vector<400x128xf32>
    %sub3A_38 = vector.broadcast %div3A_20 : vector<1x128xf32> to vector<400x128xf32>
    %sub3A_39 = arith.subf %get3A_37, %sub3A_38 : vector<400x128xf32>
    %mul3A_40 = vector.broadcast %rsqrt3A_32 : vector<1x128xf32> to vector<400x128xf32>
    %mul3A_41 = arith.mulf %sub3A_39, %mul3A_40 : vector<400x128xf32>
    %get3A_42 = arith.constant 0 : index
    %get3A_43 = arith.constant 0 : index
    %get3A_44 = arith.constant 0 : index
    %get3A_45 = vector.load %arg3[%get3A_42, %get3A_43, %get3A_44] : memref<2x1x128xf32, #tpu.memory_space<vmem>>, vector<1x1x128xf32>
    %get3A_46 = vector.shape_cast %get3A_45 : vector<1x1x128xf32> to vector<1x128xf32>
    %mul3A_47 = vector.broadcast %get3A_46 : vector<1x128xf32> to vector<400x128xf32>
    %mul3A_48 = arith.mulf %mul3A_41, %mul3A_47 : vector<400x128xf32>
    %get3A_49 = arith.constant 0 : index
    %get3A_50 = arith.constant 0 : index
    %get3A_51 = arith.constant 0 : index
    %get3A_52 = vector.load %arg4[%get3A_49, %get3A_50, %get3A_51] : memref<2x1x128xf32, #tpu.memory_space<vmem>>, vector<1x1x128xf32>
    %get3A_53 = vector.shape_cast %get3A_52 : vector<1x1x128xf32> to vector<1x128xf32>
    %add3A_54 = vector.broadcast %get3A_53 : vector<1x128xf32> to vector<400x128xf32>
    %add3A_55 = arith.addf %mul3A_48, %add3A_54 : vector<400x128xf32>
    %max3A = arith.constant 0.000000e+00 : f32
    %max3A_56 = vector.broadcast %max3A : f32 to vector<400x128xf32>
    %max3A_57 = arith.maximumf %add3A_55, %max3A_56 : vector<400x128xf32>
    %get3A_58 = arith.constant 1 : index
    %get3A_59 = arith.constant 0 : index
    %get3A_60 = arith.constant 0 : index
    %get3A_61 = vector.load %arg2[%get3A_58, %get3A_59, %get3A_60] : memref<2x8x128xf32, #tpu.memory_space<vmem>>, vector<1x1x128xf32>
    %get3A_62 = vector.shape_cast %get3A_61 : vector<1x1x128xf32> to vector<1x128xf32>
    %div3A_63 = arith.constant 1.000000e+04 : f32
    %div3A_64 = vector.broadcast %div3A_63 : f32 to vector<1x128xf32>
    %div3A_65 = arith.divf %get3A_62, %div3A_64 : vector<1x128xf32>
    %get3A_66 = arith.constant 1 : index
    %get3A_67 = arith.constant 1 : index
    %get3A_68 = arith.constant 0 : index
    %get3A_69 = vector.load %arg2[%get3A_66, %get3A_67, %get3A_68] : memref<2x8x128xf32, #tpu.memory_space<vmem>>, vector<1x1x128xf32>
    %get3A_70 = vector.shape_cast %get3A_69 : vector<1x1x128xf32> to vector<1x128xf32>
    %div3A_71 = arith.constant 1.000000e+04 : f32
    %div3A_72 = vector.broadcast %div3A_71 : f32 to vector<1x128xf32>
    %div3A_73 = arith.divf %get3A_70, %div3A_72 : vector<1x128xf32>
    %mul3A_74 = arith.mulf %div3A_65, %div3A_65 : vector<1x128xf32>
    %sub3A_75 = arith.subf %div3A_73, %mul3A_74 : vector<1x128xf32>
    %add3A_76 = arith.constant 9.99999974E-6 : f32
    %add3A_77 = vector.broadcast %add3A_76 : f32 to vector<1x128xf32>
    %add3A_78 = arith.addf %sub3A_75, %add3A_77 : vector<1x128xf32>
    %rsqrt3A_79 = math.rsqrt %add3A_78 : vector<1x128xf32>
    %get3A_80 = arith.constant 1 : index
    %get3A_81 = arith.constant 0 : index
    %get3A_82 = arith.constant 0 : index
    %get3A_83 = vector.load %arg1[%get3A_80, %get3A_81, %get3A_82] : memref<2x400x128xf32, #tpu.memory_space<vmem>>, vector<1x400x128xf32>
    %get3A_84 = vector.shape_cast %get3A_83 : vector<1x400x128xf32> to vector<400x128xf32>
    %sub3A_85 = vector.broadcast %div3A_65 : vector<1x128xf32> to vector<400x128xf32>
    %sub3A_86 = arith.subf %get3A_84, %sub3A_85 : vector<400x128xf32>
    %mul3A_87 = vector.broadcast %rsqrt3A_79 : vector<1x128xf32> to vector<400x128xf32>
    %mul3A_88 = arith.mulf %sub3A_86, %mul3A_87 : vector<400x128xf32>
    %get3A_89 = arith.constant 1 : index
    %get3A_90 = arith.constant 0 : index
    %get3A_91 = arith.constant 0 : index
    %get3A_92 = vector.load %arg3[%get3A_89, %get3A_90, %get3A_91] : memref<2x1x128xf32, #tpu.memory_space<vmem>>, vector<1x1x128xf32>
    %get3A_93 = vector.shape_cast %get3A_92 : vector<1x1x128xf32> to vector<1x128xf32>
    %mul3A_94 = vector.broadcast %get3A_93 : vector<1x128xf32> to vector<400x128xf32>
    %mul3A_95 = arith.mulf %mul3A_88, %mul3A_94 : vector<400x128xf32>
    %get3A_96 = arith.constant 1 : index
    %get3A_97 = arith.constant 0 : index
    %get3A_98 = arith.constant 0 : index
    %get3A_99 = vector.load %arg4[%get3A_96, %get3A_97, %get3A_98] : memref<2x1x128xf32, #tpu.memory_space<vmem>>, vector<1x1x128xf32>
    %get3A_100 = vector.shape_cast %get3A_99 : vector<1x1x128xf32> to vector<1x128xf32>
    %add3A_101 = vector.broadcast %get3A_100 : vector<1x128xf32> to vector<400x128xf32>
    %add3A_102 = arith.addf %mul3A_95, %add3A_101 : vector<400x128xf32>
    %max3A_103 = arith.constant 0.000000e+00 : f32
    %max3A_104 = vector.broadcast %max3A_103 : f32 to vector<400x128xf32>
    %max3A_105 = arith.maximumf %add3A_102, %max3A_104 : vector<400x128xf32>
    %concatenate3A = tpu.concatenate %max3A_57, %max3A_105 in 1 : vector<400x128xf32>, vector<400x128xf32> -> vector<400x256xf32>
    %get3A_106 = arith.constant 0 : index
    %get3A_107 = arith.constant 0 : index
    %get3A_108 = vector.load %arg5[%get3A_106, %get3A_107] : memref<256x256xf32, #tpu.memory_space<vmem>>, vector<256x256xf32>
    %dot_general3A = arith.constant dense<0.000000e+00> : vector<400x256xf32>
    %dot_general3A_109 = tpu.matmul %concatenate3A, %get3A_108, %dot_general3A {dimension_numbers = #tpu.dot_dimension_numbers<[1], [0], [0], [1], [0, 0, 1, 1], [], []>, transpose_lhs_hint = false} : vector<400x256xf32>, vector<256x256xf32>, vector<400x256xf32> -> vector<400x256xf32>
    %broadcast_in_dim3A = vector.shape_cast %rsqrt3A : vector<400xf32> to vector<400x1xf32>
    %mul3A_110 = vector.broadcast %broadcast_in_dim3A : vector<400x1xf32> to vector<400x256xf32>
    %mul3A_111 = arith.mulf %dot_general3A_109, %mul3A_110 : vector<400x256xf32>
    %slice3A_112 = vector.extract_strided_slice %mul3A_111 {offsets = [0, 0], sizes = [400, 128], strides = [1, 1]} : vector<400x256xf32> to vector<400x128xf32>
    %swap3A = arith.constant 0 : index
    %swap3A_113 = arith.constant 0 : index
    %swap3A_114 = arith.constant 0 : index
    %swap3A_115 = vector.load %arg7[%swap3A, %swap3A_113, %swap3A_114] : memref<2x400x128xf32, #tpu.memory_space<vmem>>, vector<1x400x128xf32>
    %swap3A_116 = vector.shape_cast %swap3A_115 : vector<1x400x128xf32> to vector<400x128xf32>
    %swap3A_117 = vector.shape_cast %slice3A_112 : vector<400x128xf32> to vector<1x400x128xf32>
    tpu.vector_store %arg7[%swap3A, %swap3A_113, %swap3A_114], %swap3A_117 {strides = array<i32>} : memref<2x400x128xf32, #tpu.memory_space<vmem>>, vector<1x400x128xf32>,
    %slice3A_118 = vector.extract_strided_slice %mul3A_111 {offsets = [0, 128], sizes = [400, 128], strides = [1, 1]} : vector<400x256xf32> to vector<400x128xf32>
    %swap3A_119 = arith.constant 1 : index
    %swap3A_120 = arith.constant 0 : index
    %swap3A_121 = arith.constant 0 : index
    %swap3A_122 = vector.load %arg7[%swap3A_119, %swap3A_120, %swap3A_121] : memref<2x400x128xf32, #tpu.memory_space<vmem>>, vector<1x400x128xf32>
    %swap3A_123 = vector.shape_cast %swap3A_122 : vector<1x400x128xf32> to vector<400x128xf32>
    %swap3A_124 = vector.shape_cast %slice3A_118 : vector<400x128xf32> to vector<1x400x128xf32>
    tpu.vector_store %arg7[%swap3A_119, %swap3A_120, %swap3A_121], %swap3A_124 {strides = array<i32>} : memref<2x400x128xf32, #tpu.memory_space<vmem>>, vector<1x400x128xf32>,
    return
  }
  func.func @transform_0(%arg0: i32) -> (i32, i32, i32) {
    %c0_i32 = arith.constant 0 : i32
    %c0_i32_0 = arith.constant 0 : i32
    %c0_i32_1 = arith.constant 0 : i32
    return %c0_i32, %arg0, %c0_i32_0 : i32, i32, i32
  }
  func.func @transform_1(%arg0: i32) -> (i32, i32, i32) {
    %c0_i32 = arith.constant 0 : i32
    %c0_i32_0 = arith.constant 0 : i32
    %c0_i32_1 = arith.constant 0 : i32
    %c0_i32_2 = arith.constant 0 : i32
    return %c0_i32, %c0_i32_0, %c0_i32_1 : i32, i32, i32
  }
  func.func @transform_2(%arg0: i32) -> (i32, i32, i32) {
    %c0_i32 = arith.constant 0 : i32
    %c0_i32_0 = arith.constant 0 : i32
    %c0_i32_1 = arith.constant 0 : i32
    %c0_i32_2 = arith.constant 0 : i32
    return %c0_i32, %c0_i32_0, %c0_i32_1 : i32, i32, i32
  }
  func.func @transform_3(%arg0: i32) -> (i32, i32, i32) {
    %c0_i32 = arith.constant 0 : i32
    %c0_i32_0 = arith.constant 0 : i32
    %c0_i32_1 = arith.constant 0 : i32
    %c0_i32_2 = arith.constant 0 : i32
    return %c0_i32, %c0_i32_0, %c0_i32_1 : i32, i32, i32
  }
  func.func @transform_4(%arg0: i32) -> (i32, i32) {
    %c0_i32 = arith.constant 0 : i32
    %c0_i32_0 = arith.constant 0 : i32
    %c0_i32_1 = arith.constant 0 : i32
    return %c0_i32, %c0_i32_0 : i32, i32
  }
  func.func @transform_5(%arg0: i32) -> (i32, i32, i32) {
    %c0_i32 = arith.constant 0 : i32
    %c0_i32_0 = arith.constant 0 : i32
    %c0_i32_1 = arith.constant 0 : i32
    return %c0_i32, %arg0, %c0_i32_0 : i32, i32, i32
  }
  func.func @transform_6(%arg0: i32) -> (i32, i32, i32) {
    %c0_i32 = arith.constant 0 : i32
    %c0_i32_0 = arith.constant 0 : i32
    %c0_i32_1 = arith.constant 0 : i32
    return %c0_i32, %arg0, %c0_i32_0 : i32, i32, i32
  }
}

module attributes {stable_mosaic.version = 14 : i64} {
  func.func @body(%arg0: i32, %arg1: memref<2x400x128xf32, #tpu.memory_space<vmem>>, %arg2: memref<2x8x128xf32, #tpu.memory_space<vmem>>, %arg3: memref<2x1x128xf32, #tpu.memory_space<vmem>>, %arg4: memref<2x1x128xf32, #tpu.memory_space<vmem>>, %arg5: memref<1x1x400xi32, #tpu.memory_space<vmem>>, %arg6: memref<256x128xf32, #tpu.memory_space<vmem>>, %arg7: memref<1x128xf32, #tpu.memory_space<vmem>>, %arg8: memref<64x128xf32, #tpu.memory_space<vmem>>, %arg9: memref<64x256xf32, #tpu.memory_space<vmem>>, %arg10: memref<64x128xf32, #tpu.memory_space<vmem>>) attributes {dimension_semantics = [#tpu.dimension_semantics<arbitrary>], iteration_bounds = array<i64: 25>, scalar_prefetch = 0 : i64, scratch_operands = 2 : i64, tpu.core_type = #tpu.core_type<tc>, window_params = [{transform_indices = @transform_0, window_bounds = array<i64: 2, 400, 128>}, {pipeline_mode = #tpu.pipeline_mode<synchronous>, transform_indices = @transform_1, window_bounds = array<i64: 2, 8, 128>}, {pipeline_mode = #tpu.pipeline_mode<synchronous>, transform_indices = @transform_2, window_bounds = array<i64: 2, 1, 128>}, {pipeline_mode = #tpu.pipeline_mode<synchronous>, transform_indices = @transform_3, window_bounds = array<i64: 2, 1, 128>}, {transform_indices = @transform_4, window_bounds = array<i64: 1, 1, 400>}, {pipeline_mode = #tpu.pipeline_mode<synchronous>, transform_indices = @transform_5, window_bounds = array<i64: 256, 128>}, {pipeline_mode = #tpu.pipeline_mode<synchronous>, transform_indices = @transform_6, window_bounds = array<i64: 1, 128>}, {pipeline_mode = #tpu.pipeline_mode<synchronous>, transform_indices = @transform_7, window_bounds = array<i64: 64, 128>}]} {
    %get3A = arith.constant 0 : index
    %get3A_0 = arith.constant 0 : index
    %get3A_1 = arith.constant 0 : index
    %get3A_2 = vector.load %arg2[%get3A, %get3A_0, %get3A_1] : memref<2x8x128xf32, #tpu.memory_space<vmem>>, vector<1x1x128xf32>
    %get3A_3 = vector.shape_cast %get3A_2 : vector<1x1x128xf32> to vector<1x128xf32>
    %div3A = arith.constant 1.000000e+04 : f32
    %div3A_4 = vector.broadcast %div3A : f32 to vector<1x128xf32>
    %div3A_5 = arith.divf %get3A_3, %div3A_4 : vector<1x128xf32>
    %get3A_6 = arith.constant 0 : index
    %get3A_7 = arith.constant 1 : index
    %get3A_8 = arith.constant 0 : index
    %get3A_9 = vector.load %arg2[%get3A_6, %get3A_7, %get3A_8] : memref<2x8x128xf32, #tpu.memory_space<vmem>>, vector<1x1x128xf32>
    %get3A_10 = vector.shape_cast %get3A_9 : vector<1x1x128xf32> to vector<1x128xf32>
    %div3A_11 = arith.constant 1.000000e+04 : f32
    %div3A_12 = vector.broadcast %div3A_11 : f32 to vector<1x128xf32>
    %div3A_13 = arith.divf %get3A_10, %div3A_12 : vector<1x128xf32>
    %mul3A = arith.mulf %div3A_5, %div3A_5 : vector<1x128xf32>
    %sub3A = arith.subf %div3A_13, %mul3A : vector<1x128xf32>
    %add3A = arith.constant 9.99999974E-6 : f32
    %add3A_14 = vector.broadcast %add3A : f32 to vector<1x128xf32>
    %add3A_15 = arith.addf %sub3A, %add3A_14 : vector<1x128xf32>
    %rsqrt3A = math.rsqrt %add3A_15 : vector<1x128xf32>
    %get3A_16 = arith.constant 0 : index
    %get3A_17 = arith.constant 0 : index
    %get3A_18 = arith.constant 0 : index
    %get3A_19 = vector.load %arg1[%get3A_16, %get3A_17, %get3A_18] : memref<2x400x128xf32, #tpu.memory_space<vmem>>, vector<1x400x128xf32>
    %get3A_20 = vector.shape_cast %get3A_19 : vector<1x400x128xf32> to vector<400x128xf32>
    %sub3A_21 = vector.broadcast %div3A_5 : vector<1x128xf32> to vector<400x128xf32>
    %sub3A_22 = arith.subf %get3A_20, %sub3A_21 : vector<400x128xf32>
    %mul3A_23 = vector.broadcast %rsqrt3A : vector<1x128xf32> to vector<400x128xf32>
    %mul3A_24 = arith.mulf %sub3A_22, %mul3A_23 : vector<400x128xf32>
    %get3A_25 = arith.constant 0 : index
    %get3A_26 = arith.constant 0 : index
    %get3A_27 = arith.constant 0 : index
    %get3A_28 = vector.load %arg3[%get3A_25, %get3A_26, %get3A_27] : memref<2x1x128xf32, #tpu.memory_space<vmem>>, vector<1x1x128xf32>
    %get3A_29 = vector.shape_cast %get3A_28 : vector<1x1x128xf32> to vector<1x128xf32>
    %mul3A_30 = vector.broadcast %get3A_29 : vector<1x128xf32> to vector<400x128xf32>
    %mul3A_31 = arith.mulf %mul3A_24, %mul3A_30 : vector<400x128xf32>
    %get3A_32 = arith.constant 0 : index
    %get3A_33 = arith.constant 0 : index
    %get3A_34 = arith.constant 0 : index
    %get3A_35 = vector.load %arg4[%get3A_32, %get3A_33, %get3A_34] : memref<2x1x128xf32, #tpu.memory_space<vmem>>, vector<1x1x128xf32>
    %get3A_36 = vector.shape_cast %get3A_35 : vector<1x1x128xf32> to vector<1x128xf32>
    %add3A_37 = vector.broadcast %get3A_36 : vector<1x128xf32> to vector<400x128xf32>
    %add3A_38 = arith.addf %mul3A_31, %add3A_37 : vector<400x128xf32>
    %max3A = arith.constant 0.000000e+00 : f32
    %max3A_39 = vector.broadcast %max3A : f32 to vector<400x128xf32>
    %max3A_40 = arith.maximumf %add3A_38, %max3A_39 : vector<400x128xf32>
    %get3A_41 = arith.constant 1 : index
    %get3A_42 = arith.constant 0 : index
    %get3A_43 = arith.constant 0 : index
    %get3A_44 = vector.load %arg2[%get3A_41, %get3A_42, %get3A_43] : memref<2x8x128xf32, #tpu.memory_space<vmem>>, vector<1x1x128xf32>
    %get3A_45 = vector.shape_cast %get3A_44 : vector<1x1x128xf32> to vector<1x128xf32>
    %div3A_46 = arith.constant 1.000000e+04 : f32
    %div3A_47 = vector.broadcast %div3A_46 : f32 to vector<1x128xf32>
    %div3A_48 = arith.divf %get3A_45, %div3A_47 : vector<1x128xf32>
    %get3A_49 = arith.constant 1 : index
    %get3A_50 = arith.constant 1 : index
    %get3A_51 = arith.constant 0 : index
    %get3A_52 = vector.load %arg2[%get3A_49, %get3A_50, %get3A_51] : memref<2x8x128xf32, #tpu.memory_space<vmem>>, vector<1x1x128xf32>
    %get3A_53 = vector.shape_cast %get3A_52 : vector<1x1x128xf32> to vector<1x128xf32>
    %div3A_54 = arith.constant 1.000000e+04 : f32
    %div3A_55 = vector.broadcast %div3A_54 : f32 to vector<1x128xf32>
    %div3A_56 = arith.divf %get3A_53, %div3A_55 : vector<1x128xf32>
    %mul3A_57 = arith.mulf %div3A_48, %div3A_48 : vector<1x128xf32>
    %sub3A_58 = arith.subf %div3A_56, %mul3A_57 : vector<1x128xf32>
    %add3A_59 = arith.constant 9.99999974E-6 : f32
    %add3A_60 = vector.broadcast %add3A_59 : f32 to vector<1x128xf32>
    %add3A_61 = arith.addf %sub3A_58, %add3A_60 : vector<1x128xf32>
    %rsqrt3A_62 = math.rsqrt %add3A_61 : vector<1x128xf32>
    %get3A_63 = arith.constant 1 : index
    %get3A_64 = arith.constant 0 : index
    %get3A_65 = arith.constant 0 : index
    %get3A_66 = vector.load %arg1[%get3A_63, %get3A_64, %get3A_65] : memref<2x400x128xf32, #tpu.memory_space<vmem>>, vector<1x400x128xf32>
    %get3A_67 = vector.shape_cast %get3A_66 : vector<1x400x128xf32> to vector<400x128xf32>
    %sub3A_68 = vector.broadcast %div3A_48 : vector<1x128xf32> to vector<400x128xf32>
    %sub3A_69 = arith.subf %get3A_67, %sub3A_68 : vector<400x128xf32>
    %mul3A_70 = vector.broadcast %rsqrt3A_62 : vector<1x128xf32> to vector<400x128xf32>
    %mul3A_71 = arith.mulf %sub3A_69, %mul3A_70 : vector<400x128xf32>
    %get3A_72 = arith.constant 1 : index
    %get3A_73 = arith.constant 0 : index
    %get3A_74 = arith.constant 0 : index
    %get3A_75 = vector.load %arg3[%get3A_72, %get3A_73, %get3A_74] : memref<2x1x128xf32, #tpu.memory_space<vmem>>, vector<1x1x128xf32>
    %get3A_76 = vector.shape_cast %get3A_75 : vector<1x1x128xf32> to vector<1x128xf32>
    %mul3A_77 = vector.broadcast %get3A_76 : vector<1x128xf32> to vector<400x128xf32>
    %mul3A_78 = arith.mulf %mul3A_71, %mul3A_77 : vector<400x128xf32>
    %get3A_79 = arith.constant 1 : index
    %get3A_80 = arith.constant 0 : index
    %get3A_81 = arith.constant 0 : index
    %get3A_82 = vector.load %arg4[%get3A_79, %get3A_80, %get3A_81] : memref<2x1x128xf32, #tpu.memory_space<vmem>>, vector<1x1x128xf32>
    %get3A_83 = vector.shape_cast %get3A_82 : vector<1x1x128xf32> to vector<1x128xf32>
    %add3A_84 = vector.broadcast %get3A_83 : vector<1x128xf32> to vector<400x128xf32>
    %add3A_85 = arith.addf %mul3A_78, %add3A_84 : vector<400x128xf32>
    %max3A_86 = arith.constant 0.000000e+00 : f32
    %max3A_87 = vector.broadcast %max3A_86 : f32 to vector<400x128xf32>
    %max3A_88 = arith.maximumf %add3A_85, %max3A_87 : vector<400x128xf32>
    %concatenate3A = tpu.concatenate %max3A_40, %max3A_88 in 1 : vector<400x128xf32>, vector<400x128xf32> -> vector<400x256xf32>
    %get3A_89 = arith.constant 0 : index
    %get3A_90 = arith.constant 0 : index
    %get3A_91 = arith.constant 0 : index
    %get3A_92 = vector.load %arg5[%get3A_89, %get3A_90, %get3A_91] : memref<1x1x400xi32, #tpu.memory_space<vmem>>, vector<1x1x400xi32>
    %get3A_93 = vector.shape_cast %get3A_92 : vector<1x1x400xi32> to vector<400xi32>
    %broadcast_in_dim3A = vector.shape_cast %get3A_93 : vector<400xi32> to vector<400x1xi32>
    %iota3A = tpu.iota {dimensions = array<i32: 1>} : vector<400x64xi32>
    %eq3A = vector.broadcast %broadcast_in_dim3A : vector<400x1xi32> to vector<400x64xi32>
    %eq3A_94 = arith.cmpi eq, %eq3A, %iota3A : vector<400x64xi32>
    %convert_element_type3A = arith.extui %eq3A_94 : vector<400x64xi1> to vector<400x64xi32>
    %convert_element_type3A_95 = arith.sitofp %convert_element_type3A : vector<400x64xi32> to vector<400x64xf32>
    %eq3A_96 = arith.constant 0 : i32
    %eq3A_97 = arith.cmpi eq, %arg0, %eq3A_96 : i32
    %convert_element_type3A_98 = arith.extui %eq3A_97 : i1 to i32
    %cond3A = arith.constant 0 : i32
    %cond3A_99 = arith.cmpi ne, %convert_element_type3A_98, %cond3A : i32
    scf.if %cond3A_99 {
      %broadcast_in_dim3A_123 = arith.constant 0.000000e+00 : f32
      %broadcast_in_dim3A_124 = vector.broadcast %broadcast_in_dim3A_123 : f32 to vector<64x256xf32>
      %swap3A_125 = arith.constant 0 : index
      %swap3A_126 = arith.constant 0 : index
      %swap3A_127 = vector.load %arg9[%swap3A_125, %swap3A_126] : memref<64x256xf32, #tpu.memory_space<vmem>>, vector<64x256xf32>
      tpu.vector_store %arg9[%swap3A_125, %swap3A_126], %broadcast_in_dim3A_124 {strides = array<i32>} : memref<64x256xf32, #tpu.memory_space<vmem>>, vector<64x256xf32>,
      %broadcast_in_dim3A_128 = arith.constant 0.000000e+00 : f32
      %broadcast_in_dim3A_129 = vector.broadcast %broadcast_in_dim3A_128 : f32 to vector<64x128xf32>
      %swap3A_130 = arith.constant 0 : index
      %swap3A_131 = arith.constant 0 : index
      %swap3A_132 = vector.load %arg10[%swap3A_130, %swap3A_131] : memref<64x128xf32, #tpu.memory_space<vmem>>, vector<64x128xf32>
      tpu.vector_store %arg10[%swap3A_130, %swap3A_131], %broadcast_in_dim3A_129 {strides = array<i32>} : memref<64x128xf32, #tpu.memory_space<vmem>>, vector<64x128xf32>,
    } else {
    }
    %get3A_100 = arith.constant 0 : index
    %get3A_101 = arith.constant 0 : index
    %get3A_102 = vector.load %arg9[%get3A_100, %get3A_101] : memref<64x256xf32, #tpu.memory_space<vmem>>, vector<64x256xf32>
    %dot_general3A = arith.constant dense<0.000000e+00> : vector<64x256xf32>
    %dot_general3A_103 = tpu.matmul %convert_element_type3A_95, %concatenate3A, %dot_general3A {dimension_numbers = #tpu.dot_dimension_numbers<[0], [0], [1], [1], [0, 1, 1, 1], [], []>, transpose_lhs_hint = false} : vector<400x64xf32>, vector<400x256xf32>, vector<64x256xf32> -> vector<64x256xf32>
    %add3A_104 = arith.addf %get3A_102, %dot_general3A_103 : vector<64x256xf32>
    %swap3A = arith.constant 0 : index
    %swap3A_105 = arith.constant 0 : index
    %swap3A_106 = vector.load %arg9[%swap3A, %swap3A_105] : memref<64x256xf32, #tpu.memory_space<vmem>>, vector<64x256xf32>
    tpu.vector_store %arg9[%swap3A, %swap3A_105], %add3A_104 {strides = array<i32>} : memref<64x256xf32, #tpu.memory_space<vmem>>, vector<64x256xf32>,
    %get3A_107 = arith.constant 0 : index
    %get3A_108 = arith.constant 0 : index
    %get3A_109 = vector.load %arg10[%get3A_107, %get3A_108] : memref<64x128xf32, #tpu.memory_space<vmem>>, vector<64x128xf32>
    %broadcast_in_dim3A_110 = arith.constant 1.000000e+00 : f32
    %broadcast_in_dim3A_111 = vector.broadcast %broadcast_in_dim3A_110 : f32 to vector<400x128xf32>
    %dot_general3A_112 = arith.constant dense<0.000000e+00> : vector<64x128xf32>
    %dot_general3A_113 = tpu.matmul %convert_element_type3A_95, %broadcast_in_dim3A_111, %dot_general3A_112 {dimension_numbers = #tpu.dot_dimension_numbers<[0], [0], [1], [1], [0, 1, 1, 1], [], []>, transpose_lhs_hint = false} : vector<400x64xf32>, vector<400x128xf32>, vector<64x128xf32> -> vector<64x128xf32>
    %add3A_114 = arith.addf %get3A_109, %dot_general3A_113 : vector<64x128xf32>
    %swap3A_115 = arith.constant 0 : index
    %swap3A_116 = arith.constant 0 : index
    %swap3A_117 = vector.load %arg10[%swap3A_115, %swap3A_116] : memref<64x128xf32, #tpu.memory_space<vmem>>, vector<64x128xf32>
    tpu.vector_store %arg10[%swap3A_115, %swap3A_116], %add3A_114 {strides = array<i32>} : memref<64x128xf32, #tpu.memory_space<vmem>>, vector<64x128xf32>,
    %eq3A_118 = arith.constant 24 : i32
    %eq3A_119 = arith.cmpi eq, %arg0, %eq3A_118 : i32
    %convert_element_type3A_120 = arith.extui %eq3A_119 : i1 to i32
    %cond3A_121 = arith.constant 0 : i32
    %cond3A_122 = arith.cmpi ne, %convert_element_type3A_120, %cond3A_121 : i32
    scf.if %cond3A_122 {
      %get3A_123 = arith.constant 0 : index
      %get3A_124 = arith.constant 0 : index
      %get3A_125 = vector.load %arg9[%get3A_123, %get3A_124] : memref<64x256xf32, #tpu.memory_space<vmem>>, vector<64x256xf32>
      %get3A_126 = arith.constant 0 : index
      %get3A_127 = arith.constant 0 : index
      %get3A_128 = vector.load %arg10[%get3A_126, %get3A_127] : memref<64x128xf32, #tpu.memory_space<vmem>>, vector<64x128xf32>
      %slice3A = vector.extract_strided_slice %get3A_128 {offsets = [0, 0], sizes = [64, 1], strides = [1, 1]} : vector<64x128xf32> to vector<64x1xf32>
      %max3A_129 = arith.constant 1.000000e+00 : f32
      %max3A_130 = vector.broadcast %max3A_129 : f32 to vector<64x1xf32>
      %max3A_131 = arith.maximumf %slice3A, %max3A_130 : vector<64x1xf32>
      %div3A_132 = vector.broadcast %max3A_131 : vector<64x1xf32> to vector<64x256xf32>
      %div3A_133 = arith.divf %get3A_125, %div3A_132 : vector<64x256xf32>
      %get3A_134 = arith.constant 0 : index
      %get3A_135 = arith.constant 0 : index
      %get3A_136 = vector.load %arg6[%get3A_134, %get3A_135] : memref<256x128xf32, #tpu.memory_space<vmem>>, vector<256x128xf32>
      %dot_general3A_137 = arith.constant dense<0.000000e+00> : vector<64x128xf32>
      %dot_general3A_138 = tpu.matmul %div3A_133, %get3A_136, %dot_general3A_137 {dimension_numbers = #tpu.dot_dimension_numbers<[1], [0], [0], [1], [0, 0, 1, 1], [], []>, transpose_lhs_hint = false} : vector<64x256xf32>, vector<256x128xf32>, vector<64x128xf32> -> vector<64x128xf32>
      %get3A_139 = arith.constant 0 : index
      %get3A_140 = arith.constant 0 : index
      %get3A_141 = vector.load %arg7[%get3A_139, %get3A_140] : memref<1x128xf32, #tpu.memory_space<vmem>>, vector<1x128xf32>
      %add3A_142 = vector.broadcast %get3A_141 : vector<1x128xf32> to vector<64x128xf32>
      %add3A_143 = arith.addf %dot_general3A_138, %add3A_142 : vector<64x128xf32>
      %swap3A_144 = arith.constant 0 : index
      %swap3A_145 = arith.constant 0 : index
      %swap3A_146 = vector.load %arg8[%swap3A_144, %swap3A_145] : memref<64x128xf32, #tpu.memory_space<vmem>>, vector<64x128xf32>
      tpu.vector_store %arg8[%swap3A_144, %swap3A_145], %add3A_143 {strides = array<i32>} : memref<64x128xf32, #tpu.memory_space<vmem>>, vector<64x128xf32>,
    } else {
    }
    return
  }
  func.func @transform_0(%arg0: i32) -> (i32, i32, i32) {
    %c0_i32 = arith.constant 0 : i32
    %c0_i32_0 = arith.constant 0 : i32
    %c0_i32_1 = arith.constant 0 : i32
    return %c0_i32, %arg0, %c0_i32_0 : i32, i32, i32
  }
  func.func @transform_1(%arg0: i32) -> (i32, i32, i32) {
    %c0_i32 = arith.constant 0 : i32
    %c0_i32_0 = arith.constant 0 : i32
    %c0_i32_1 = arith.constant 0 : i32
    %c0_i32_2 = arith.constant 0 : i32
    return %c0_i32, %c0_i32_0, %c0_i32_1 : i32, i32, i32
  }
  func.func @transform_2(%arg0: i32) -> (i32, i32, i32) {
    %c0_i32 = arith.constant 0 : i32
    %c0_i32_0 = arith.constant 0 : i32
    %c0_i32_1 = arith.constant 0 : i32
    %c0_i32_2 = arith.constant 0 : i32
    return %c0_i32, %c0_i32_0, %c0_i32_1 : i32, i32, i32
  }
  func.func @transform_3(%arg0: i32) -> (i32, i32, i32) {
    %c0_i32 = arith.constant 0 : i32
    %c0_i32_0 = arith.constant 0 : i32
    %c0_i32_1 = arith.constant 0 : i32
    %c0_i32_2 = arith.constant 0 : i32
    return %c0_i32, %c0_i32_0, %c0_i32_1 : i32, i32, i32
  }
  func.func @transform_4(%arg0: i32) -> (i32, i32, i32) {
    %c0_i32 = arith.constant 0 : i32
    %c0_i32_0 = arith.constant 0 : i32
    %c0_i32_1 = arith.constant 0 : i32
    return %arg0, %c0_i32, %c0_i32_0 : i32, i32, i32
  }
  func.func @transform_5(%arg0: i32) -> (i32, i32) {
    %c0_i32 = arith.constant 0 : i32
    %c0_i32_0 = arith.constant 0 : i32
    %c0_i32_1 = arith.constant 0 : i32
    return %c0_i32, %c0_i32_0 : i32, i32
  }
  func.func @transform_6(%arg0: i32) -> (i32, i32) {
    %c0_i32 = arith.constant 0 : i32
    %c0_i32_0 = arith.constant 0 : i32
    %c0_i32_1 = arith.constant 0 : i32
    return %c0_i32, %c0_i32_0 : i32, i32
  }
  func.func @transform_7(%arg0: i32) -> (i32, i32) {
    %c0_i32 = arith.constant 0 : i32
    %c0_i32_0 = arith.constant 0 : i32
    %c0_i32_1 = arith.constant 0 : i32
    return %c0_i32, %c0_i32_0 : i32, i32
  }
}

</mosaic_0001>

<sc_bundles>
// kernel: kernel.11.cloned.1.call-start
scs
__scs_entry_jumppad:
0x0: {  	(pc) =	sbr.rel $0x88, $3  }
0x1: {  	(tag) =	ssettag $0x0;
	lr =	simm.s32 $0x1  }
0x2: {  	[smem:$0x3F94] =	sst lr;
	_ =	strace $0xD0000000  }
0x3: {  	_ = 	snop  }
0x4: {  	_ = 	snop  }
0x5: {  	_ = 	snop  }
0x6: {  	_ = 	snop  }
0x7: {  	_ = 	snop  }
__scs_overlays_trampoline_lowered:
0x8: {  	[smem:$0x3FA3] =	sst s0  }
0x9: {  	[smem:$0x3FA4] =	sst s1  }
0xa: {  	[smem:$0x3FA5] =	sst s2  }
0xb: {  	[smem:$0x3FA6] =	sst s3  }
0xc: {  	[smem:$0x3FA7] =	sst s4  }
0xd: {  	[smem:$0x3FA8] =	sst s5  }
0xe: {  	[smem:$0x3FA9] =	sst s6  }
0xf: {  	[smem:$0x3FAA] =	sst s7  }
0x10: {  	[smem:$0x3FAB] =	sst s8  }
0x11: {  	[smem:$0x3FAC] =	sst s9;
	s0 =	simm.s32 @!p0 $0x0  }
0x12: {  	s1 =	sld [smem:$0x3F92];
	s0 =	simm.s32 @p0 $0x1  }
0x13: {  	[smem:$0x3FAD] =	sst s0;
	s0 =	simm.s32 @!p1 $0x0  }
0x14: {  	s2 =	sld [smem:$0x3F91];
	s0 =	simm.s32 @p1 $0x1  }
0x15: {  	[smem:$0x3FAE] =	sst s0;
	s0 =	simm.s32 @!p2 $0x0  }
0x16: {  	s3 =	sld [smem:$0x3FDB];
	s0 =	simm.s32 @p2 $0x1  }
0x17: {  	s4 =	simm.s32 $0x1BF5;
	[smem:$0x3FB0] =	sst s0  }
0x18: {  	s0 =	sld [smem:$0x3F93];
	_ =	swait.ge [sflag:s4], $0x0  }
0x19: {  	s7 =	sld [smem:$0x3F94]  }
0x1a: {  	s8 =	sadd.s32 $0xFFFFE003, lr  }
0x1b: {  	s9 =	sadd.s32 $0xFFFFFEF7, lr;
	s5 =	simm.s32 $0xFFFFFFFF;
	p2 =	slt.u32 s8, $0xFFFFF086  }
0x1c: {  	p1 =	slt.u32 s9, $0xF7A;
	s5 =	simm.s32 @!p2 $0x0  }
0x1d: {  	s5 =	simm.s32 @p1 $0x1;
	p0 =	seq.s32 s7, s2  }
0x1e: {  	s7 =	smul.u32 @!p0 $0xF7A, s2;
	p2 =	seq.s32 @!p0 s5, $0x0  }
0x1f: {  	s9 =	smul.u32 $0xF7A, s1;
	s8 =	simm.s32 @!p0 $0x1BF5;
	p2 =	por !p2, p0  }
0x20: {  	[sflag:s8] =	ssyncset.s32 @!p0 $0xFFFFF086;
	s6 =	sadd.s32 @!p0 s3, s7;
	s7 =	simm.s32 @!p0 $0x108  }
0x21: {  	s3 =	sadd.s32 s3, s9;
	s6 =	sadd.s32 @!p0 $0x88, s6;
	s7 =	simm.s32 @p2 $0x1082  }
0x22: {  	[simem:s7], [sflag:s8] =	dma.local @!p0 [hbm:s6], $0xF7A  }
0x23: {  	s9 =	sor.u32 $0xD0000000, s2;
	s6 =	simm.s32 $0x108;
	_ =	swait.ge @!p0 [sflag:s8], $0x0  }
0x24: {  	s3 =	sadd.s32 $0x88, s3;
	s6 =	simm.s32 @!p1 $0x1082;
	[sflag:s4] =	ssyncset.s32 $0xFFFFF086  }
0x25: {  	[simem:s6], [sflag:s4] =	dma.local [hbm:s3], $0xF7A  }
0x26: {  	[smem:$0x3F94] =	sst s1;
	(tag) =	ssettag s2;
	_ =	strace s9  }
0x27: {  	s1 =	sld [smem:$0x3FA4]  }
0x28: {  	s2 =	sld [smem:$0x3FA5]  }
0x29: {  	s4 =	sld [smem:$0x3FA7]  }
0x2a: {  	p0 =	seq.s32 s5, $0x0;
	s5 =	sld [smem:$0x3FA8]  }
0x2b: {  	s6 =	sld [smem:$0x3FA9]  }
0x2c: {  	s7 =	sld [smem:$0x3FAA]  }
0x2d: {  	s3 =	simm.s32 $0x108;
	s8 =	sld [smem:$0x3FAB]  }
0x2e: {  	s3 =	simm.s32 @!p0 $0x1082;
	s9 =	sld [smem:$0x3FAC]  }
0x2f: {  	lr =	sadd.s32 s0, s3;
	s0 =	sld [smem:$0x3FA3]  }
0x30: {  	s3 =	sld [smem:$0x3FA6]  }
0x31: {  	[smem:$0x3FAF] =	sst s10  }
0x32: {  	s10 =	sld [smem:$0x3FAD];
	_ =	sdelay $0x3  }
0x33: {  	p0 =	seq.s32 s10, $0x1;
	s10 =	sld [smem:$0x3FAF];
	_ =	sdelay $0x3  }
0x34: {  	[smem:$0x3FAF] =	sst s10  }
0x35: {  	s10 =	sld [smem:$0x3FAE];
	_ =	sdelay $0x3  }
0x36: {  	p1 =	seq.s32 s10, $0x1;
	s10 =	sld [smem:$0x3FAF];
	_ =	sdelay $0x3  }
0x37: {  	[smem:$0x3FAF] =	sst s10  }
0x38: {  	s10 =	sld [smem:$0x3FB0]  }
0x39: {  	_ = 	snop;
	(pc) =	sbr.ind lr, $3  }
0x3a: {  	_ = 	snop  }
0x3b: {  	_ = 	snop  }
0x3c: {  	p2 =	seq.s32 s10, $0x1;
	s10 =	sld [smem:$0x3FAF]  }
0x3d: {  	_ =	shalt  }
0x3e: {  	_ =	shalt  }
0x3f: {  	_ =	shalt  }
0x40: {  	_ =	shalt  }
0x41: {  	_ =	shalt  }
0x42: {  	_ =	shalt  }
0x43: {  	_ =	shalt  }
0x44: {  	_ =	shalt  }
0x45: {  	_ =	shalt  }
0x46: {  	_ =	shalt  }
0x47: {  	_ =	shalt  }
0x48: {  	_ =	shalt  }
0x49: {  	_ =	shalt  }
0x4a: {  	_ =	shalt  }
0x4b: {  	_ =	shalt  }
0x4c: {  	_ =	shalt  }
0x4d: {  	_ =	shalt  }
0x4e: {  	_ =	shalt  }
0x4f: {  	_ =	shalt  }
0x50: {  	_ =	shalt  }
0x51: {  	_ =	shalt  }
0x52: {  	_ =	shalt  }
0x53: {  	_ =	shalt  }
0x54: {  	_ =	shalt  }
0x55: {  	_ =	shalt  }
0x56: {  	_ =	shalt  }
0x57: {  	_ =	shalt  }
0x58: {  	_ =	shalt  }
0x59: {  	_ =	shalt  }
0x5a: {  	_ =	shalt  }
0x5b: {  	_ =	shalt  }
0x5c: {  	_ =	shalt  }
0x5d: {  	_ =	shalt  }
0x5e: {  	_ =	shalt  }
0x5f: {  	_ =	shalt  }
0x60: {  	_ =	shalt  }
0x61: {  	_ =	shalt  }
0x62: {  	_ =	shalt  }
0x63: {  	_ =	shalt  }
0x64: {  	_ =	shalt  }
0x65: {  	_ =	shalt  }
0x66: {  	_ =	shalt  }
0x67: {  	_ =	shalt  }
0x68: {  	_ =	shalt  }
0x69: {  	_ =	shalt  }
0x6a: {  	_ =	shalt  }
0x6b: {  	_ =	shalt  }
0x6c: {  	_ =	shalt  }
0x6d: {  	_ =	shalt  }
0x6e: {  	_ =	shalt  }
0x6f: {  	_ =	shalt  }
0x70: {  	_ =	shalt  }
0x71: {  	_ =	shalt  }
0x72: {  	_ =	shalt  }
0x73: {  	_ =	shalt  }
0x74: {  	_ =	shalt  }
0x75: {  	_ =	shalt  }
0x76: {  	_ =	shalt  }
0x77: {  	_ =	shalt  }
0x78: {  	_ =	shalt  }
0x79: {  	_ =	shalt  }
0x7a: {  	_ =	shalt  }
0x7b: {  	_ =	shalt  }
0x7c: {  	_ =	shalt  }
0x7d: {  	_ =	shalt  }
0x7e: {  	_ =	shalt  }
0x7f: {  	_ =	shalt  }
0x80: {  	_ =	shalt  }
0x81: {  	_ =	shalt  }
0x82: {  	_ =	shalt  }
0x83: {  	_ =	shalt  }
0x84: {  	_ =	shalt  }
0x85: {  	_ =	shalt  }
0x86: {  	_ =	shalt  }
0x87: {  	_ =	shalt  }
.Lfunc_end0:
.L_simem_size_0:
called_computation_lowered:
.L_overlay_start_0:
0x88: {  	s2 =	sld [smem:$0x3FD9]  }
0x89: {  	s3 =	sld [smem:$0x3FFE];
	_ =	sdelay $0x1  }
0x8a: {  	s1 =	srdreg.scid  }
0x8b: {  	s0 =	sand.u32 $0x1, s1  }
0x8c: {  	s16 =	sshll.u32 s0, $0xA;
	s2 =	sadd.s32 s3, s2  }
0x8d: {  	s2 =	sadd.s32 s2, s16  }
0x8e: {  	[smem:$0x3FBB] =	sst s2  }
0x8f: {  	_ = 	snop  }
0x90: {  	(tm) =	ssettm $0x1  }
0x91: {  	s17 =	sld [smem:$0x3FFB];
	_ =	sdelay $0x3  }
0x92: {  	_ =	strace s17  }
0x93: {  	s2 =	sld [smem:$0x3FFC];
	_ =	sdelay $0x3  }
0x94: {  	_ =	strace s2  }
0x95: {  	s2 =	sld [smem:$0x3FFD];
	_ =	sdelay $0x3  }
0x96: {  	_ =	strace s2  }
0x97: {  	_ =	strace $0x8FFFFFFF  }
0x98: {  	s18 =	sld [smem:$0x3FDB];
	_ =	sdelay $0x1  }
0x99: {  	s19 =	simm.s32 $_scs_section_size  }
0x9a: {  	s4 =	simm.s32 $_size__tile_overlayer_lowered;
	s5 =	simm.s32 $_tile_overlayer_lowered  }
0x9b: {  	s22 =	simm.s32 $0x1BFF;
	s21 =	sshll.u32 s5, $0x1;
	s2 =	sadd.s32 s19, s18  }
0x9c: {  	s6 =	simm.s32 $0x0;
	s20 =	sshll.u32 s4, $0x1;
	s4 =	sadd.s32 s21, s2  }
0x9d: {  	[timem:s6], [sflag:s22] =	dma.local [hbm:s4], s20  }
0x9e: {  	_ =	swait.ge [sflag:s22], s20  }
0x9f: {  	s3 =	ssub.s32 $0x0, s20;
	[sflag:s22] =	ssyncset.done $0x0  }
0xa0: {  	[sflag:s22] =	ssyncadd.s32 s3;
	_ =	sdelay $0x1  }
0xa1: {  	s23 =	simm.s32 $0x1B8B  }
0xa2: {  	_ =	swait.ge [sflag:s23], $0x1  }
0xa3: {  	[sflag:s23] =	ssyncset.done $0x0  }
0xa4: {  	s25 =	simm.s32 $0x1B8E;
	s24 =	sld [smem:$0x3FFE];
	[sflag:s23] =	ssyncadd.s32 $0xFFFFFFFF  }
0xa5: {  	s26 =	simm.s32 $execute0_lowered;
	[smem:$0x3FD2] =	sst s25  }
0xa6: {  	s4 =	sshll.u32 s26, $0x1;
	_ =	strace $0x80000046;
	[dreg:$0x1] =	wrdreg $0xFFFFFFFF  }
0xa7: {  	s28 =	simm.s32 $_size_execute0_lowered;
	s2 =	sadd.s32 s2, s4;
	[dreg:$0x0] =	wrdreg $0x0  }
0xa8: {  	s4 =	sshll.u32 s28, $0x1;
	[dreg:$0x2] =	wrdreg s2  }
0xa9: {  	[dreg:$0x3] =	wrdreg s4  }
0xaa: {  	[dreg:$0x4] =	wrdreg $0xC0  }
0xab: {  	_ =	task [dreg:s6], $0x5FFFF  }
0xac: {  	[dreg:$0x1] =	wrdreg $0xFFFFFFFF  }
0xad: {  	[dreg:$0x0] =	wrdreg $0x60  }
0xae: {  	[dreg:$0x2] =	wrdreg s24  }
0xaf: {  	[dreg:$0x3] =	wrdreg $0x54000  }
0xb0: {  	[dreg:$0x4] =	wrdreg $0x9  }
0xb1: {  	_ =	task.clear_ibuf [dreg:s6], $0x5FFFF;
	_ =	strace $0x90000046  }
0xb2: {  	s29 =	simm.s32 $0x9;
	_ =	strace $0x80000048  }
0xb3: {  	_ =	swait.ge [sflag:s29], $0x1  }
0xb4: {  	[sflag:s29] =	ssyncadd.s32 $0xFFFFFFFF  }
0xb5: {  	_ =	strace $0x90000048  }
0xb6: {  	_ =	sfence  }
0xb7: {  	s30 =	sld [smem:$0x0];
	_ =	sdelay $0x2  }
0xb8: {  	s31 =	sshll.u32 s1, $0xD;
	s1 =	sshrl.u32 s1, $0x2  }
0xb9: {  	s3 =	sand.u32 $0x4000, s31;
	s1 =	sadd.s32 s1, s30  }
0xba: {  	s0 =	sor.u32 s3, s0;
	s1 =	sshll.u32 s1, $0x11  }
0xbb: {  	s0 =	sor.u32 s1, s0  }
0xbc: {  	s0 =	sadd.s32 $0x8F2B, s0  }
0xbd: {  	[sflag:s0] =	ssyncadd.remote.s32 $0x1  }
0xbe: {  	_ =	sfence.sel $0xFFFF  }
0xbf: {  	[dreg:$0x0] =	wrdreg $0xFFFFFFFF;
	(pc) =	sbr.abs _section_cstart, $3  }
0xc0: {  	[dreg:$0x1] =	wrdreg $0xFFFFFFFF  }
0xc1: {  	_ =	task.clear_ibuf [dreg:s6], $0x2FFFF;
	_ =	strace $0x9FFFFFFF  }
0xc2: {  	(tm) =	ssettm $0x7FFFFFFF  }
0xc3: {  	_ =	shalt  }
tec
execute0_lowered:
.L_overlay_start_1:
0x0: {  	(tag) =	ssettag $0x1  }
0x1: {  	s7 =	rddreg [dreg:$0x0]  }
0x2: {  	s0 =	srdreg.scid;
	s2 =	rddreg [dreg:$0x1]  }
0x3: {  	s3 =	simm.s32 $0x0;
	s13 =	simm.s32 $0x80;
	s6 =	sand.u32 $0x1, s0  }
0x4: {  	s14 =	simm.s32 $0x0;
	s0 =	stileid.u32;
	s5 =	smul.u32 $0x13C000, s6  }
0x5: {  	[smem:$0x7FF] =	sst s3;
	s1 =	sshll.u32 s6, $0x4;
	s8 =	smul.u32 $0x13C00, s0  }
0x6: {  	s10 =	smul.u32 $0x4F000, s0;
	s6 =	ssub.s32 $0x2, s6;
	s11 =	sshll.u32 s0, $0x6  }
0x7: {  	s1 =	sor.u32 s0, s1;
	s31 =	sshrl.u32 s6, $0x1;
	s11 =	sor.u32 $0x1C01, s11  }
0x8: {  	s4 =	smul.u32 $0x280, s1;
	s1 =	rddreg [dreg:$0x2];
	_ =	strace $0x80000047  }
0x9: {  	s8 =	sadd.s32 s8, s5;
	s5 =	sadd.s32 $0xCE00, s7;
	s10 =	sshrl.u32 s10, $0x2  }
0xa: {  	s8 =	sshrl.u32 s8, $0x3;
	s12 =	sadd.s32 s10, s2;
	s10 =	simm.s32 $0x1400  }
0xb: {  	s9 =	sadd.s32 s4, s7;
	s4 =	sadd.s32 $0xF600, s7;
	s7 =	sadd.s32 s8, s7  }
0xc: {  	s8 =	ssub.s32 s6, s31;
	s12 =	sshrl.u32 s12, $0x3;
	s6 =	sadd.s32 $0x2E00, s9  }
0xd: {  	s7 =	sadd.s32 $0xFE00, s7;
	s8 =	smax.u32 s8, $0x1;
	s9 =	simm.s32 $0x1  }
.LBB2_1:
0xe: {  	[tilespmem:s3], [sflag:$0x1] =	stream.linear.gather [hbm4b:s6+s3], $0x1400, $0x38;
	[tilespmem:$0x19000] =	vst v63  }
0xf: {  	_ =	swait.ge [sflag:s9], $0x1400  }
0x10: {  	[sflag:s9] =	ssyncset.done $0x0  }
0x11: {  	[sflag:s9] =	ssyncadd.s32 $0xFFFFEC00  }
0x12: {  	[tilespmem:s10], [sflag:$0x1] =	stream.linear.gather [hbm4b:s4+s3], $0x4000, $0x38;
	[tilespmem:$0x19000] =	vst v63  }
0x13: {  	_ =	swait.ge [sflag:s9], $0x4000  }
0x14: {  	[sflag:s9] =	ssyncset.done $0x0  }
0x15: {  	[sflag:s9] =	ssyncadd.s32 $0xFFFFC000  }
0x16: {  	[spmem:s12], [sflag:s11] =	dma.local [hbm:s5], $0x2780  }
0x17: {  	_ =	swait.ge [sflag:s9], $0x2780  }
0x18: {  	[sflag:s9] =	ssyncset.done $0x0  }
0x19: {  	[sflag:s9] =	ssyncadd.s32 $0xFFFFD880  }
0x1a: {  	s15 =	simm.s32 $0x0;
	[bflag:$0x0] =	sbarrier.arrive $0xFFFF  }
0x1b: {  	[spmem:s2] =	stream.indirect.scatter.add.f32 [tilespmem:s10], [sflag:$0x1], $0x80, s15, s13, $0xb8;
	[tilespmem:$0x19000] =	vst v63  }
0x1c: {  	_ =	swait.ge [sflag:s9], $0x4000  }
0x1d: {  	s15 =	simm.s32 $0x200;
	[sflag:s9] =	ssyncset.done $0x0  }
.LBB2_2:
0x1e: {  	s16 =	sshra.s32 s15, $0x2;
	[sflag:s9] =	ssyncadd.s32 $0xFFFFC000;
	p0 =	sne.s32 s15, $0x4E00  }
0x1f: {  	[spmem:s2] =	stream.indirect.scatter.add.f32 [tilespmem:s10], [sflag:$0x1], $0x80, s16, s13, $0xb8;
	[tilespmem:$0x19000] =	vst v63  }
.Ltmp0:
0x20: {  	_ = 	snop;
	(pc) =	sbr.rel @p0 .LBB2_2-.Ltmp0, $4  }
0x21: {  	_ = 	snop  }
0x22: {  	s15 =	sadd.s32 $0x200, s15  }
0x23: {  	_ =	swait.ge [sflag:s9], $0x4000  }
0x24: {  	[sflag:s9] =	ssyncset.done $0x0  }
0x25: {  	s14 =	sadd.s32 $0x1, s14  }
0x26: {  	[sflag:s9] =	ssyncadd.s32 $0xFFFFC000;
	p0 =	sne.s32 s14, s8  }
.Ltmp1:
0x27: {  	[bflag:$0x0] =	sbarrier.arrive $0xFFFF;
	(pc) =	sbr.rel @p0 .LBB2_1-.Ltmp1, $4  }
0x28: {  	[hbm:s7], [sflag:s11] =	dma.local [spmem:s12], $0x2780  }
0x29: {  	_ =	swait.ge [sflag:s9], $0x2780  }
0x2a: {  	[sflag:s9] =	ssyncset.done $0x0  }
0x2b: {  	[sflag:s9] =	ssyncadd.s32 $0xFFFFD880  }
0x2c: {  	_ =	sfence.sel $0x180000  }
0x2d: {  	[bflag:$0x0] =	sbarrier.arrive $0xFFFF  }
0x2e: {  	p0 =	sne.s32 s0, $0x0;
	_ =	strace $0x90000047  }
0x2f: {  	s0 =	sadd.s32 @!p0 $0x100000, s1;
	[bflag:$0x2] =	sbarrier.arrive $0xFFFF  }
0x30: {  	[sflag:s0] =	ssyncadd.tile.s32 @!p0 $0x1;
	_ =	shalt  }
.Lfunc_end2:
_tile_overlayer_lowered:
.L_overlay_start_2:
0x31: {  	(tag) =	ssettag $0x2  }
0x32: {  	s0 =	rddreg [dreg:$0x0];
	s2 =	stileid.u32  }
0x33: {  	s1 =	rddreg [dreg:$0x1];
	p0 =	sne.s32 s2, $0x0  }
0x34: {  	s3 =	rddreg [dreg:$0x2];
	[bflag:$0x3] =	sbarrier.arrive $0xFFFF;
	s2 =	simm.s32 @!p0 $0x1C01  }
0x35: {  	[timem:s3], [sflag:s2] =	dma.local @!p0 [hbm:s0], s1  }
0x36: {  	s0 =	simm.s32 @!p0 $0x1  }
0x37: {  	_ =	swait.ge @!p0 [sflag:s0], s1  }
0x38: {  	s1 =	ssub.s32 @!p0 $0x0, s1;
	[sflag:s0] =	ssyncset.done @!p0 $0x0  }
0x39: {  	[sflag:s0] =	ssyncadd.s32 @!p0 s1  }
0x3a: {  	[bflag:$0x3] =	sbarrier.arrive $0xFFFF  }
0x3b: {  	_ =	shalt  }

// kernel: kernel.14.cloned.1.call-start
scs
__scs_entry_jumppad:
0x0: {  	(pc) =	sbr.rel $0x88, $3  }
0x1: {  	(tag) =	ssettag $0x0;
	lr =	simm.s32 $0x1  }
0x2: {  	[smem:$0x3F94] =	sst lr;
	_ =	strace $0xD0000000  }
0x3: {  	_ = 	snop  }
0x4: {  	_ = 	snop  }
0x5: {  	_ = 	snop  }
0x6: {  	_ = 	snop  }
0x7: {  	_ = 	snop  }
__scs_overlays_trampoline_lowered:
0x8: {  	[smem:$0x3FA3] =	sst s0  }
0x9: {  	[smem:$0x3FA4] =	sst s1  }
0xa: {  	[smem:$0x3FA5] =	sst s2  }
0xb: {  	[smem:$0x3FA6] =	sst s3  }
0xc: {  	[smem:$0x3FA7] =	sst s4  }
0xd: {  	[smem:$0x3FA8] =	sst s5  }
0xe: {  	[smem:$0x3FA9] =	sst s6  }
0xf: {  	[smem:$0x3FAA] =	sst s7  }
0x10: {  	[smem:$0x3FAB] =	sst s8  }
0x11: {  	[smem:$0x3FAC] =	sst s9;
	s0 =	simm.s32 @!p0 $0x0  }
0x12: {  	s1 =	sld [smem:$0x3F92];
	s0 =	simm.s32 @p0 $0x1  }
0x13: {  	[smem:$0x3FAD] =	sst s0;
	s0 =	simm.s32 @!p1 $0x0  }
0x14: {  	s2 =	sld [smem:$0x3F91];
	s0 =	simm.s32 @p1 $0x1  }
0x15: {  	[smem:$0x3FAE] =	sst s0;
	s0 =	simm.s32 @!p2 $0x0  }
0x16: {  	s3 =	sld [smem:$0x3FDB];
	s0 =	simm.s32 @p2 $0x1  }
0x17: {  	s4 =	simm.s32 $0x1BF5;
	[smem:$0x3FB0] =	sst s0  }
0x18: {  	s0 =	sld [smem:$0x3F93];
	_ =	swait.ge [sflag:s4], $0x0  }
0x19: {  	s7 =	sld [smem:$0x3F94]  }
0x1a: {  	s8 =	sadd.s32 $0xFFFFE003, lr  }
0x1b: {  	s9 =	sadd.s32 $0xFFFFFEF7, lr;
	s5 =	simm.s32 $0xFFFFFFFF;
	p2 =	slt.u32 s8, $0xFFFFF086  }
0x1c: {  	p1 =	slt.u32 s9, $0xF7A;
	s5 =	simm.s32 @!p2 $0x0  }
0x1d: {  	s5 =	simm.s32 @p1 $0x1;
	p0 =	seq.s32 s7, s2  }
0x1e: {  	s7 =	smul.u32 @!p0 $0xF7A, s2;
	p2 =	seq.s32 @!p0 s5, $0x0  }
0x1f: {  	s9 =	smul.u32 $0xF7A, s1;
	s8 =	simm.s32 @!p0 $0x1BF5;
	p2 =	por !p2, p0  }
0x20: {  	[sflag:s8] =	ssyncset.s32 @!p0 $0xFFFFF086;
	s6 =	sadd.s32 @!p0 s3, s7;
	s7 =	simm.s32 @!p0 $0x108  }
0x21: {  	s3 =	sadd.s32 s3, s9;
	s6 =	sadd.s32 @!p0 $0x88, s6;
	s7 =	simm.s32 @p2 $0x1082  }
0x22: {  	[simem:s7], [sflag:s8] =	dma.local @!p0 [hbm:s6], $0xF7A  }
0x23: {  	s9 =	sor.u32 $0xD0000000, s2;
	s6 =	simm.s32 $0x108;
	_ =	swait.ge @!p0 [sflag:s8], $0x0  }
0x24: {  	s3 =	sadd.s32 $0x88, s3;
	s6 =	simm.s32 @!p1 $0x1082;
	[sflag:s4] =	ssyncset.s32 $0xFFFFF086  }
0x25: {  	[simem:s6], [sflag:s4] =	dma.local [hbm:s3], $0xF7A  }
0x26: {  	[smem:$0x3F94] =	sst s1;
	(tag) =	ssettag s2;
	_ =	strace s9  }
0x27: {  	s1 =	sld [smem:$0x3FA4]  }
0x28: {  	s2 =	sld [smem:$0x3FA5]  }
0x29: {  	s4 =	sld [smem:$0x3FA7]  }
0x2a: {  	p0 =	seq.s32 s5, $0x0;
	s5 =	sld [smem:$0x3FA8]  }
0x2b: {  	s6 =	sld [smem:$0x3FA9]  }
0x2c: {  	s7 =	sld [smem:$0x3FAA]  }
0x2d: {  	s3 =	simm.s32 $0x108;
	s8 =	sld [smem:$0x3FAB]  }
0x2e: {  	s3 =	simm.s32 @!p0 $0x1082;
	s9 =	sld [smem:$0x3FAC]  }
0x2f: {  	lr =	sadd.s32 s0, s3;
	s0 =	sld [smem:$0x3FA3]  }
0x30: {  	s3 =	sld [smem:$0x3FA6]  }
0x31: {  	[smem:$0x3FAF] =	sst s10  }
0x32: {  	s10 =	sld [smem:$0x3FAD];
	_ =	sdelay $0x3  }
0x33: {  	p0 =	seq.s32 s10, $0x1;
	s10 =	sld [smem:$0x3FAF];
	_ =	sdelay $0x3  }
0x34: {  	[smem:$0x3FAF] =	sst s10  }
0x35: {  	s10 =	sld [smem:$0x3FAE];
	_ =	sdelay $0x3  }
0x36: {  	p1 =	seq.s32 s10, $0x1;
	s10 =	sld [smem:$0x3FAF];
	_ =	sdelay $0x3  }
0x37: {  	[smem:$0x3FAF] =	sst s10  }
0x38: {  	s10 =	sld [smem:$0x3FB0]  }
0x39: {  	_ = 	snop;
	(pc) =	sbr.ind lr, $3  }
0x3a: {  	_ = 	snop  }
0x3b: {  	_ = 	snop  }
0x3c: {  	p2 =	seq.s32 s10, $0x1;
	s10 =	sld [smem:$0x3FAF]  }
0x3d: {  	_ =	shalt  }
0x3e: {  	_ =	shalt  }
0x3f: {  	_ =	shalt  }
0x40: {  	_ =	shalt  }
0x41: {  	_ =	shalt  }
0x42: {  	_ =	shalt  }
0x43: {  	_ =	shalt  }
0x44: {  	_ =	shalt  }
0x45: {  	_ =	shalt  }
0x46: {  	_ =	shalt  }
0x47: {  	_ =	shalt  }
0x48: {  	_ =	shalt  }
0x49: {  	_ =	shalt  }
0x4a: {  	_ =	shalt  }
0x4b: {  	_ =	shalt  }
0x4c: {  	_ =	shalt  }
0x4d: {  	_ =	shalt  }
0x4e: {  	_ =	shalt  }
0x4f: {  	_ =	shalt  }
0x50: {  	_ =	shalt  }
0x51: {  	_ =	shalt  }
0x52: {  	_ =	shalt  }
0x53: {  	_ =	shalt  }
0x54: {  	_ =	shalt  }
0x55: {  	_ =	shalt  }
0x56: {  	_ =	shalt  }
0x57: {  	_ =	shalt  }
0x58: {  	_ =	shalt  }
0x59: {  	_ =	shalt  }
0x5a: {  	_ =	shalt  }
0x5b: {  	_ =	shalt  }
0x5c: {  	_ =	shalt  }
0x5d: {  	_ =	shalt  }
0x5e: {  	_ =	shalt  }
0x5f: {  	_ =	shalt  }
0x60: {  	_ =	shalt  }
0x61: {  	_ =	shalt  }
0x62: {  	_ =	shalt  }
0x63: {  	_ =	shalt  }
0x64: {  	_ =	shalt  }
0x65: {  	_ =	shalt  }
0x66: {  	_ =	shalt  }
0x67: {  	_ =	shalt  }
0x68: {  	_ =	shalt  }
0x69: {  	_ =	shalt  }
0x6a: {  	_ =	shalt  }
0x6b: {  	_ =	shalt  }
0x6c: {  	_ =	shalt  }
0x6d: {  	_ =	shalt  }
0x6e: {  	_ =	shalt  }
0x6f: {  	_ =	shalt  }
0x70: {  	_ =	shalt  }
0x71: {  	_ =	shalt  }
0x72: {  	_ =	shalt  }
0x73: {  	_ =	shalt  }
0x74: {  	_ =	shalt  }
0x75: {  	_ =	shalt  }
0x76: {  	_ =	shalt  }
0x77: {  	_ =	shalt  }
0x78: {  	_ =	shalt  }
0x79: {  	_ =	shalt  }
0x7a: {  	_ =	shalt  }
0x7b: {  	_ =	shalt  }
0x7c: {  	_ =	shalt  }
0x7d: {  	_ =	shalt  }
0x7e: {  	_ =	shalt  }
0x7f: {  	_ =	shalt  }
0x80: {  	_ =	shalt  }
0x81: {  	_ =	shalt  }
0x82: {  	_ =	shalt  }
0x83: {  	_ =	shalt  }
0x84: {  	_ =	shalt  }
0x85: {  	_ =	shalt  }
0x86: {  	_ =	shalt  }
0x87: {  	_ =	shalt  }
.Lfunc_end0:
.L_simem_size_0:
called_computation.1_lowered:
.L_overlay_start_0:
0x88: {  	s2 =	sld [smem:$0x3FD9]  }
0x89: {  	s3 =	sld [smem:$0x3FFE];
	_ =	sdelay $0x1  }
0x8a: {  	s1 =	srdreg.scid  }
0x8b: {  	s0 =	sand.u32 $0x1, s1  }
0x8c: {  	s16 =	sshll.u32 s0, $0xA;
	s2 =	sadd.s32 s3, s2  }
0x8d: {  	s2 =	sadd.s32 s2, s16  }
0x8e: {  	[smem:$0x3FBB] =	sst s2  }
0x8f: {  	_ = 	snop  }
0x90: {  	(tm) =	ssettm $0x1  }
0x91: {  	s17 =	sld [smem:$0x3FFB];
	_ =	sdelay $0x3  }
0x92: {  	_ =	strace s17  }
0x93: {  	s2 =	sld [smem:$0x3FFC];
	_ =	sdelay $0x3  }
0x94: {  	_ =	strace s2  }
0x95: {  	s2 =	sld [smem:$0x3FFD];
	_ =	sdelay $0x3  }
0x96: {  	_ =	strace s2  }
0x97: {  	_ =	strace $0x8FFFFFFF  }
0x98: {  	s18 =	sld [smem:$0x3FDB];
	_ =	sdelay $0x1  }
0x99: {  	s19 =	simm.s32 $_scs_section_size  }
0x9a: {  	s4 =	simm.s32 $_size__tile_overlayer_lowered;
	s5 =	simm.s32 $_tile_overlayer_lowered  }
0x9b: {  	s22 =	simm.s32 $0x1BFF;
	s21 =	sshll.u32 s5, $0x1;
	s2 =	sadd.s32 s19, s18  }
0x9c: {  	s6 =	simm.s32 $0x0;
	s20 =	sshll.u32 s4, $0x1;
	s4 =	sadd.s32 s21, s2  }
0x9d: {  	[timem:s6], [sflag:s22] =	dma.local [hbm:s4], s20  }
0x9e: {  	_ =	swait.ge [sflag:s22], s20  }
0x9f: {  	s3 =	ssub.s32 $0x0, s20;
	[sflag:s22] =	ssyncset.done $0x0  }
0xa0: {  	[sflag:s22] =	ssyncadd.s32 s3;
	_ =	sdelay $0x1  }
0xa1: {  	s23 =	simm.s32 $0x1B8B  }
0xa2: {  	_ =	swait.ge [sflag:s23], $0x1  }
0xa3: {  	[sflag:s23] =	ssyncset.done $0x0  }
0xa4: {  	s25 =	simm.s32 $0x1B8E;
	s24 =	sld [smem:$0x3FFE];
	[sflag:s23] =	ssyncadd.s32 $0xFFFFFFFF  }
0xa5: {  	s26 =	simm.s32 $execute0_lowered;
	[smem:$0x3FD2] =	sst s25  }
0xa6: {  	s4 =	sshll.u32 s26, $0x1;
	_ =	strace $0x80000049;
	[dreg:$0x1] =	wrdreg $0xFFFFFFFF  }
0xa7: {  	s28 =	simm.s32 $_size_execute0_lowered;
	s2 =	sadd.s32 s2, s4;
	[dreg:$0x0] =	wrdreg $0x0  }
0xa8: {  	s4 =	sshll.u32 s28, $0x1;
	[dreg:$0x2] =	wrdreg s2  }
0xa9: {  	[dreg:$0x3] =	wrdreg s4  }
0xaa: {  	[dreg:$0x4] =	wrdreg $0xC0  }
0xab: {  	_ =	task [dreg:s6], $0x5FFFF  }
0xac: {  	[dreg:$0x1] =	wrdreg $0xFFFFFFFF  }
0xad: {  	[dreg:$0x0] =	wrdreg $0x60  }
0xae: {  	[dreg:$0x2] =	wrdreg s24  }
0xaf: {  	[dreg:$0x3] =	wrdreg $0xC4000  }
0xb0: {  	[dreg:$0x4] =	wrdreg $0x9  }
0xb1: {  	_ =	task.clear_ibuf [dreg:s6], $0x5FFFF;
	_ =	strace $0x90000049  }
0xb2: {  	s29 =	simm.s32 $0x9;
	_ =	strace $0x8000004B  }
0xb3: {  	_ =	swait.ge [sflag:s29], $0x1  }
0xb4: {  	[sflag:s29] =	ssyncadd.s32 $0xFFFFFFFF  }
0xb5: {  	_ =	strace $0x9000004B  }
0xb6: {  	_ =	sfence  }
0xb7: {  	s30 =	sld [smem:$0x0];
	_ =	sdelay $0x2  }
0xb8: {  	s31 =	sshll.u32 s1, $0xD;
	s1 =	sshrl.u32 s1, $0x2  }
0xb9: {  	s3 =	sand.u32 $0x4000, s31;
	s1 =	sadd.s32 s1, s30  }
0xba: {  	s0 =	sor.u32 s3, s0;
	s1 =	sshll.u32 s1, $0x11  }
0xbb: {  	s0 =	sor.u32 s1, s0  }
0xbc: {  	s0 =	sadd.s32 $0x8F2B, s0  }
0xbd: {  	[sflag:s0] =	ssyncadd.remote.s32 $0x1  }
0xbe: {  	_ =	sfence.sel $0xFFFF  }
0xbf: {  	[dreg:$0x0] =	wrdreg $0xFFFFFFFF;
	(pc) =	sbr.abs _section_cstart, $3  }
0xc0: {  	[dreg:$0x1] =	wrdreg $0xFFFFFFFF  }
0xc1: {  	_ =	task.clear_ibuf [dreg:s6], $0x2FFFF;
	_ =	strace $0x9FFFFFFF  }
0xc2: {  	(tm) =	ssettm $0x7FFFFFFF  }
0xc3: {  	_ =	shalt  }
tec
execute0_lowered:
.L_overlay_start_1:
0x0: {  	(tag) =	ssettag $0x1  }
0x1: {  	s9 =	rddreg [dreg:$0x0]  }
0x2: {  	s1 =	rddreg [dreg:$0x1];
	s3 =	simm.s32 $0x0  }
0x3: {  	s2 =	srdreg.scid;
	s0 =	stileid.u32;
	s18 =	simm.s32 $0x5  }
0x4: {  	s19 =	simm.s32 $0x200;
	s20 =	simm.s32 $0x80;
	s21 =	simm.s32 $0x280  }
0x5: {  	s22 =	simm.s32 $0x1;
	s23 =	simm.s32 $0x400;
	s24 =	simm.s32 $0x4  }
0x6: {  	s28 =	simm.s32 $0x0;
	[smem:$0x7FF] =	sst s3;
	s11 =	sand.u32 $0x1, s2  }
0x7: {  	s4 =	sadd.s32 $0x7E00, s9;
	s12 =	smul.u32 $0x13C00, s0;
	s5 =	sadd.s32 $0x2E00, s9  }
0x8: {  	s6 =	sadd.s32 $0x86000, s9;
	s7 =	sadd.s32 $0x5EE00, s9;
	s14 =	smul.u32 $0x4F000, s0  }
0x9: {  	s8 =	sadd.s32 $0xCE00, s9;
	s29 =	sshll.u32 s0, $0x6;
	s30 =	smul.u32 $0x500, s0  }
0xa: {  	s10 =	smul.u32 $0x13C000, s11;
	_ =	strace $0x8000004A;
	s25 =	ssub.s32 $0x2, s11  }
0xb: {  	p0 =	seq.s32 s11, $0x1;
	s13 =	sshrl.u32 s25, $0x1;
	s26 =	sshrl.u32 s14, $0x2  }
0xc: {  	s11 =	sadd.s32 s4, s30;
	s31 =	sor.u32 $0x10, s30;
	s10 =	sadd.s32 s12, s10  }
.Ltmp0:
0xd: {  	s16 =	ssub.s32 s25, s13;
	s17 =	sadd.s32 s26, s1;
	(pc) =	sbr.rel .LBB2_1-.Ltmp0, $4  }
0xe: {  	s12 =	sadd.s32 s5, s30;
	s13 =	sadd.s32 s4, s31;
	s14 =	sadd.s32 s5, s31  }
0xf: {  	s25 =	simm.s32 $0x3;
	s26 =	simm.s32 $0x2;
	s10 =	sshrl.u32 s10, $0x3  }
0x10: {  	s16 =	smax.u32 s16, $0x1;
	s17 =	sshrl.u32 s17, $0x3;
	s15 =	sadd.s32 s10, s9  }
0x11: {  	s9 =	smul.u32 $0x50, s0;
	s10 =	sor.u32 $0x1C05, s29;
	s15 =	sadd.s32 $0xAD200, s15  }
.LBB2_20:
0x12: {  	_ =	swait.ge [sflag:s24], $0x4000  }
0x13: {  	[sflag:s24] =	ssyncset.done $0x0  }
0x14: {  	[sflag:s24] =	ssyncadd.s32 $0xFFFFC000  }
0x15: {  	_ =	swait.ge [sflag:s24], $0x4000  }
0x16: {  	s28 =	sadd.s32 $0x1, s28;
	[sflag:s24] =	ssyncset.done $0x0  }
0x17: {  	p1 =	sne.s32 s28, s16;
	[sflag:s24] =	ssyncadd.s32 $0xFFFFC000  }
.Ltmp1:
0x18: {  	[bflag:$0x0] =	sbarrier.arrive $0xFFFF;
	(pc) =	sbr.rel @!p1 .LBB2_21-.Ltmp1, $4  }
0x19: {  	[hbm:s15], [sflag:s10] =	dma.local [spmem:s17], $0x2780  }
0x1a: {  	_ =	swait.ge [sflag:s18], $0x2780  }
0x1b: {  	[sflag:s18] =	ssyncset.done $0x0  }
0x1c: {  	[sflag:s18] =	ssyncadd.s32 $0xFFFFD880  }
.LBB2_1:
0x1d: {  	[spmem:s17], [sflag:s10] =	dma.local [hbm:s8], $0x2780  }
0x1e: {  	_ =	swait.ge [sflag:s18], $0x2780  }
0x1f: {  	[sflag:s18] =	ssyncset.done $0x0  }
0x20: {  	[sflag:s18] =	ssyncadd.s32 $0xFFFFD880  }
0x21: {  	[bflag:$0x0] =	sbarrier.arrive $0xFFFF  }
0x22: {  	[tilespmem:s3], [sflag:$0x1] =	stream.linear.gather [hbm4b:s11+s3], $0x80, $0x38;
	v63 =	vld [tilespmem:$0x0]  }
0x23: {  	_ = 	snop  }
0x24: {  	[tilespmem:s19], [sflag:$0x2] =	stream.linear.gather [hbm4b:s12+s3], $0x80, $0x38;
	v63 =	vld [tilespmem:$0x0]  }
0x25: {  	_ = 	snop  }
0x26: {  	[tilespmem:s20], [sflag:$0x1] =	stream.linear.gather [hbm4b:s13+s3], $0x80, $0x38;
	v63 =	vld [tilespmem:$0x0]  }
.Ltmp2:
0x27: {  	_ = 	snop;
	(pc) =	sbr.rel @!p0 .LBB2_2-.Ltmp2, $4  }
0x28: {  	[tilespmem:s21], [sflag:$0x2] =	stream.linear.gather [hbm4b:s14+s3], $0x80, $0x38;
	v63 =	vld [tilespmem:$0x0]  }
0x29: {  	_ =	swait.ge [sflag:s22], $0x80  }
0x2a: {  	[sflag:s22] =	ssyncset.done $0x0  }
0x2b: {  	s29 =	simm.s32 $0x0;
	[sflag:s22] =	ssyncadd.s32 $0xFFFFFF80  }
.Ltmp3:
0x2c: {  	(pc) =	sbr.rel .LBB2_12-.Ltmp3, $2  }
0x2d: {  	_ =	sdelay $0x2  }
0x2e: {  	[tilespmem:s23], [sflag:$0x3] =	stream.indirect.gather [hbm4b:s7+s20], $0x80, s29, s20, $0xb8;
	v63 =	vld [tilespmem:$0x0]  }
.LBB2_13:
0x2f: {  	s30 =	sor.u32 $0x2, s29  }
.LBB2_16:
0x30: {  	s0 =	smul.u32 $0xAB, s30;
	_ =	sdelay $0x1  }
0x31: {  	s0 =	sshrl.u32 s0, $0x9  }
0x32: {  	s0 =	sand.u32 $0x7F, s0  }
0x33: {  	s0 =	smul.u32 $0x3, s0  }
0x34: {  	s2 =	sadd.s32 s9, s29  }
0x35: {  	s2 =	sshll.u32 s2, $0x4;
	s0 =	ssub.s32 s30, s0  }
0x36: {  	s2 =	sadd.s32 $0x20, s2;
	s0 =	sand.u32 $0xFF, s0  }
0x37: {  	s31 =	sadd.s32 s4, s2;
	s0 =	sshll.u32 s0, $0x7  }
0x38: {  	[tilespmem:s0], [sflag:$0x1] =	stream.linear.gather [hbm4b:s31+s3], $0x80, $0x38;
	v63 =	vld [tilespmem:$0x0]  }
0x39: {  	s31 =	sshll.u32 s30, $0x7  }
0x3a: {  	s0 =	sand.u32 $0x180, s31  }
0x3b: {  	s2 =	sadd.s32 s5, s2;
	s0 =	sor.u32 $0x200, s0  }
0x3c: {  	[tilespmem:s0], [sflag:$0x2] =	stream.linear.gather [hbm4b:s2+s3], $0x80, $0x38;
	v63 =	vld [tilespmem:$0x0]  }
.LBB2_18:
0x3d: {  	s30 =	sadd.s32 $0x1, s29  }
0x3e: {  	s0 =	smul.u32 $0xAB, s30;
	_ =	sdelay $0x1  }
0x3f: {  	s0 =	sshrl.u32 s0, $0x9  }
0x40: {  	s0 =	sand.u32 $0x7F, s0  }
0x41: {  	s0 =	smul.u32 $0x3, s0;
	_ =	sdelay $0x1  }
0x42: {  	s0 =	ssub.s32 s30, s0  }
0x43: {  	_ =	swait.ge [sflag:s22], $0x80;
	s0 =	sand.u32 $0xFF, s0  }
0x44: {  	[sflag:s22] =	ssyncset.done $0x0;
	s2 =	sshll.u32 s0, $0xE  }
0x45: {  	[sflag:s22] =	ssyncadd.s32 $0xFFFFFF80;
	s0 =	sshll.u32 s0, $0x7;
	s2 =	sor.u32 $0x400, s2  }
0x46: {  	[tilespmem:s2], [sflag:$0x3] =	stream.indirect.gather [hbm4b:s7+s20], $0x80, s0, s20, $0xb8;
	v63 =	vld [tilespmem:$0x0]  }
.LBB2_19:
0x47: {  	s0 =	smul.u32 $0xAB, s29;
	_ =	sdelay $0x1  }
0x48: {  	s0 =	sshrl.u32 s0, $0x9  }
0x49: {  	s0 =	sand.u32 $0x7F, s0  }
0x4a: {  	_ =	swait.ge [sflag:s25], $0x4000;
	s0 =	smul.u32 $0x3, s0  }
0x4b: {  	s2 =	sshll.u32 s29, $0x7;
	p1 =	slt.u32 s30, $0x50;
	[sflag:s25] =	ssyncset.done $0x0  }
.Ltmp4:
0x4c: {  	[sflag:s25] =	ssyncadd.s32 $0xFFFFC000;
	s0 =	ssub.s32 s29, s0;
	(pc) =	sbr.rel @!p1 .LBB2_20-.Ltmp4, $4  }
0x4d: {  	s2 =	sand.u32 $0x180, s2;
	_ =	swait.ge [sflag:s26], $0x80;
	s0 =	sand.u32 $0xFF, s0  }
0x4e: {  	s2 =	sor.u32 $0x200, s2;
	[sflag:s26] =	ssyncset.done $0x0;
	s0 =	sshll.u32 s0, $0xE  }
0x4f: {  	[sflag:s26] =	ssyncadd.s32 $0xFFFFFF80;
	s29 =	smov.u32 s30;
	s0 =	sor.u32 $0x400, s0  }
0x50: {  	[spmem:s1] =	stream.indirect.scatter.add.f32 [tilespmem:s0], [sflag:$0x4], $0x80, s2, s20, $0xb8;
	v63 =	vld [tilespmem:$0x0]  }
.LBB2_12:
0x51: {  	p1 =	sgt.u32 s29, $0x1  }
.Ltmp5:
0x52: {  	_ = 	snop;
	(pc) =	sbr.rel @!p1 .LBB2_13-.Ltmp5, $1  }
0x53: {  	_ =	sdelay $0x3  }
0x54: {  	p1 =	sgt.u32 s29, $0x4D  }
.Ltmp6:
0x55: {  	_ = 	snop;
	(pc) =	sbr.rel @p1 .LBB2_17-.Ltmp6, $4  }
0x56: {  	_ = 	snop  }
0x57: {  	_ =	swait.ge [sflag:s24], $0x4000  }
0x58: {  	[sflag:s24] =	ssyncset.done $0x0  }
0x59: {  	[sflag:s24] =	ssyncadd.s32 $0xFFFFC000  }
.Ltmp7:
0x5a: {  	(pc) =	sbr.rel .LBB2_16-.Ltmp7, $2  }
0x5b: {  	_ =	sdelay $0x2  }
0x5c: {  	s30 =	sadd.s32 $0x2, s29  }
.LBB2_17:
0x5d: {  	p1 =	seq.s32 s29, $0x4F  }
.Ltmp8:
0x5e: {  	_ = 	snop;
	(pc) =	sbr.rel @p1 .LBB2_19-.Ltmp8, $4  }
.Ltmp9:
0x5f: {  	_ = 	snop;
	(pc) =	sbr.rel @!p1 .LBB2_18-.Ltmp9, $4  }
0x60: {  	_ = 	snop  }
0x61: {  	_ = 	snop  }
0x62: {  	s30 =	simm.s32 $0x50  }
0x63: {  	_ = 	snop  }
.LBB2_2:
.Ltmp10:
0x64: {  	(pc) =	sbr.rel .LBB2_3-.Ltmp10, $2  }
0x65: {  	_ =	sdelay $0x2  }
0x66: {  	[tilespmem:s23], [sflag:$0x3] =	stream.indirect.gather [hbm4b:s6+s20], $0x80, s29, s20, $0xb8;
	v63 =	vld [tilespmem:$0x0]  }
.LBB2_4:
0x67: {  	s30 =	sor.u32 $0x2, s29  }
.LBB2_7:
0x68: {  	s31 =	smul.u32 $0xAB, s30;
	_ =	sdelay $0x1  }
0x69: {  	s31 =	sshrl.u32 s31, $0x9  }
0x6a: {  	s31 =	sand.u32 $0x7F, s31  }
0x6b: {  	s31 =	smul.u32 $0x3, s31  }
0x6c: {  	s0 =	sadd.s32 s9, s29  }
0x6d: {  	s0 =	sshll.u32 s0, $0x4;
	s31 =	ssub.s32 s30, s31  }
0x6e: {  	s0 =	sadd.s32 $0x20, s0;
	s31 =	sand.u32 $0xFF, s31  }
0x6f: {  	s2 =	sadd.s32 s4, s0;
	s31 =	sshll.u32 s31, $0x7  }
0x70: {  	[tilespmem:s31], [sflag:$0x1] =	stream.linear.gather [hbm4b:s2+s3], $0x80, $0x38;
	v63 =	vld [tilespmem:$0x0]  }
0x71: {  	s31 =	sshll.u32 s30, $0x7  }
0x72: {  	s2 =	sand.u32 $0x180, s31  }
0x73: {  	s0 =	sadd.s32 s5, s0;
	s2 =	sor.u32 $0x200, s2  }
0x74: {  	[tilespmem:s2], [sflag:$0x2] =	stream.linear.gather [hbm4b:s0+s3], $0x80, $0x38;
	v63 =	vld [tilespmem:$0x0]  }
.LBB2_9:
0x75: {  	s30 =	sadd.s32 $0x1, s29  }
0x76: {  	s0 =	smul.u32 $0xAB, s30;
	_ =	sdelay $0x1  }
0x77: {  	s0 =	sshrl.u32 s0, $0x9  }
0x78: {  	s0 =	sand.u32 $0x7F, s0  }
0x79: {  	s0 =	smul.u32 $0x3, s0;
	_ =	sdelay $0x1  }
0x7a: {  	s0 =	ssub.s32 s30, s0  }
0x7b: {  	_ =	swait.ge [sflag:s22], $0x80;
	s0 =	sand.u32 $0xFF, s0  }
0x7c: {  	[sflag:s22] =	ssyncset.done $0x0;
	s2 =	sshll.u32 s0, $0xE  }
0x7d: {  	[sflag:s22] =	ssyncadd.s32 $0xFFFFFF80;
	s0 =	sshll.u32 s0, $0x7;
	s2 =	sor.u32 $0x400, s2  }
0x7e: {  	[tilespmem:s2], [sflag:$0x3] =	stream.indirect.gather [hbm4b:s6+s20], $0x80, s0, s20, $0xb8;
	v63 =	vld [tilespmem:$0x0]  }
.LBB2_10:
0x7f: {  	s0 =	smul.u32 $0xAB, s29;
	_ =	sdelay $0x1  }
0x80: {  	s0 =	sshrl.u32 s0, $0x9  }
0x81: {  	s0 =	sand.u32 $0x7F, s0  }
0x82: {  	_ =	swait.ge [sflag:s25], $0x4000;
	s0 =	smul.u32 $0x3, s0  }
0x83: {  	s2 =	sshll.u32 s29, $0x7;
	p1 =	slt.u32 s30, $0x50;
	[sflag:s25] =	ssyncset.done $0x0  }
.Ltmp11:
0x84: {  	[sflag:s25] =	ssyncadd.s32 $0xFFFFC000;
	s0 =	ssub.s32 s29, s0;
	(pc) =	sbr.rel @!p1 .LBB2_20-.Ltmp11, $4  }
0x85: {  	s2 =	sand.u32 $0x180, s2;
	_ =	swait.ge [sflag:s26], $0x80;
	s0 =	sand.u32 $0xFF, s0  }
0x86: {  	s2 =	sor.u32 $0x200, s2;
	[sflag:s26] =	ssyncset.done $0x0;
	s0 =	sshll.u32 s0, $0xE  }
0x87: {  	[sflag:s26] =	ssyncadd.s32 $0xFFFFFF80;
	s29 =	smov.u32 s30;
	s0 =	sor.u32 $0x400, s0  }
0x88: {  	[spmem:s1] =	stream.indirect.scatter.add.f32 [tilespmem:s0], [sflag:$0x4], $0x80, s2, s20, $0xb8;
	v63 =	vld [tilespmem:$0x0]  }
.LBB2_3:
0x89: {  	p1 =	sgt.u32 s29, $0x1  }
.Ltmp12:
0x8a: {  	_ = 	snop;
	(pc) =	sbr.rel @!p1 .LBB2_4-.Ltmp12, $1  }
0x8b: {  	_ =	sdelay $0x3  }
0x8c: {  	p1 =	sgt.u32 s29, $0x4D  }
.Ltmp13:
0x8d: {  	_ = 	snop;
	(pc) =	sbr.rel @p1 .LBB2_8-.Ltmp13, $4  }
0x8e: {  	_ = 	snop  }
0x8f: {  	_ =	swait.ge [sflag:s24], $0x4000  }
0x90: {  	[sflag:s24] =	ssyncset.done $0x0  }
0x91: {  	[sflag:s24] =	ssyncadd.s32 $0xFFFFC000  }
.Ltmp14:
0x92: {  	(pc) =	sbr.rel .LBB2_7-.Ltmp14, $2  }
0x93: {  	_ =	sdelay $0x2  }
0x94: {  	s30 =	sadd.s32 $0x2, s29  }
.LBB2_8:
0x95: {  	p1 =	seq.s32 s29, $0x4F  }
.Ltmp15:
0x96: {  	_ = 	snop;
	(pc) =	sbr.rel @p1 .LBB2_10-.Ltmp15, $4  }
.Ltmp16:
0x97: {  	_ = 	snop;
	(pc) =	sbr.rel @!p1 .LBB2_9-.Ltmp16, $4  }
0x98: {  	_ = 	snop  }
0x99: {  	_ = 	snop  }
0x9a: {  	s30 =	simm.s32 $0x50  }
0x9b: {  	_ = 	snop  }
.LBB2_21:
0x9c: {  	_ =	sfence.sel $0x180000  }
0x9d: {  	[bflag:$0x0] =	sbarrier.arrive $0xFFFF  }
0x9e: {  	_ =	strace $0x9000004A  }
0x9f: {  	s0 =	stileid.u32;
	[bflag:$0x2] =	sbarrier.arrive $0xFFFF  }
0xa0: {  	p0 =	sne.s32 s0, $0x0;
	s0 =	rddreg [dreg:$0x2]  }
0xa1: {  	s0 =	sadd.s32 @!p0 $0x100000, s0  }
0xa2: {  	[sflag:s0] =	ssyncadd.tile.s32 @!p0 $0x1;
	_ =	shalt  }
.Lfunc_end2:
_tile_overlayer_lowered:
.L_overlay_start_2:
0xa3: {  	(tag) =	ssettag $0x2  }
0xa4: {  	s0 =	rddreg [dreg:$0x0];
	s2 =	stileid.u32  }
0xa5: {  	s1 =	rddreg [dreg:$0x1];
	p0 =	sne.s32 s2, $0x0  }
0xa6: {  	s3 =	rddreg [dreg:$0x2];
	[bflag:$0x3] =	sbarrier.arrive $0xFFFF;
	s2 =	simm.s32 @!p0 $0x1C05  }
0xa7: {  	[timem:s3], [sflag:s2] =	dma.local @!p0 [hbm:s0], s1  }
0xa8: {  	s0 =	simm.s32 @!p0 $0x5  }
0xa9: {  	_ =	swait.ge @!p0 [sflag:s0], s1  }
0xaa: {  	s1 =	ssub.s32 @!p0 $0x0, s1;
	[sflag:s0] =	ssyncset.done @!p0 $0x0  }
0xab: {  	[sflag:s0] =	ssyncadd.s32 @!p0 s1  }
0xac: {  	[bflag:$0x3] =	sbarrier.arrive $0xFFFF  }
0xad: {  	_ =	shalt  }

// kernel: kernel.17.cloned.1.call-start
scs
__scs_entry_jumppad:
0x0: {  	(pc) =	sbr.rel $0x88, $3  }
0x1: {  	(tag) =	ssettag $0x0;
	lr =	simm.s32 $0x1  }
0x2: {  	[smem:$0x3F94] =	sst lr;
	_ =	strace $0xD0000000  }
0x3: {  	_ = 	snop  }
0x4: {  	_ = 	snop  }
0x5: {  	_ = 	snop  }
0x6: {  	_ = 	snop  }
0x7: {  	_ = 	snop  }
__scs_overlays_trampoline_lowered:
0x8: {  	[smem:$0x3FA3] =	sst s0  }
0x9: {  	[smem:$0x3FA4] =	sst s1  }
0xa: {  	[smem:$0x3FA5] =	sst s2  }
0xb: {  	[smem:$0x3FA6] =	sst s3  }
0xc: {  	[smem:$0x3FA7] =	sst s4  }
0xd: {  	[smem:$0x3FA8] =	sst s5  }
0xe: {  	[smem:$0x3FA9] =	sst s6  }
0xf: {  	[smem:$0x3FAA] =	sst s7  }
0x10: {  	[smem:$0x3FAB] =	sst s8  }
0x11: {  	[smem:$0x3FAC] =	sst s9;
	s0 =	simm.s32 @!p0 $0x0  }
0x12: {  	s1 =	sld [smem:$0x3F92];
	s0 =	simm.s32 @p0 $0x1  }
0x13: {  	[smem:$0x3FAD] =	sst s0;
	s0 =	simm.s32 @!p1 $0x0  }
0x14: {  	s2 =	sld [smem:$0x3F91];
	s0 =	simm.s32 @p1 $0x1  }
0x15: {  	[smem:$0x3FAE] =	sst s0;
	s0 =	simm.s32 @!p2 $0x0  }
0x16: {  	s3 =	sld [smem:$0x3FDB];
	s0 =	simm.s32 @p2 $0x1  }
0x17: {  	s4 =	simm.s32 $0x1BF5;
	[smem:$0x3FB0] =	sst s0  }
0x18: {  	s0 =	sld [smem:$0x3F93];
	_ =	swait.ge [sflag:s4], $0x0  }
0x19: {  	s7 =	sld [smem:$0x3F94]  }
0x1a: {  	s8 =	sadd.s32 $0xFFFFE003, lr  }
0x1b: {  	s9 =	sadd.s32 $0xFFFFFEF7, lr;
	s5 =	simm.s32 $0xFFFFFFFF;
	p2 =	slt.u32 s8, $0xFFFFF086  }
0x1c: {  	p1 =	slt.u32 s9, $0xF7A;
	s5 =	simm.s32 @!p2 $0x0  }
0x1d: {  	s5 =	simm.s32 @p1 $0x1;
	p0 =	seq.s32 s7, s2  }
0x1e: {  	s7 =	smul.u32 @!p0 $0xF7A, s2;
	p2 =	seq.s32 @!p0 s5, $0x0  }
0x1f: {  	s9 =	smul.u32 $0xF7A, s1;
	s8 =	simm.s32 @!p0 $0x1BF5;
	p2 =	por !p2, p0  }
0x20: {  	[sflag:s8] =	ssyncset.s32 @!p0 $0xFFFFF086;
	s6 =	sadd.s32 @!p0 s3, s7;
	s7 =	simm.s32 @!p0 $0x108  }
0x21: {  	s3 =	sadd.s32 s3, s9;
	s6 =	sadd.s32 @!p0 $0x88, s6;
	s7 =	simm.s32 @p2 $0x1082  }
0x22: {  	[simem:s7], [sflag:s8] =	dma.local @!p0 [hbm:s6], $0xF7A  }
0x23: {  	s9 =	sor.u32 $0xD0000000, s2;
	s6 =	simm.s32 $0x108;
	_ =	swait.ge @!p0 [sflag:s8], $0x0  }
0x24: {  	s3 =	sadd.s32 $0x88, s3;
	s6 =	simm.s32 @!p1 $0x1082;
	[sflag:s4] =	ssyncset.s32 $0xFFFFF086  }
0x25: {  	[simem:s6], [sflag:s4] =	dma.local [hbm:s3], $0xF7A  }
0x26: {  	[smem:$0x3F94] =	sst s1;
	(tag) =	ssettag s2;
	_ =	strace s9  }
0x27: {  	s1 =	sld [smem:$0x3FA4]  }
0x28: {  	s2 =	sld [smem:$0x3FA5]  }
0x29: {  	s4 =	sld [smem:$0x3FA7]  }
0x2a: {  	p0 =	seq.s32 s5, $0x0;
	s5 =	sld [smem:$0x3FA8]  }
0x2b: {  	s6 =	sld [smem:$0x3FA9]  }
0x2c: {  	s7 =	sld [smem:$0x3FAA]  }
0x2d: {  	s3 =	simm.s32 $0x108;
	s8 =	sld [smem:$0x3FAB]  }
0x2e: {  	s3 =	simm.s32 @!p0 $0x1082;
	s9 =	sld [smem:$0x3FAC]  }
0x2f: {  	lr =	sadd.s32 s0, s3;
	s0 =	sld [smem:$0x3FA3]  }
0x30: {  	s3 =	sld [smem:$0x3FA6]  }
0x31: {  	[smem:$0x3FAF] =	sst s10  }
0x32: {  	s10 =	sld [smem:$0x3FAD];
	_ =	sdelay $0x3  }
0x33: {  	p0 =	seq.s32 s10, $0x1;
	s10 =	sld [smem:$0x3FAF];
	_ =	sdelay $0x3  }
0x34: {  	[smem:$0x3FAF] =	sst s10  }
0x35: {  	s10 =	sld [smem:$0x3FAE];
	_ =	sdelay $0x3  }
0x36: {  	p1 =	seq.s32 s10, $0x1;
	s10 =	sld [smem:$0x3FAF];
	_ =	sdelay $0x3  }
0x37: {  	[smem:$0x3FAF] =	sst s10  }
0x38: {  	s10 =	sld [smem:$0x3FB0]  }
0x39: {  	_ = 	snop;
	(pc) =	sbr.ind lr, $3  }
0x3a: {  	_ = 	snop  }
0x3b: {  	_ = 	snop  }
0x3c: {  	p2 =	seq.s32 s10, $0x1;
	s10 =	sld [smem:$0x3FAF]  }
0x3d: {  	_ =	shalt  }
0x3e: {  	_ =	shalt  }
0x3f: {  	_ =	shalt  }
0x40: {  	_ =	shalt  }
0x41: {  	_ =	shalt  }
0x42: {  	_ =	shalt  }
0x43: {  	_ =	shalt  }
0x44: {  	_ =	shalt  }
0x45: {  	_ =	shalt  }
0x46: {  	_ =	shalt  }
0x47: {  	_ =	shalt  }
0x48: {  	_ =	shalt  }
0x49: {  	_ =	shalt  }
0x4a: {  	_ =	shalt  }
0x4b: {  	_ =	shalt  }
0x4c: {  	_ =	shalt  }
0x4d: {  	_ =	shalt  }
0x4e: {  	_ =	shalt  }
0x4f: {  	_ =	shalt  }
0x50: {  	_ =	shalt  }
0x51: {  	_ =	shalt  }
0x52: {  	_ =	shalt  }
0x53: {  	_ =	shalt  }
0x54: {  	_ =	shalt  }
0x55: {  	_ =	shalt  }
0x56: {  	_ =	shalt  }
0x57: {  	_ =	shalt  }
0x58: {  	_ =	shalt  }
0x59: {  	_ =	shalt  }
0x5a: {  	_ =	shalt  }
0x5b: {  	_ =	shalt  }
0x5c: {  	_ =	shalt  }
0x5d: {  	_ =	shalt  }
0x5e: {  	_ =	shalt  }
0x5f: {  	_ =	shalt  }
0x60: {  	_ =	shalt  }
0x61: {  	_ =	shalt  }
0x62: {  	_ =	shalt  }
0x63: {  	_ =	shalt  }
0x64: {  	_ =	shalt  }
0x65: {  	_ =	shalt  }
0x66: {  	_ =	shalt  }
0x67: {  	_ =	shalt  }
0x68: {  	_ =	shalt  }
0x69: {  	_ =	shalt  }
0x6a: {  	_ =	shalt  }
0x6b: {  	_ =	shalt  }
0x6c: {  	_ =	shalt  }
0x6d: {  	_ =	shalt  }
0x6e: {  	_ =	shalt  }
0x6f: {  	_ =	shalt  }
0x70: {  	_ =	shalt  }
0x71: {  	_ =	shalt  }
0x72: {  	_ =	shalt  }
0x73: {  	_ =	shalt  }
0x74: {  	_ =	shalt  }
0x75: {  	_ =	shalt  }
0x76: {  	_ =	shalt  }
0x77: {  	_ =	shalt  }
0x78: {  	_ =	shalt  }
0x79: {  	_ =	shalt  }
0x7a: {  	_ =	shalt  }
0x7b: {  	_ =	shalt  }
0x7c: {  	_ =	shalt  }
0x7d: {  	_ =	shalt  }
0x7e: {  	_ =	shalt  }
0x7f: {  	_ =	shalt  }
0x80: {  	_ =	shalt  }
0x81: {  	_ =	shalt  }
0x82: {  	_ =	shalt  }
0x83: {  	_ =	shalt  }
0x84: {  	_ =	shalt  }
0x85: {  	_ =	shalt  }
0x86: {  	_ =	shalt  }
0x87: {  	_ =	shalt  }
.Lfunc_end0:
.L_simem_size_0:
called_computation.2_lowered:
.L_overlay_start_0:
0x88: {  	s2 =	sld [smem:$0x3FD9]  }
0x89: {  	s3 =	sld [smem:$0x3FFE];
	_ =	sdelay $0x1  }
0x8a: {  	s1 =	srdreg.scid  }
0x8b: {  	s0 =	sand.u32 $0x1, s1  }
0x8c: {  	s16 =	sshll.u32 s0, $0xA;
	s2 =	sadd.s32 s3, s2  }
0x8d: {  	s2 =	sadd.s32 s2, s16  }
0x8e: {  	[smem:$0x3FBB] =	sst s2  }
0x8f: {  	_ = 	snop  }
0x90: {  	(tm) =	ssettm $0x1  }
0x91: {  	s17 =	sld [smem:$0x3FFB];
	_ =	sdelay $0x3  }
0x92: {  	_ =	strace s17  }
0x93: {  	s2 =	sld [smem:$0x3FFC];
	_ =	sdelay $0x3  }
0x94: {  	_ =	strace s2  }
0x95: {  	s2 =	sld [smem:$0x3FFD];
	_ =	sdelay $0x3  }
0x96: {  	_ =	strace s2  }
0x97: {  	_ =	strace $0x8FFFFFFF  }
0x98: {  	s18 =	sld [smem:$0x3FDB];
	_ =	sdelay $0x1  }
0x99: {  	s19 =	simm.s32 $_scs_section_size  }
0x9a: {  	s4 =	simm.s32 $_size__tile_overlayer_lowered;
	s5 =	simm.s32 $_tile_overlayer_lowered  }
0x9b: {  	s22 =	simm.s32 $0x1BFF;
	s21 =	sshll.u32 s5, $0x1;
	s2 =	sadd.s32 s19, s18  }
0x9c: {  	s6 =	simm.s32 $0x0;
	s20 =	sshll.u32 s4, $0x1;
	s4 =	sadd.s32 s21, s2  }
0x9d: {  	[timem:s6], [sflag:s22] =	dma.local [hbm:s4], s20  }
0x9e: {  	_ =	swait.ge [sflag:s22], s20  }
0x9f: {  	s3 =	ssub.s32 $0x0, s20;
	[sflag:s22] =	ssyncset.done $0x0  }
0xa0: {  	[sflag:s22] =	ssyncadd.s32 s3;
	_ =	sdelay $0x1  }
0xa1: {  	s23 =	simm.s32 $0x1B8B  }
0xa2: {  	_ =	swait.ge [sflag:s23], $0x1  }
0xa3: {  	[sflag:s23] =	ssyncset.done $0x0  }
0xa4: {  	s25 =	simm.s32 $0x1B8E;
	s24 =	sld [smem:$0x3FFE];
	[sflag:s23] =	ssyncadd.s32 $0xFFFFFFFF  }
0xa5: {  	s26 =	simm.s32 $execute0_lowered;
	[smem:$0x3FD2] =	sst s25  }
0xa6: {  	s4 =	sshll.u32 s26, $0x1;
	_ =	strace $0x8000004C;
	[dreg:$0x1] =	wrdreg $0xFFFFFFFF  }
0xa7: {  	s28 =	simm.s32 $_size_execute0_lowered;
	s2 =	sadd.s32 s2, s4;
	[dreg:$0x0] =	wrdreg $0x0  }
0xa8: {  	s4 =	sshll.u32 s28, $0x1;
	[dreg:$0x2] =	wrdreg s2  }
0xa9: {  	[dreg:$0x3] =	wrdreg s4  }
0xaa: {  	[dreg:$0x4] =	wrdreg $0xC0  }
0xab: {  	_ =	task [dreg:s6], $0x5FFFF  }
0xac: {  	[dreg:$0x1] =	wrdreg $0xFFFFFFFF  }
0xad: {  	[dreg:$0x0] =	wrdreg $0x60  }
0xae: {  	[dreg:$0x2] =	wrdreg s24  }
0xaf: {  	[dreg:$0x3] =	wrdreg $0xC4000  }
0xb0: {  	[dreg:$0x4] =	wrdreg $0x9  }
0xb1: {  	_ =	task.clear_ibuf [dreg:s6], $0x5FFFF;
	_ =	strace $0x9000004C  }
0xb2: {  	s29 =	simm.s32 $0x9;
	_ =	strace $0x8000004E  }
0xb3: {  	_ =	swait.ge [sflag:s29], $0x1  }
0xb4: {  	[sflag:s29] =	ssyncadd.s32 $0xFFFFFFFF  }
0xb5: {  	_ =	strace $0x9000004E  }
0xb6: {  	_ =	sfence  }
0xb7: {  	s30 =	sld [smem:$0x0];
	_ =	sdelay $0x2  }
0xb8: {  	s31 =	sshll.u32 s1, $0xD;
	s1 =	sshrl.u32 s1, $0x2  }
0xb9: {  	s3 =	sand.u32 $0x4000, s31;
	s1 =	sadd.s32 s1, s30  }
0xba: {  	s0 =	sor.u32 s3, s0;
	s1 =	sshll.u32 s1, $0x11  }
0xbb: {  	s0 =	sor.u32 s1, s0  }
0xbc: {  	s0 =	sadd.s32 $0x8F2B, s0  }
0xbd: {  	[sflag:s0] =	ssyncadd.remote.s32 $0x1  }
0xbe: {  	_ =	sfence.sel $0xFFFF  }
0xbf: {  	[dreg:$0x0] =	wrdreg $0xFFFFFFFF;
	(pc) =	sbr.abs _section_cstart, $3  }
0xc0: {  	[dreg:$0x1] =	wrdreg $0xFFFFFFFF  }
0xc1: {  	_ =	task.clear_ibuf [dreg:s6], $0x2FFFF;
	_ =	strace $0x9FFFFFFF  }
0xc2: {  	(tm) =	ssettm $0x7FFFFFFF  }
0xc3: {  	_ =	shalt  }
tec
execute0_lowered:
.L_overlay_start_1:
0x0: {  	(tag) =	ssettag $0x1  }
0x1: {  	s9 =	rddreg [dreg:$0x0]  }
0x2: {  	s1 =	rddreg [dreg:$0x1];
	s3 =	simm.s32 $0x0  }
0x3: {  	s2 =	srdreg.scid;
	s0 =	stileid.u32;
	s18 =	simm.s32 $0x5  }
0x4: {  	s19 =	simm.s32 $0x200;
	s20 =	simm.s32 $0x80;
	s21 =	simm.s32 $0x280  }
0x5: {  	s22 =	simm.s32 $0x1;
	s23 =	simm.s32 $0x400;
	s24 =	simm.s32 $0x4  }
0x6: {  	s28 =	simm.s32 $0x0;
	[smem:$0x7FF] =	sst s3;
	s11 =	sand.u32 $0x1, s2  }
0x7: {  	s4 =	sadd.s32 $0x7E00, s9;
	s12 =	smul.u32 $0x13C00, s0;
	s5 =	sadd.s32 $0x2E00, s9  }
0x8: {  	s6 =	sadd.s32 $0x86000, s9;
	s7 =	sadd.s32 $0x5EE00, s9;
	s14 =	smul.u32 $0x4F000, s0  }
0x9: {  	s8 =	sadd.s32 $0xCE00, s9;
	s29 =	sshll.u32 s0, $0x6;
	s30 =	smul.u32 $0x500, s0  }
0xa: {  	s10 =	smul.u32 $0x13C000, s11;
	_ =	strace $0x8000004D;
	s25 =	ssub.s32 $0x2, s11  }
0xb: {  	p0 =	seq.s32 s11, $0x1;
	s13 =	sshrl.u32 s25, $0x1;
	s26 =	sshrl.u32 s14, $0x2  }
0xc: {  	s11 =	sadd.s32 s4, s30;
	s31 =	sor.u32 $0x10, s30;
	s10 =	sadd.s32 s12, s10  }
.Ltmp0:
0xd: {  	s16 =	ssub.s32 s25, s13;
	s17 =	sadd.s32 s26, s1;
	(pc) =	sbr.rel .LBB2_1-.Ltmp0, $4  }
0xe: {  	s12 =	sadd.s32 s5, s30;
	s13 =	sadd.s32 s4, s31;
	s14 =	sadd.s32 s5, s31  }
0xf: {  	s25 =	simm.s32 $0x3;
	s26 =	simm.s32 $0x2;
	s10 =	sshrl.u32 s10, $0x3  }
0x10: {  	s16 =	smax.u32 s16, $0x1;
	s17 =	sshrl.u32 s17, $0x3;
	s15 =	sadd.s32 s10, s9  }
0x11: {  	s9 =	smul.u32 $0x50, s0;
	s10 =	sor.u32 $0x1C05, s29;
	s15 =	sadd.s32 $0xAD200, s15  }
.LBB2_20:
0x12: {  	_ =	swait.ge [sflag:s24], $0x4000  }
0x13: {  	[sflag:s24] =	ssyncset.done $0x0  }
0x14: {  	[sflag:s24] =	ssyncadd.s32 $0xFFFFC000  }
0x15: {  	_ =	swait.ge [sflag:s24], $0x4000  }
0x16: {  	s28 =	sadd.s32 $0x1, s28;
	[sflag:s24] =	ssyncset.done $0x0  }
0x17: {  	p1 =	sne.s32 s28, s16;
	[sflag:s24] =	ssyncadd.s32 $0xFFFFC000  }
.Ltmp1:
0x18: {  	[bflag:$0x0] =	sbarrier.arrive $0xFFFF;
	(pc) =	sbr.rel @!p1 .LBB2_21-.Ltmp1, $4  }
0x19: {  	[hbm:s15], [sflag:s10] =	dma.local [spmem:s17], $0x2780  }
0x1a: {  	_ =	swait.ge [sflag:s18], $0x2780  }
0x1b: {  	[sflag:s18] =	ssyncset.done $0x0  }
0x1c: {  	[sflag:s18] =	ssyncadd.s32 $0xFFFFD880  }
.LBB2_1:
0x1d: {  	[spmem:s17], [sflag:s10] =	dma.local [hbm:s8], $0x2780  }
0x1e: {  	_ =	swait.ge [sflag:s18], $0x2780  }
0x1f: {  	[sflag:s18] =	ssyncset.done $0x0  }
0x20: {  	[sflag:s18] =	ssyncadd.s32 $0xFFFFD880  }
0x21: {  	[bflag:$0x0] =	sbarrier.arrive $0xFFFF  }
0x22: {  	[tilespmem:s3], [sflag:$0x1] =	stream.linear.gather [hbm4b:s11+s3], $0x80, $0x38;
	v63 =	vld [tilespmem:$0x0]  }
0x23: {  	_ = 	snop  }
0x24: {  	[tilespmem:s19], [sflag:$0x2] =	stream.linear.gather [hbm4b:s12+s3], $0x80, $0x38;
	v63 =	vld [tilespmem:$0x0]  }
0x25: {  	_ = 	snop  }
0x26: {  	[tilespmem:s20], [sflag:$0x1] =	stream.linear.gather [hbm4b:s13+s3], $0x80, $0x38;
	v63 =	vld [tilespmem:$0x0]  }
.Ltmp2:
0x27: {  	_ = 	snop;
	(pc) =	sbr.rel @!p0 .LBB2_2-.Ltmp2, $4  }
0x28: {  	[tilespmem:s21], [sflag:$0x2] =	stream.linear.gather [hbm4b:s14+s3], $0x80, $0x38;
	v63 =	vld [tilespmem:$0x0]  }
0x29: {  	_ =	swait.ge [sflag:s22], $0x80  }
0x2a: {  	[sflag:s22] =	ssyncset.done $0x0  }
0x2b: {  	s29 =	simm.s32 $0x0;
	[sflag:s22] =	ssyncadd.s32 $0xFFFFFF80  }
.Ltmp3:
0x2c: {  	(pc) =	sbr.rel .LBB2_12-.Ltmp3, $2  }
0x2d: {  	_ =	sdelay $0x2  }
0x2e: {  	[tilespmem:s23], [sflag:$0x3] =	stream.indirect.gather [hbm4b:s7+s20], $0x80, s29, s20, $0xb8;
	v63 =	vld [tilespmem:$0x0]  }
.LBB2_13:
0x2f: {  	s30 =	sor.u32 $0x2, s29  }
.LBB2_16:
0x30: {  	s0 =	smul.u32 $0xAB, s30;
	_ =	sdelay $0x1  }
0x31: {  	s0 =	sshrl.u32 s0, $0x9  }
0x32: {  	s0 =	sand.u32 $0x7F, s0  }
0x33: {  	s0 =	smul.u32 $0x3, s0  }
0x34: {  	s2 =	sadd.s32 s9, s29  }
0x35: {  	s2 =	sshll.u32 s2, $0x4;
	s0 =	ssub.s32 s30, s0  }
0x36: {  	s2 =	sadd.s32 $0x20, s2;
	s0 =	sand.u32 $0xFF, s0  }
0x37: {  	s31 =	sadd.s32 s4, s2;
	s0 =	sshll.u32 s0, $0x7  }
0x38: {  	[tilespmem:s0], [sflag:$0x1] =	stream.linear.gather [hbm4b:s31+s3], $0x80, $0x38;
	v63 =	vld [tilespmem:$0x0]  }
0x39: {  	s31 =	sshll.u32 s30, $0x7  }
0x3a: {  	s0 =	sand.u32 $0x180, s31  }
0x3b: {  	s2 =	sadd.s32 s5, s2;
	s0 =	sor.u32 $0x200, s0  }
0x3c: {  	[tilespmem:s0], [sflag:$0x2] =	stream.linear.gather [hbm4b:s2+s3], $0x80, $0x38;
	v63 =	vld [tilespmem:$0x0]  }
.LBB2_18:
0x3d: {  	s30 =	sadd.s32 $0x1, s29  }
0x3e: {  	s0 =	smul.u32 $0xAB, s30;
	_ =	sdelay $0x1  }
0x3f: {  	s0 =	sshrl.u32 s0, $0x9  }
0x40: {  	s0 =	sand.u32 $0x7F, s0  }
0x41: {  	s0 =	smul.u32 $0x3, s0;
	_ =	sdelay $0x1  }
0x42: {  	s0 =	ssub.s32 s30, s0  }
0x43: {  	_ =	swait.ge [sflag:s22], $0x80;
	s0 =	sand.u32 $0xFF, s0  }
0x44: {  	[sflag:s22] =	ssyncset.done $0x0;
	s2 =	sshll.u32 s0, $0xE  }
0x45: {  	[sflag:s22] =	ssyncadd.s32 $0xFFFFFF80;
	s0 =	sshll.u32 s0, $0x7;
	s2 =	sor.u32 $0x400, s2  }
0x46: {  	[tilespmem:s2], [sflag:$0x3] =	stream.indirect.gather [hbm4b:s7+s20], $0x80, s0, s20, $0xb8;
	v63 =	vld [tilespmem:$0x0]  }
.LBB2_19:
0x47: {  	s0 =	smul.u32 $0xAB, s29;
	_ =	sdelay $0x1  }
0x48: {  	s0 =	sshrl.u32 s0, $0x9  }
0x49: {  	s0 =	sand.u32 $0x7F, s0  }
0x4a: {  	_ =	swait.ge [sflag:s25], $0x4000;
	s0 =	smul.u32 $0x3, s0  }
0x4b: {  	s2 =	sshll.u32 s29, $0x7;
	p1 =	slt.u32 s30, $0x50;
	[sflag:s25] =	ssyncset.done $0x0  }
.Ltmp4:
0x4c: {  	[sflag:s25] =	ssyncadd.s32 $0xFFFFC000;
	s0 =	ssub.s32 s29, s0;
	(pc) =	sbr.rel @!p1 .LBB2_20-.Ltmp4, $4  }
0x4d: {  	s2 =	sand.u32 $0x180, s2;
	_ =	swait.ge [sflag:s26], $0x80;
	s0 =	sand.u32 $0xFF, s0  }
0x4e: {  	s2 =	sor.u32 $0x200, s2;
	[sflag:s26] =	ssyncset.done $0x0;
	s0 =	sshll.u32 s0, $0xE  }
0x4f: {  	[sflag:s26] =	ssyncadd.s32 $0xFFFFFF80;
	s29 =	smov.u32 s30;
	s0 =	sor.u32 $0x400, s0  }
0x50: {  	[spmem:s1] =	stream.indirect.scatter.add.f32 [tilespmem:s0], [sflag:$0x4], $0x80, s2, s20, $0xb8;
	v63 =	vld [tilespmem:$0x0]  }
.LBB2_12:
0x51: {  	p1 =	sgt.u32 s29, $0x1  }
.Ltmp5:
0x52: {  	_ = 	snop;
	(pc) =	sbr.rel @!p1 .LBB2_13-.Ltmp5, $1  }
0x53: {  	_ =	sdelay $0x3  }
0x54: {  	p1 =	sgt.u32 s29, $0x4D  }
.Ltmp6:
0x55: {  	_ = 	snop;
	(pc) =	sbr.rel @p1 .LBB2_17-.Ltmp6, $4  }
0x56: {  	_ = 	snop  }
0x57: {  	_ =	swait.ge [sflag:s24], $0x4000  }
0x58: {  	[sflag:s24] =	ssyncset.done $0x0  }
0x59: {  	[sflag:s24] =	ssyncadd.s32 $0xFFFFC000  }
.Ltmp7:
0x5a: {  	(pc) =	sbr.rel .LBB2_16-.Ltmp7, $2  }
0x5b: {  	_ =	sdelay $0x2  }
0x5c: {  	s30 =	sadd.s32 $0x2, s29  }
.LBB2_17:
0x5d: {  	p1 =	seq.s32 s29, $0x4F  }
.Ltmp8:
0x5e: {  	_ = 	snop;
	(pc) =	sbr.rel @p1 .LBB2_19-.Ltmp8, $4  }
.Ltmp9:
0x5f: {  	_ = 	snop;
	(pc) =	sbr.rel @!p1 .LBB2_18-.Ltmp9, $4  }
0x60: {  	_ = 	snop  }
0x61: {  	_ = 	snop  }
0x62: {  	s30 =	simm.s32 $0x50  }
0x63: {  	_ = 	snop  }
.LBB2_2:
.Ltmp10:
0x64: {  	(pc) =	sbr.rel .LBB2_3-.Ltmp10, $2  }
0x65: {  	_ =	sdelay $0x2  }
0x66: {  	[tilespmem:s23], [sflag:$0x3] =	stream.indirect.gather [hbm4b:s6+s20], $0x80, s29, s20, $0xb8;
	v63 =	vld [tilespmem:$0x0]  }
.LBB2_4:
0x67: {  	s30 =	sor.u32 $0x2, s29  }
.LBB2_7:
0x68: {  	s31 =	smul.u32 $0xAB, s30;
	_ =	sdelay $0x1  }
0x69: {  	s31 =	sshrl.u32 s31, $0x9  }
0x6a: {  	s31 =	sand.u32 $0x7F, s31  }
0x6b: {  	s31 =	smul.u32 $0x3, s31  }
0x6c: {  	s0 =	sadd.s32 s9, s29  }
0x6d: {  	s0 =	sshll.u32 s0, $0x4;
	s31 =	ssub.s32 s30, s31  }
0x6e: {  	s0 =	sadd.s32 $0x20, s0;
	s31 =	sand.u32 $0xFF, s31  }
0x6f: {  	s2 =	sadd.s32 s4, s0;
	s31 =	sshll.u32 s31, $0x7  }
0x70: {  	[tilespmem:s31], [sflag:$0x1] =	stream.linear.gather [hbm4b:s2+s3], $0x80, $0x38;
	v63 =	vld [tilespmem:$0x0]  }
0x71: {  	s31 =	sshll.u32 s30, $0x7  }
0x72: {  	s2 =	sand.u32 $0x180, s31  }
0x73: {  	s0 =	sadd.s32 s5, s0;
	s2 =	sor.u32 $0x200, s2  }
0x74: {  	[tilespmem:s2], [sflag:$0x2] =	stream.linear.gather [hbm4b:s0+s3], $0x80, $0x38;
	v63 =	vld [tilespmem:$0x0]  }
.LBB2_9:
0x75: {  	s30 =	sadd.s32 $0x1, s29  }
0x76: {  	s0 =	smul.u32 $0xAB, s30;
	_ =	sdelay $0x1  }
0x77: {  	s0 =	sshrl.u32 s0, $0x9  }
0x78: {  	s0 =	sand.u32 $0x7F, s0  }
0x79: {  	s0 =	smul.u32 $0x3, s0;
	_ =	sdelay $0x1  }
0x7a: {  	s0 =	ssub.s32 s30, s0  }
0x7b: {  	_ =	swait.ge [sflag:s22], $0x80;
	s0 =	sand.u32 $0xFF, s0  }
0x7c: {  	[sflag:s22] =	ssyncset.done $0x0;
	s2 =	sshll.u32 s0, $0xE  }
0x7d: {  	[sflag:s22] =	ssyncadd.s32 $0xFFFFFF80;
	s0 =	sshll.u32 s0, $0x7;
	s2 =	sor.u32 $0x400, s2  }
0x7e: {  	[tilespmem:s2], [sflag:$0x3] =	stream.indirect.gather [hbm4b:s6+s20], $0x80, s0, s20, $0xb8;
	v63 =	vld [tilespmem:$0x0]  }
.LBB2_10:
0x7f: {  	s0 =	smul.u32 $0xAB, s29;
	_ =	sdelay $0x1  }
0x80: {  	s0 =	sshrl.u32 s0, $0x9  }
0x81: {  	s0 =	sand.u32 $0x7F, s0  }
0x82: {  	_ =	swait.ge [sflag:s25], $0x4000;
	s0 =	smul.u32 $0x3, s0  }
0x83: {  	s2 =	sshll.u32 s29, $0x7;
	p1 =	slt.u32 s30, $0x50;
	[sflag:s25] =	ssyncset.done $0x0  }
.Ltmp11:
0x84: {  	[sflag:s25] =	ssyncadd.s32 $0xFFFFC000;
	s0 =	ssub.s32 s29, s0;
	(pc) =	sbr.rel @!p1 .LBB2_20-.Ltmp11, $4  }
0x85: {  	s2 =	sand.u32 $0x180, s2;
	_ =	swait.ge [sflag:s26], $0x80;
	s0 =	sand.u32 $0xFF, s0  }
0x86: {  	s2 =	sor.u32 $0x200, s2;
	[sflag:s26] =	ssyncset.done $0x0;
	s0 =	sshll.u32 s0, $0xE  }
0x87: {  	[sflag:s26] =	ssyncadd.s32 $0xFFFFFF80;
	s29 =	smov.u32 s30;
	s0 =	sor.u32 $0x400, s0  }
0x88: {  	[spmem:s1] =	stream.indirect.scatter.add.f32 [tilespmem:s0], [sflag:$0x4], $0x80, s2, s20, $0xb8;
	v63 =	vld [tilespmem:$0x0]  }
.LBB2_3:
0x89: {  	p1 =	sgt.u32 s29, $0x1  }
.Ltmp12:
0x8a: {  	_ = 	snop;
	(pc) =	sbr.rel @!p1 .LBB2_4-.Ltmp12, $1  }
0x8b: {  	_ =	sdelay $0x3  }
0x8c: {  	p1 =	sgt.u32 s29, $0x4D  }
.Ltmp13:
0x8d: {  	_ = 	snop;
	(pc) =	sbr.rel @p1 .LBB2_8-.Ltmp13, $4  }
0x8e: {  	_ = 	snop  }
0x8f: {  	_ =	swait.ge [sflag:s24], $0x4000  }
0x90: {  	[sflag:s24] =	ssyncset.done $0x0  }
0x91: {  	[sflag:s24] =	ssyncadd.s32 $0xFFFFC000  }
.Ltmp14:
0x92: {  	(pc) =	sbr.rel .LBB2_7-.Ltmp14, $2  }
0x93: {  	_ =	sdelay $0x2  }
0x94: {  	s30 =	sadd.s32 $0x2, s29  }
.LBB2_8:
0x95: {  	p1 =	seq.s32 s29, $0x4F  }
.Ltmp15:
0x96: {  	_ = 	snop;
	(pc) =	sbr.rel @p1 .LBB2_10-.Ltmp15, $4  }
.Ltmp16:
0x97: {  	_ = 	snop;
	(pc) =	sbr.rel @!p1 .LBB2_9-.Ltmp16, $4  }
0x98: {  	_ = 	snop  }
0x99: {  	_ = 	snop  }
0x9a: {  	s30 =	simm.s32 $0x50  }
0x9b: {  	_ = 	snop  }
.LBB2_21:
0x9c: {  	_ =	sfence.sel $0x180000  }
0x9d: {  	[bflag:$0x0] =	sbarrier.arrive $0xFFFF  }
0x9e: {  	_ =	strace $0x9000004D  }
0x9f: {  	s0 =	stileid.u32;
	[bflag:$0x2] =	sbarrier.arrive $0xFFFF  }
0xa0: {  	p0 =	sne.s32 s0, $0x0;
	s0 =	rddreg [dreg:$0x2]  }
0xa1: {  	s0 =	sadd.s32 @!p0 $0x100000, s0  }
0xa2: {  	[sflag:s0] =	ssyncadd.tile.s32 @!p0 $0x1;
	_ =	shalt  }
.Lfunc_end2:
_tile_overlayer_lowered:
.L_overlay_start_2:
0xa3: {  	(tag) =	ssettag $0x2  }
0xa4: {  	s0 =	rddreg [dreg:$0x0];
	s2 =	stileid.u32  }
0xa5: {  	s1 =	rddreg [dreg:$0x1];
	p0 =	sne.s32 s2, $0x0  }
0xa6: {  	s3 =	rddreg [dreg:$0x2];
	[bflag:$0x3] =	sbarrier.arrive $0xFFFF;
	s2 =	simm.s32 @!p0 $0x1C05  }
0xa7: {  	[timem:s3], [sflag:s2] =	dma.local @!p0 [hbm:s0], s1  }
0xa8: {  	s0 =	simm.s32 @!p0 $0x5  }
0xa9: {  	_ =	swait.ge @!p0 [sflag:s0], s1  }
0xaa: {  	s1 =	ssub.s32 @!p0 $0x0, s1;
	[sflag:s0] =	ssyncset.done @!p0 $0x0  }
0xab: {  	[sflag:s0] =	ssyncadd.s32 @!p0 s1  }
0xac: {  	[bflag:$0x3] =	sbarrier.arrive $0xFFFF  }
0xad: {  	_ =	shalt  }

</sc_bundles>
